<compile_context>
chip_gen: v7x
topology: tpu7x:2x2x1
jax: 0.10.2.dev20260603
libtpu: 0.0.44.dev20260713+nightly
codegen_flags: <defaults>
</compile_context>

<pallas_src>
import jax
import jax.numpy as jnp
from jax import lax
from jax.experimental import pallas as pl
from jax.experimental.pallas import tpu as pltpu
from jax.experimental.pallas import tpu_sc as plsc

N_NODES = 10000
N_PAD = 10240
E = 160000
E_PAD = 163840
CHUNK = 128
N_CHUNKS = E_PAD // (16 * CHUNK)

ROW_BLK = 1024
GRID = N_PAD // ROW_BLK


def _l1_body(a0, a1, d0, d1, x, wl, wr, b1, h0, h1, h2, h3):
    deg = d0[...][:, :1] + d1[...][:, :1]
    r = 1.0 / jnp.maximum(deg, 1.0)
    acc = jnp.dot(a0[...] * r, wl[0:128, :], preferred_element_type=jnp.float32)
    acc += jnp.dot(a1[...] * r, wl[128:256, :], preferred_element_type=jnp.float32)
    acc += jnp.dot(x[...], wr[...], preferred_element_type=jnp.float32)
    h = jnp.maximum(acc + b1[...], 0.0)
    h0[...] = h[:, 0:128]
    h1[...] = h[:, 128:256]
    h2[...] = h[:, 256:384]
    h3[...] = h[:, 384:512]


def _layer1_tc(a0, a1, deg0, deg1, xp, W1_l, W1_r, b1):
    blk = lambda c: pl.BlockSpec((ROW_BLK, c), lambda i: (i, 0))
    whole = lambda s: pl.BlockSpec(s, lambda i: (0, 0))
    hs = jax.ShapeDtypeStruct((N_PAD, 128), jnp.float32)
    return pl.pallas_call(
        _l1_body,
        grid=(GRID,),
        in_specs=[blk(128), blk(128), blk(128), blk(128), blk(256),
                  whole((256, 512)), whole((256, 512)), whole((1, 512))],
        out_specs=[blk(128)] * 4,
        out_shape=[hs, hs, hs, hs],
    )(a0, a1, deg0, deg1, xp, W1_l, W1_r, b1.reshape(1, 512))


def _l2_body(a0, a1, a2, a3, d0, d1, h0, h1, h2, h3, wl, wr, b2, wc, bc, out):
    deg = d0[...][:, :1] + d1[...][:, :1]
    r = 1.0 / jnp.maximum(deg, 1.0)
    m = jnp.concatenate([a0[...] * r, a1[...] * r, a2[...] * r, a3[...] * r],
                        axis=1)
    h = jnp.concatenate([h0[...], h1[...], h2[...], h3[...]], axis=1)
    acc = jnp.dot(m, wl[...], preferred_element_type=jnp.float32)
    acc += jnp.dot(h, wr[...], preferred_element_type=jnp.float32)
    z = jnp.maximum(acc + b2[...], 0.0)
    o = jnp.dot(z, wc[...], preferred_element_type=jnp.float32) + bc[...]
    out[...] = jax.nn.sigmoid(o)


def _layer2_tc(aggs, deg0, deg1, hsplit, W2_l, W2_r, b2, Wc, bc):
    blk = lambda c: pl.BlockSpec((ROW_BLK, c), lambda i: (i, 0))
    whole = lambda s: pl.BlockSpec(s, lambda i: (0, 0))
    wc_pad = jnp.zeros((512, 128), jnp.float32).at[:, :16].set(Wc)
    bc_pad = jnp.zeros((1, 128), jnp.float32).at[0, :16].set(bc)
    return pl.pallas_call(
        _l2_body,
        grid=(GRID,),
        in_specs=[blk(128)] * 4 + [blk(128), blk(128)] + [blk(128)] * 4 +
                 [whole((512, 512)), whole((512, 512)), whole((1, 512)),
                  whole((512, 128)), whole((1, 128))],
        out_specs=blk(128),
        out_shape=jax.ShapeDtypeStruct((N_PAD, 128), jnp.float32),
    )(*aggs, deg0, deg1, *hsplit, W2_l, W2_r, b2.reshape(1, 512),
      wc_pad, bc_pad)


_SC_MESH = plsc.VectorSubcoreMesh(core_axis_name="c", subcore_axis_name="s")
_RPS = N_PAD // 16
_DEG_SPLIT = N_CHUNKS // 2


def _edge_pass(xb_h, idx_s, rows0, rows1, idx0, idx1, acc,
               semr0, semr1, semi0, semi1):
    npairs = N_CHUNKS // 2

    pltpu.sync_copy(idx_s.at[0], idx0)
    pltpu.async_copy(xb_h.at[idx0.at[0]], rows0, semr0)

    def body(p, carry):
        k1 = 2 * p + 1
        pltpu.sync_copy(idx_s.at[k1], idx1)
        pltpu.async_copy(xb_h.at[idx1.at[0]], rows1, semr1)
        pltpu.make_async_copy(xb_h.at[idx0.at[0]], rows0, semr0).wait()
        pltpu.sync_copy(rows0, acc.at[idx0.at[1]], add=True)
        k2 = jnp.minimum(2 * p + 2, N_CHUNKS - 2)
        pltpu.sync_copy(idx_s.at[k2], idx0)
        pltpu.async_copy(xb_h.at[idx0.at[0]], rows0, semr0)
        pltpu.make_async_copy(xb_h.at[idx1.at[0]], rows1, semr1).wait()
        pltpu.sync_copy(rows1, acc.at[idx1.at[1]], add=True)
        return carry

    lax.fori_loop(0, npairs, body, 0, unroll=False)
    pltpu.make_async_copy(xb_h.at[idx0.at[0]], rows0, semr0).wait()


def _sc_agg1_body(x0, x1, idx_h, zrows,
                  agg0_o, agg1_o,
                  rows0, rows1, idx0, idx1, acc,
                  semr0, semr1, semi0, semi1):
    c = lax.axis_index("c")
    s = lax.axis_index("s")
    base = s * _RPS
    idx_s = idx_h.at[s]

    pltpu.sync_copy(zrows, acc.at[pl.ds(base, _RPS)])
    plsc.subcore_barrier()

    @pl.when(c == 0)
    def _():
        _edge_pass(x0, idx_s, rows0, rows1, idx0, idx1, acc,
                   semr0, semr1, semi0, semi1)

    @pl.when(c == 1)
    def _():
        _edge_pass(x1, idx_s, rows0, rows1, idx0, idx1, acc,
                   semr0, semr1, semi0, semi1)

    plsc.subcore_barrier()

    @pl.when(c == 0)
    def _():
        pltpu.sync_copy(acc.at[pl.ds(base, _RPS)],
                        agg0_o.at[pl.ds(base, _RPS)])

    @pl.when(c == 1)
    def _():
        pltpu.sync_copy(acc.at[pl.ds(base, _RPS)],
                        agg1_o.at[pl.ds(base, _RPS)])


def _sc_agg1(x0, x1, idx3, zrows):
    f = pl.kernel(
        _sc_agg1_body,
        out_type=[jax.ShapeDtypeStruct((N_PAD, 128), jnp.float32),
                  jax.ShapeDtypeStruct((N_PAD, 128), jnp.float32)],
        mesh=_SC_MESH,
        scratch_types=[
            pltpu.VMEM((CHUNK, 128), jnp.float32),
            pltpu.VMEM((CHUNK, 128), jnp.float32),
            pltpu.VMEM((2, CHUNK), jnp.int32),
            pltpu.VMEM((2, CHUNK), jnp.int32),
            pltpu.VMEM_SHARED((N_PAD, 128), jnp.float32),
            pltpu.SemaphoreType.DMA,
            pltpu.SemaphoreType.DMA,
            pltpu.SemaphoreType.DMA,
            pltpu.SemaphoreType.DMA,
        ],
    )
    return f(x0, x1, idx3, zrows)


def _sc_deg_body(idx_h, zrows, ones_h, deg0_o, deg1_o,
                 idxb, onesb, dega):
    c = lax.axis_index("c")
    s = lax.axis_index("s")
    base = s * _RPS
    idx_s = idx_h.at[s]
    pltpu.sync_copy(ones_h, onesb)
    pltpu.sync_copy(zrows, dega.at[pl.ds(base, _RPS)])
    plsc.subcore_barrier()

    def chunk(k, carry):
        pltpu.sync_copy(idx_s.at[k], idxb)
        pltpu.sync_copy(onesb, dega.at[idxb.at[1]], add=True)
        return carry

    @pl.when(c == 0)
    def _():
        lax.fori_loop(0, _DEG_SPLIT, chunk, 0, unroll=False)

    @pl.when(c == 1)
    def _():
        lax.fori_loop(_DEG_SPLIT, N_CHUNKS, chunk, 0, unroll=False)

    plsc.subcore_barrier()

    @pl.when(c == 0)
    def _():
        pltpu.sync_copy(dega.at[pl.ds(base, _RPS)],
                        deg0_o.at[pl.ds(base, _RPS)])

    @pl.when(c == 1)
    def _():
        pltpu.sync_copy(dega.at[pl.ds(base, _RPS)],
                        deg1_o.at[pl.ds(base, _RPS)])


def _sc_deg(idx3, zrows, ones_h):
    ds128 = jax.ShapeDtypeStruct((N_PAD, 128), jnp.float32)
    f = pl.kernel(
        _sc_deg_body,
        out_type=[ds128, ds128],
        mesh=_SC_MESH,
        scratch_types=[
            pltpu.VMEM((2, CHUNK), jnp.int32),
            pltpu.VMEM((CHUNK, 128), jnp.float32),
            pltpu.VMEM_SHARED((N_PAD, 128), jnp.float32),
        ],
    )
    return f(idx3, zrows, ones_h)


def _sc_agg2_body(h0, h1, h2, h3, idx_h, zrows,
                  o0, o1, o2, o3,
                  rows0, rows1, idx0, idx1, acc,
                  semr0, semr1, semi0, semi1):
    c = lax.axis_index("c")
    s = lax.axis_index("s")
    base = s * _RPS
    idx_s = idx_h.at[s]

    def one_pass(hb_h, out_h):
        pltpu.sync_copy(zrows, acc.at[pl.ds(base, _RPS)])
        plsc.subcore_barrier()
        _edge_pass(hb_h, idx_s, rows0, rows1, idx0, idx1, acc,
                   semr0, semr1, semi0, semi1)
        plsc.subcore_barrier()
        pltpu.sync_copy(acc.at[pl.ds(base, _RPS)], out_h.at[pl.ds(base, _RPS)])
        plsc.subcore_barrier()

    @pl.when(c == 0)
    def _():
        one_pass(h0, o0)
        one_pass(h2, o2)

    @pl.when(c == 1)
    def _():
        one_pass(h1, o1)
        one_pass(h3, o3)


def _sc_agg2(hsplit, idx3, zrows):
    hs = jax.ShapeDtypeStruct((N_PAD, 128), jnp.float32)
    f = pl.kernel(
        _sc_agg2_body,
        out_type=[hs, hs, hs, hs],
        mesh=_SC_MESH,
        scratch_types=[
            pltpu.VMEM((CHUNK, 128), jnp.float32),
            pltpu.VMEM((CHUNK, 128), jnp.float32),
            pltpu.VMEM((2, CHUNK), jnp.int32),
            pltpu.VMEM((2, CHUNK), jnp.int32),
            pltpu.VMEM_SHARED((N_PAD, 128), jnp.float32),
            pltpu.SemaphoreType.DMA,
            pltpu.SemaphoreType.DMA,
            pltpu.SemaphoreType.DMA,
            pltpu.SemaphoreType.DMA,
        ],
    )
    return f(*hsplit, idx3, zrows)


def _prep_edges(edge_index):
    ei = edge_index.astype(jnp.int32)
    pad = jnp.arange(E_PAD - E, dtype=jnp.int32)
    src = jnp.concatenate([ei[0], pad % 128])
    dst = jnp.concatenate([ei[1], N_NODES + pad % (N_PAD - N_NODES)])
    src3 = src.reshape(16, N_CHUNKS, CHUNK)
    dst3 = dst.reshape(16, N_CHUNKS, CHUNK)
    return jnp.stack([src3, dst3], axis=2)


def kernel(x, edge_index, W1_l, W1_r, b1, W2_l, W2_r, b2, Wc, bc):
    idx3 = _prep_edges(edge_index)

    xp = jnp.pad(x, ((0, N_PAD - N_NODES), (0, 0)))
    x0, x1 = xp[:, :128], xp[:, 128:]
    zrows = jnp.zeros((_RPS, 128), jnp.float32)
    ones_h = jnp.ones((CHUNK, 128), jnp.float32)

    deg0, deg1 = _sc_deg(idx3, zrows, ones_h)
    a0, a1 = _sc_agg1(x0, x1, idx3, zrows)

    hsplit = _layer1_tc(a0, a1, deg0, deg1, xp, W1_l, W1_r, b1)

    aggs2 = _sc_agg2(hsplit, idx3, zrows)

    out = _layer2_tc(aggs2, deg0, deg1, hsplit, W2_l, W2_r, b2, Wc, bc)
    return out[:N_NODES, :16]

# --- scband reference (transcript-rebuilt; emitter-appended) ---
"""Pipeline reference for scband-graph-sage-14791867368104 (READ-ONLY COPY).

The authoritative reference and input builder live on the scoring server;
editing this copy changes nothing except your own understanding.
"""

import jax, jax.numpy as jnp
import numpy as np

N_NODES = 10000
N_EDGES = 160000
IN_CH = 256
HID_CH = 512
OUT_CH = 16


def sage_conv(x, edge_index, W_l, W_r, b):
    # PyG-style SAGEConv with mean aggregation:
    # out = lin_l(mean_{j in N(i)} x_j) + lin_r(x_i)
    src = edge_index[0]
    dst = edge_index[1]
    msgs = x[src]
    agg = jax.ops.segment_sum(msgs, dst, num_segments=x.shape[0])
    deg = jax.ops.segment_sum(jnp.ones((edge_index.shape[1],), dtype=x.dtype), dst, num_segments=x.shape[0])
    mean_agg = agg / jnp.clip(deg, 1.0, None)[:, None]
    return mean_agg @ W_l + x @ W_r + b


def setup_inputs(seed: int = 0) -> dict:
    key = jax.random.key(seed)
    ks = jax.random.split(key, 10)
    x = jax.random.normal(ks[0], (N_NODES, IN_CH), dtype=jnp.float32)
    edge_index = jax.random.randint(ks[1], (2, N_EDGES), 0, N_NODES, dtype=jnp.int64)
    s1 = 1.0 / np.sqrt(IN_CH)
    s2 = 1.0 / np.sqrt(HID_CH)
    W1_l = jax.random.uniform(ks[2], (IN_CH, HID_CH), minval=-s1, maxval=s1, dtype=jnp.float32)
    W1_r = jax.random.uniform(ks[3], (IN_CH, HID_CH), minval=-s1, maxval=s1, dtype=jnp.float32)
    b1 = jnp.zeros((HID_CH,), dtype=jnp.float32)
    W2_l = jax.random.uniform(ks[4], (HID_CH, HID_CH), minval=-s2, maxval=s2, dtype=jnp.float32)
    W2_r = jax.random.uniform(ks[5], (HID_CH, HID_CH), minval=-s2, maxval=s2, dtype=jnp.float32)
    b2 = jnp.zeros((HID_CH,), dtype=jnp.float32)
    Wc = jax.random.uniform(ks[6], (HID_CH, OUT_CH), minval=-s2, maxval=s2, dtype=jnp.float32)
    bc = jnp.zeros((OUT_CH,), dtype=jnp.float32)
    return {
        "x": x, "edge_index": edge_index,
        "W1_l": W1_l, "W1_r": W1_r, "b1": b1,
        "W2_l": W2_l, "W2_r": W2_r, "b2": b2,
        "Wc": Wc, "bc": bc,
    }


def reference(x, edge_index, W1_l, W1_r, b1, W2_l, W2_r, b2, Wc, bc):
    h = sage_conv(x, edge_index, W1_l, W1_r, b1)
    h = jax.nn.relu(h)
    # dropout p=0.5 is identity in eval mode (training=False)
    h = sage_conv(h, edge_index, W2_l, W2_r, b2)
    h = jax.nn.relu(h)
    out = h @ Wc + bc
    return jax.nn.sigmoid(out)

if __name__ == "__main__":
    import jax
    _d = setup_inputs()
    print(jax.jit(kernel)(*tuple(_d.values())))

</pallas_src>

<mosaic_0001>
#map = affine_map<(d0, d1) -> (0, 0)>
#map1 = affine_map<(d0, d1) -> (0, 0, 0, 0)>
module attributes {stable_mosaic.version = 14 : i64} {
  func.func @_sc_agg1_body(%arg0: i32, %arg1: i32, %arg2: memref<10240x128xf32, #tpu.memory_space<hbm>>, %arg3: memref<10240x128xf32, #tpu.memory_space<hbm>>, %arg4: memref<16x80x2x128xi32, #tpu.memory_space<hbm>>, %arg5: memref<640x128xf32, #tpu.memory_space<hbm>>, %arg6: memref<10240x128xf32, #tpu.memory_space<hbm>>, %arg7: memref<10240x128xf32, #tpu.memory_space<hbm>>, %arg8: memref<128x128xf32, #tpu.memory_space<vmem>>, %arg9: memref<128x128xf32, #tpu.memory_space<vmem>>, %arg10: memref<2x128xi32, #tpu.memory_space<vmem>>, %arg11: memref<2x128xi32, #tpu.memory_space<vmem>>, %arg12: memref<10240x128xf32, #tpu.memory_space<vmem_shared>>, %arg13: memref<!tpu.dma_semaphore, #tpu.memory_space<semaphore_mem>>, %arg14: memref<!tpu.dma_semaphore, #tpu.memory_space<semaphore_mem>>, %arg15: memref<!tpu.dma_semaphore, #tpu.memory_space<semaphore_mem>>, %arg16: memref<!tpu.dma_semaphore, #tpu.memory_space<semaphore_mem>>) attributes {dimension_semantics = [#tpu.dimension_semantics<core_parallel>, #tpu.dimension_semantics<subcore_parallel>], iteration_bounds = array<i64: 2, 16>, scalar_prefetch = 0 : i64, scratch_operands = 9 : i64, tpu.core_type = #tpu.core_type<sc_vector_subcore>, window_params = [{transform_indices = #map}, {transform_indices = #map}, {transform_indices = #map1}, {transform_indices = #map}, {transform_indices = #map}, {transform_indices = #map}]} {
    %mul3A = arith.constant 640 : i32
    %mul3A_0 = arith.muli %arg1, %mul3A : i32
    "tpu.region"() ({
      %run_scoped3A = tpu.sem_alloc : memref<!tpu.dma_semaphore, #tpu.memory_space<semaphore_mem>>
      %dma_start3A = arith.constant 0 : i32
      %dma_start3A_19 = tpu.memref_slice %arg12[%mul3A_0, %dma_start3A] : memref<10240x128xf32, #tpu.memory_space<vmem_shared>> -> memref<640x128xf32, #tpu.memory_space<vmem_shared>>
      tpu.enqueue_dma source(%arg5 : memref<640x128xf32, #tpu.memory_space<hbm>>) target(%dma_start3A_19 : memref<640x128xf32, #tpu.memory_space<vmem_shared>>) target_semaphore(%run_scoped3A : memref<!tpu.dma_semaphore, #tpu.memory_space<semaphore_mem>>)
      %dma_wait3A = arith.constant 0 : i32
      %dma_wait3A_20 = tpu.memref_slice %arg12[%mul3A_0, %dma_wait3A] : memref<10240x128xf32, #tpu.memory_space<vmem_shared>> -> memref<640x128xf32, #tpu.memory_space<vmem_shared>>
      tpu.wait_dma2 semaphore(%run_scoped3A : memref<!tpu.dma_semaphore, #tpu.memory_space<semaphore_mem>>) src(%arg5 : memref<640x128xf32, #tpu.memory_space<hbm>>) dst(%dma_wait3A_20 : memref<640x128xf32, #tpu.memory_space<vmem_shared>>)
      tpu.yield
    }) : () -> ()
    %barrier3A = arith.constant 0 : index
    tpu.barrier barrier_id(%barrier3A)
    %eq3A = arith.constant 0 : i32
    %eq3A_1 = arith.cmpi eq, %arg0, %eq3A : i32
    %convert_element_type3A = arith.extui %eq3A_1 : i1 to i32
    %cond3A = arith.constant 0 : i32
    %cond3A_2 = arith.cmpi ne, %convert_element_type3A, %cond3A : i32
    scf.if %cond3A_2 {
      %run_scoped3A = arith.constant 0 : i32
      "tpu.region"() ({
        %run_scoped3A_36 = tpu.sem_alloc : memref<!tpu.dma_semaphore, #tpu.memory_space<semaphore_mem>>
        %dma_start3A_37 = arith.constant 0 : i32
        %dma_start3A_38 = arith.constant 0 : i32
        %dma_start3A_39 = arith.constant 0 : i32
        %dma_start3A_40 = tpu.memref_slice %arg4[%arg1, %dma_start3A_37, %dma_start3A_38, %dma_start3A_39] : memref<16x80x2x128xi32, #tpu.memory_space<hbm>> -> memref<1x80x2x128xi32, #tpu.memory_space<hbm>>
        %dma_start3A_41 = tpu.memref_squeeze %dma_start3A_40 : memref<1x80x2x128xi32, #tpu.memory_space<hbm>> -> memref<80x2x128xi32, #tpu.memory_space<hbm>>
        %dma_start3A_42 = arith.constant 0 : i32
        %dma_start3A_43 = arith.constant 0 : i32
        %dma_start3A_44 = tpu.memref_slice %dma_start3A_41[%run_scoped3A, %dma_start3A_42, %dma_start3A_43] : memref<80x2x128xi32, #tpu.memory_space<hbm>> -> memref<1x2x128xi32, #tpu.memory_space<hbm>>
        %dma_start3A_45 = tpu.memref_squeeze %dma_start3A_44 : memref<1x2x128xi32, #tpu.memory_space<hbm>> -> memref<2x128xi32, #tpu.memory_space<hbm>>
        %dma_start3A_46 = arith.constant 0 : i32
        %dma_start3A_47 = arith.constant 0 : i32
        %dma_start3A_48 = arith.constant 0 : i32
        %dma_start3A_49 = tpu.memref_slice %arg4[%arg1, %dma_start3A_46, %dma_start3A_47, %dma_start3A_48] : memref<16x80x2x128xi32, #tpu.memory_space<hbm>> -> memref<1x80x2x128xi32, #tpu.memory_space<hbm>>
        %dma_start3A_50 = tpu.memref_squeeze %dma_start3A_49 : memref<1x80x2x128xi32, #tpu.memory_space<hbm>> -> memref<80x2x128xi32, #tpu.memory_space<hbm>>
        %dma_start3A_51 = arith.constant 0 : i32
        %dma_start3A_52 = arith.constant 0 : i32
        %dma_start3A_53 = tpu.memref_slice %dma_start3A_50[%run_scoped3A, %dma_start3A_51, %dma_start3A_52] : memref<80x2x128xi32, #tpu.memory_space<hbm>> -> memref<1x2x128xi32, #tpu.memory_space<hbm>>
        %dma_start3A_54 = tpu.memref_squeeze %dma_start3A_53 : memref<1x2x128xi32, #tpu.memory_space<hbm>> -> memref<2x128xi32, #tpu.memory_space<hbm>>
        tpu.enqueue_dma source(%dma_start3A_54 : memref<2x128xi32, #tpu.memory_space<hbm>>) target(%arg10 : memref<2x128xi32, #tpu.memory_space<vmem>>) target_semaphore(%run_scoped3A_36 : memref<!tpu.dma_semaphore, #tpu.memory_space<semaphore_mem>>)
        %dma_wait3A_55 = arith.constant 0 : i32
        %dma_wait3A_56 = arith.constant 0 : i32
        %dma_wait3A_57 = arith.constant 0 : i32
        %dma_wait3A_58 = tpu.memref_slice %arg4[%arg1, %dma_wait3A_55, %dma_wait3A_56, %dma_wait3A_57] : memref<16x80x2x128xi32, #tpu.memory_space<hbm>> -> memref<1x80x2x128xi32, #tpu.memory_space<hbm>>
        %dma_wait3A_59 = tpu.memref_squeeze %dma_wait3A_58 : memref<1x80x2x128xi32, #tpu.memory_space<hbm>> -> memref<80x2x128xi32, #tpu.memory_space<hbm>>
        %dma_wait3A_60 = arith.constant 0 : i32
        %dma_wait3A_61 = arith.constant 0 : i32
        %dma_wait3A_62 = tpu.memref_slice %dma_wait3A_59[%run_scoped3A, %dma_wait3A_60, %dma_wait3A_61] : memref<80x2x128xi32, #tpu.memory_space<hbm>> -> memref<1x2x128xi32, #tpu.memory_space<hbm>>
        %dma_wait3A_63 = tpu.memref_squeeze %dma_wait3A_62 : memref<1x2x128xi32, #tpu.memory_space<hbm>> -> memref<2x128xi32, #tpu.memory_space<hbm>>
        %dma_wait3A_64 = arith.constant 0 : i32
        %dma_wait3A_65 = arith.constant 0 : i32
        %dma_wait3A_66 = arith.constant 0 : i32
        %dma_wait3A_67 = tpu.memref_slice %arg4[%arg1, %dma_wait3A_64, %dma_wait3A_65, %dma_wait3A_66] : memref<16x80x2x128xi32, #tpu.memory_space<hbm>> -> memref<1x80x2x128xi32, #tpu.memory_space<hbm>>
        %dma_wait3A_68 = tpu.memref_squeeze %dma_wait3A_67 : memref<1x80x2x128xi32, #tpu.memory_space<hbm>> -> memref<80x2x128xi32, #tpu.memory_space<hbm>>
        %dma_wait3A_69 = arith.constant 0 : i32
        %dma_wait3A_70 = arith.constant 0 : i32
        %dma_wait3A_71 = tpu.memref_slice %dma_wait3A_68[%run_scoped3A, %dma_wait3A_69, %dma_wait3A_70] : memref<80x2x128xi32, #tpu.memory_space<hbm>> -> memref<1x2x128xi32, #tpu.memory_space<hbm>>
        %dma_wait3A_72 = tpu.memref_squeeze %dma_wait3A_71 : memref<1x2x128xi32, #tpu.memory_space<hbm>> -> memref<2x128xi32, #tpu.memory_space<hbm>>
        tpu.wait_dma2 semaphore(%run_scoped3A_36 : memref<!tpu.dma_semaphore, #tpu.memory_space<semaphore_mem>>) src(%dma_wait3A_72 : memref<2x128xi32, #tpu.memory_space<hbm>>) dst(%arg10 : memref<2x128xi32, #tpu.memory_space<vmem>>)
        tpu.yield
      }) : () -> ()
      %dma_start3A = arith.constant 0 : i32
      %dma_start3A_19 = arith.constant 0 : i32
      %dma_start3A_20 = tpu.memref_slice %arg10[%dma_start3A, %dma_start3A_19] : memref<2x128xi32, #tpu.memory_space<vmem>> -> memref<1x128xi32, #tpu.memory_space<vmem>>
      %dma_start3A_21 = tpu.memref_squeeze %dma_start3A_20 : memref<1x128xi32, #tpu.memory_space<vmem>> -> memref<128xi32, #tpu.memory_space<vmem>>
      %dma_start3A_22 = arith.constant 0 : i32
      %dma_start3A_23 = arith.constant 0 : i32
      %dma_start3A_24 = tpu.memref_slice %arg2[%dma_start3A_22, %dma_start3A_23] : memref<10240x128xf32, #tpu.memory_space<hbm>> -> memref<10240x128xf32, #tpu.memory_space<hbm>>
      tpu.enqueue_indirect_dma source(%dma_start3A_24 : memref<10240x128xf32, #tpu.memory_space<hbm>>) target(%arg8 : memref<128x128xf32, #tpu.memory_space<vmem>>) offsets(%dma_start3A_21 : memref<128xi32, #tpu.memory_space<vmem>>) semaphore(%arg13 : memref<!tpu.dma_semaphore, #tpu.memory_space<semaphore_mem>>)
      %scan3A = arith.constant 0 : i32
      %scan3A_25 = arith.constant 0 : i32
      %scan3A_26 = arith.constant 40 : i32
      %scan3A_27 = arith.addi %scan3A_25, %scan3A_26 : i32
      %scan3A_28 = arith.constant 1 : i32
      scf.for %scan3A_36 = %scan3A_25 to %scan3A_27 step %scan3A_28  : i32 {
        %mul3A_37 = arith.constant 2 : i32
        %mul3A_38 = arith.muli %mul3A_37, %scan3A_36 : i32
        %add3A = arith.constant 1 : i32
        %add3A_39 = arith.addi %mul3A_38, %add3A : i32
        "tpu.region"() ({
          %run_scoped3A_75 = tpu.sem_alloc : memref<!tpu.dma_semaphore, #tpu.memory_space<semaphore_mem>>
          %dma_start3A_76 = arith.constant 0 : i32
          %dma_start3A_77 = arith.constant 0 : i32
          %dma_start3A_78 = arith.constant 0 : i32
          %dma_start3A_79 = tpu.memref_slice %arg4[%arg1, %dma_start3A_76, %dma_start3A_77, %dma_start3A_78] : memref<16x80x2x128xi32, #tpu.memory_space<hbm>> -> memref<1x80x2x128xi32, #tpu.memory_space<hbm>>
          %dma_start3A_80 = tpu.memref_squeeze %dma_start3A_79 : memref<1x80x2x128xi32, #tpu.memory_space<hbm>> -> memref<80x2x128xi32, #tpu.memory_space<hbm>>
          %dma_start3A_81 = arith.constant 0 : i32
          %dma_start3A_82 = arith.constant 0 : i32
          %dma_start3A_83 = tpu.memref_slice %dma_start3A_80[%add3A_39, %dma_start3A_81, %dma_start3A_82] : memref<80x2x128xi32, #tpu.memory_space<hbm>> -> memref<1x2x128xi32, #tpu.memory_space<hbm>>
          %dma_start3A_84 = tpu.memref_squeeze %dma_start3A_83 : memref<1x2x128xi32, #tpu.memory_space<hbm>> -> memref<2x128xi32, #tpu.memory_space<hbm>>
          %dma_start3A_85 = arith.constant 0 : i32
          %dma_start3A_86 = arith.constant 0 : i32
          %dma_start3A_87 = arith.constant 0 : i32
          %dma_start3A_88 = tpu.memref_slice %arg4[%arg1, %dma_start3A_85, %dma_start3A_86, %dma_start3A_87] : memref<16x80x2x128xi32, #tpu.memory_space<hbm>> -> memref<1x80x2x128xi32, #tpu.memory_space<hbm>>
          %dma_start3A_89 = tpu.memref_squeeze %dma_start3A_88 : memref<1x80x2x128xi32, #tpu.memory_space<hbm>> -> memref<80x2x128xi32, #tpu.memory_space<hbm>>
          %dma_start3A_90 = arith.constant 0 : i32
          %dma_start3A_91 = arith.constant 0 : i32
          %dma_start3A_92 = tpu.memref_slice %dma_start3A_89[%add3A_39, %dma_start3A_90, %dma_start3A_91] : memref<80x2x128xi32, #tpu.memory_space<hbm>> -> memref<1x2x128xi32, #tpu.memory_space<hbm>>
          %dma_start3A_93 = tpu.memref_squeeze %dma_start3A_92 : memref<1x2x128xi32, #tpu.memory_space<hbm>> -> memref<2x128xi32, #tpu.memory_space<hbm>>
          tpu.enqueue_dma source(%dma_start3A_93 : memref<2x128xi32, #tpu.memory_space<hbm>>) target(%arg11 : memref<2x128xi32, #tpu.memory_space<vmem>>) target_semaphore(%run_scoped3A_75 : memref<!tpu.dma_semaphore, #tpu.memory_space<semaphore_mem>>)
          %dma_wait3A_94 = arith.constant 0 : i32
          %dma_wait3A_95 = arith.constant 0 : i32
          %dma_wait3A_96 = arith.constant 0 : i32
          %dma_wait3A_97 = tpu.memref_slice %arg4[%arg1, %dma_wait3A_94, %dma_wait3A_95, %dma_wait3A_96] : memref<16x80x2x128xi32, #tpu.memory_space<hbm>> -> memref<1x80x2x128xi32, #tpu.memory_space<hbm>>
          %dma_wait3A_98 = tpu.memref_squeeze %dma_wait3A_97 : memref<1x80x2x128xi32, #tpu.memory_space<hbm>> -> memref<80x2x128xi32, #tpu.memory_space<hbm>>
          %dma_wait3A_99 = arith.constant 0 : i32
          %dma_wait3A_100 = arith.constant 0 : i32
          %dma_wait3A_101 = tpu.memref_slice %dma_wait3A_98[%add3A_39, %dma_wait3A_99, %dma_wait3A_100] : memref<80x2x128xi32, #tpu.memory_space<hbm>> -> memref<1x2x128xi32, #tpu.memory_space<hbm>>
          %dma_wait3A_102 = tpu.memref_squeeze %dma_wait3A_101 : memref<1x2x128xi32, #tpu.memory_space<hbm>> -> memref<2x128xi32, #tpu.memory_space<hbm>>
          %dma_wait3A_103 = arith.constant 0 : i32
          %dma_wait3A_104 = arith.constant 0 : i32
          %dma_wait3A_105 = arith.constant 0 : i32
          %dma_wait3A_106 = tpu.memref_slice %arg4[%arg1, %dma_wait3A_103, %dma_wait3A_104, %dma_wait3A_105] : memref<16x80x2x128xi32, #tpu.memory_space<hbm>> -> memref<1x80x2x128xi32, #tpu.memory_space<hbm>>
          %dma_wait3A_107 = tpu.memref_squeeze %dma_wait3A_106 : memref<1x80x2x128xi32, #tpu.memory_space<hbm>> -> memref<80x2x128xi32, #tpu.memory_space<hbm>>
          %dma_wait3A_108 = arith.constant 0 : i32
          %dma_wait3A_109 = arith.constant 0 : i32
          %dma_wait3A_110 = tpu.memref_slice %dma_wait3A_107[%add3A_39, %dma_wait3A_108, %dma_wait3A_109] : memref<80x2x128xi32, #tpu.memory_space<hbm>> -> memref<1x2x128xi32, #tpu.memory_space<hbm>>
          %dma_wait3A_111 = tpu.memref_squeeze %dma_wait3A_110 : memref<1x2x128xi32, #tpu.memory_space<hbm>> -> memref<2x128xi32, #tpu.memory_space<hbm>>
          tpu.wait_dma2 semaphore(%run_scoped3A_75 : memref<!tpu.dma_semaphore, #tpu.memory_space<semaphore_mem>>) src(%dma_wait3A_111 : memref<2x128xi32, #tpu.memory_space<hbm>>) dst(%arg11 : memref<2x128xi32, #tpu.memory_space<vmem>>)
          tpu.yield
        }) : () -> ()
        %dma_start3A_40 = arith.constant 0 : i32
        %dma_start3A_41 = arith.constant 0 : i32
        %dma_start3A_42 = tpu.memref_slice %arg11[%dma_start3A_40, %dma_start3A_41] : memref<2x128xi32, #tpu.memory_space<vmem>> -> memref<1x128xi32, #tpu.memory_space<vmem>>
        %dma_start3A_43 = tpu.memref_squeeze %dma_start3A_42 : memref<1x128xi32, #tpu.memory_space<vmem>> -> memref<128xi32, #tpu.memory_space<vmem>>
        %dma_start3A_44 = arith.constant 0 : i32
        %dma_start3A_45 = arith.constant 0 : i32
        %dma_start3A_46 = tpu.memref_slice %arg2[%dma_start3A_44, %dma_start3A_45] : memref<10240x128xf32, #tpu.memory_space<hbm>> -> memref<10240x128xf32, #tpu.memory_space<hbm>>
        tpu.enqueue_indirect_dma source(%dma_start3A_46 : memref<10240x128xf32, #tpu.memory_space<hbm>>) target(%arg9 : memref<128x128xf32, #tpu.memory_space<vmem>>) offsets(%dma_start3A_43 : memref<128xi32, #tpu.memory_space<vmem>>) semaphore(%arg14 : memref<!tpu.dma_semaphore, #tpu.memory_space<semaphore_mem>>)
        %dma_wait3A_47 = arith.constant 0 : i32
        %dma_wait3A_48 = arith.constant 0 : i32
        %dma_wait3A_49 = tpu.memref_slice %arg10[%dma_wait3A_47, %dma_wait3A_48] : memref<2x128xi32, #tpu.memory_space<vmem>> -> memref<1x128xi32, #tpu.memory_space<vmem>>
        %dma_wait3A_50 = tpu.memref_squeeze %dma_wait3A_49 : memref<1x128xi32, #tpu.memory_space<vmem>> -> memref<128xi32, #tpu.memory_space<vmem>>
        %dma_wait3A_51 = arith.constant 0 : i32
        %dma_wait3A_52 = arith.constant 0 : i32
        %dma_wait3A_53 = tpu.memref_slice %arg2[%dma_wait3A_51, %dma_wait3A_52] : memref<10240x128xf32, #tpu.memory_space<hbm>> -> memref<10240x128xf32, #tpu.memory_space<hbm>>
        tpu.wait_indirect_dma semaphore(%arg13 : memref<!tpu.dma_semaphore, #tpu.memory_space<semaphore_mem>>) src(%dma_wait3A_53 : memref<10240x128xf32, #tpu.memory_space<hbm>>) dst(%arg8 : memref<128x128xf32, #tpu.memory_space<vmem>>)
        %run_scoped3A_54 = arith.constant 1 : i32
        "tpu.region"() ({
          %run_scoped3A_75 = tpu.sem_alloc : memref<!tpu.dma_semaphore, #tpu.memory_space<semaphore_mem>>
          %dma_start3A_76 = arith.constant 0 : i32
          %dma_start3A_77 = tpu.memref_slice %arg10[%run_scoped3A_54, %dma_start3A_76] : memref<2x128xi32, #tpu.memory_space<vmem>> -> memref<1x128xi32, #tpu.memory_space<vmem>>
          %dma_start3A_78 = tpu.memref_squeeze %dma_start3A_77 : memref<1x128xi32, #tpu.memory_space<vmem>> -> memref<128xi32, #tpu.memory_space<vmem>>
          %dma_start3A_79 = arith.constant 0 : i32
          %dma_start3A_80 = arith.constant 0 : i32
          %dma_start3A_81 = tpu.memref_slice %arg12[%dma_start3A_79, %dma_start3A_80] : memref<10240x128xf32, #tpu.memory_space<vmem_shared>> -> memref<10240x128xf32, #tpu.memory_space<vmem_shared>>
          tpu.enqueue_indirect_dma source(%arg8 : memref<128x128xf32, #tpu.memory_space<vmem>>) target(%dma_start3A_81 : memref<10240x128xf32, #tpu.memory_space<vmem_shared>>) offsets(%dma_start3A_78 : memref<128xi32, #tpu.memory_space<vmem>>) semaphore(%run_scoped3A_75 : memref<!tpu.dma_semaphore, #tpu.memory_space<semaphore_mem>>) {add = true}
          %dma_wait3A_82 = arith.constant 0 : i32
          %dma_wait3A_83 = tpu.memref_slice %arg10[%run_scoped3A_54, %dma_wait3A_82] : memref<2x128xi32, #tpu.memory_space<vmem>> -> memref<1x128xi32, #tpu.memory_space<vmem>>
          %dma_wait3A_84 = tpu.memref_squeeze %dma_wait3A_83 : memref<1x128xi32, #tpu.memory_space<vmem>> -> memref<128xi32, #tpu.memory_space<vmem>>
          %dma_wait3A_85 = arith.constant 0 : i32
          %dma_wait3A_86 = arith.constant 0 : i32
          %dma_wait3A_87 = tpu.memref_slice %arg12[%dma_wait3A_85, %dma_wait3A_86] : memref<10240x128xf32, #tpu.memory_space<vmem_shared>> -> memref<10240x128xf32, #tpu.memory_space<vmem_shared>>
          tpu.wait_indirect_dma semaphore(%run_scoped3A_75 : memref<!tpu.dma_semaphore, #tpu.memory_space<semaphore_mem>>) src(%arg8 : memref<128x128xf32, #tpu.memory_space<vmem>>) dst(%dma_wait3A_87 : memref<10240x128xf32, #tpu.memory_space<vmem_shared>>)
          tpu.yield
        }) : () -> ()
        %mul3A_55 = arith.constant 2 : i32
        %mul3A_56 = arith.muli %mul3A_55, %scan3A_36 : i32
        %add3A_57 = arith.constant 2 : i32
        %add3A_58 = arith.addi %mul3A_56, %add3A_57 : i32
        %min3A = arith.constant 78 : i32
        %min3A_59 = arith.minsi %add3A_58, %min3A : i32
        "tpu.region"() ({
          %run_scoped3A_75 = tpu.sem_alloc : memref<!tpu.dma_semaphore, #tpu.memory_space<semaphore_mem>>
          %dma_start3A_76 = arith.constant 0 : i32
          %dma_start3A_77 = arith.constant 0 : i32
          %dma_start3A_78 = arith.constant 0 : i32
          %dma_start3A_79 = tpu.memref_slice %arg4[%arg1, %dma_start3A_76, %dma_start3A_77, %dma_start3A_78] : memref<16x80x2x128xi32, #tpu.memory_space<hbm>> -> memref<1x80x2x128xi32, #tpu.memory_space<hbm>>
          %dma_start3A_80 = tpu.memref_squeeze %dma_start3A_79 : memref<1x80x2x128xi32, #tpu.memory_space<hbm>> -> memref<80x2x128xi32, #tpu.memory_space<hbm>>
          %dma_start3A_81 = arith.constant 0 : i32
          %dma_start3A_82 = arith.constant 0 : i32
          %dma_start3A_83 = tpu.memref_slice %dma_start3A_80[%min3A_59, %dma_start3A_81, %dma_start3A_82] : memref<80x2x128xi32, #tpu.memory_space<hbm>> -> memref<1x2x128xi32, #tpu.memory_space<hbm>>
          %dma_start3A_84 = tpu.memref_squeeze %dma_start3A_83 : memref<1x2x128xi32, #tpu.memory_space<hbm>> -> memref<2x128xi32, #tpu.memory_space<hbm>>
          %dma_start3A_85 = arith.constant 0 : i32
          %dma_start3A_86 = arith.constant 0 : i32
          %dma_start3A_87 = arith.constant 0 : i32
          %dma_start3A_88 = tpu.memref_slice %arg4[%arg1, %dma_start3A_85, %dma_start3A_86, %dma_start3A_87] : memref<16x80x2x128xi32, #tpu.memory_space<hbm>> -> memref<1x80x2x128xi32, #tpu.memory_space<hbm>>
          %dma_start3A_89 = tpu.memref_squeeze %dma_start3A_88 : memref<1x80x2x128xi32, #tpu.memory_space<hbm>> -> memref<80x2x128xi32, #tpu.memory_space<hbm>>
          %dma_start3A_90 = arith.constant 0 : i32
          %dma_start3A_91 = arith.constant 0 : i32
          %dma_start3A_92 = tpu.memref_slice %dma_start3A_89[%min3A_59, %dma_start3A_90, %dma_start3A_91] : memref<80x2x128xi32, #tpu.memory_space<hbm>> -> memref<1x2x128xi32, #tpu.memory_space<hbm>>
          %dma_start3A_93 = tpu.memref_squeeze %dma_start3A_92 : memref<1x2x128xi32, #tpu.memory_space<hbm>> -> memref<2x128xi32, #tpu.memory_space<hbm>>
          tpu.enqueue_dma source(%dma_start3A_93 : memref<2x128xi32, #tpu.memory_space<hbm>>) target(%arg10 : memref<2x128xi32, #tpu.memory_space<vmem>>) target_semaphore(%run_scoped3A_75 : memref<!tpu.dma_semaphore, #tpu.memory_space<semaphore_mem>>)
          %dma_wait3A_94 = arith.constant 0 : i32
          %dma_wait3A_95 = arith.constant 0 : i32
          %dma_wait3A_96 = arith.constant 0 : i32
          %dma_wait3A_97 = tpu.memref_slice %arg4[%arg1, %dma_wait3A_94, %dma_wait3A_95, %dma_wait3A_96] : memref<16x80x2x128xi32, #tpu.memory_space<hbm>> -> memref<1x80x2x128xi32, #tpu.memory_space<hbm>>
          %dma_wait3A_98 = tpu.memref_squeeze %dma_wait3A_97 : memref<1x80x2x128xi32, #tpu.memory_space<hbm>> -> memref<80x2x128xi32, #tpu.memory_space<hbm>>
          %dma_wait3A_99 = arith.constant 0 : i32
          %dma_wait3A_100 = arith.constant 0 : i32
          %dma_wait3A_101 = tpu.memref_slice %dma_wait3A_98[%min3A_59, %dma_wait3A_99, %dma_wait3A_100] : memref<80x2x128xi32, #tpu.memory_space<hbm>> -> memref<1x2x128xi32, #tpu.memory_space<hbm>>
          %dma_wait3A_102 = tpu.memref_squeeze %dma_wait3A_101 : memref<1x2x128xi32, #tpu.memory_space<hbm>> -> memref<2x128xi32, #tpu.memory_space<hbm>>
          %dma_wait3A_103 = arith.constant 0 : i32
          %dma_wait3A_104 = arith.constant 0 : i32
          %dma_wait3A_105 = arith.constant 0 : i32
          %dma_wait3A_106 = tpu.memref_slice %arg4[%arg1, %dma_wait3A_103, %dma_wait3A_104, %dma_wait3A_105] : memref<16x80x2x128xi32, #tpu.memory_space<hbm>> -> memref<1x80x2x128xi32, #tpu.memory_space<hbm>>
          %dma_wait3A_107 = tpu.memref_squeeze %dma_wait3A_106 : memref<1x80x2x128xi32, #tpu.memory_space<hbm>> -> memref<80x2x128xi32, #tpu.memory_space<hbm>>
          %dma_wait3A_108 = arith.constant 0 : i32
          %dma_wait3A_109 = arith.constant 0 : i32
          %dma_wait3A_110 = tpu.memref_slice %dma_wait3A_107[%min3A_59, %dma_wait3A_108, %dma_wait3A_109] : memref<80x2x128xi32, #tpu.memory_space<hbm>> -> memref<1x2x128xi32, #tpu.memory_space<hbm>>
          %dma_wait3A_111 = tpu.memref_squeeze %dma_wait3A_110 : memref<1x2x128xi32, #tpu.memory_space<hbm>> -> memref<2x128xi32, #tpu.memory_space<hbm>>
          tpu.wait_dma2 semaphore(%run_scoped3A_75 : memref<!tpu.dma_semaphore, #tpu.memory_space<semaphore_mem>>) src(%dma_wait3A_111 : memref<2x128xi32, #tpu.memory_space<hbm>>) dst(%arg10 : memref<2x128xi32, #tpu.memory_space<vmem>>)
          tpu.yield
        }) : () -> ()
        %dma_start3A_60 = arith.constant 0 : i32
        %dma_start3A_61 = arith.constant 0 : i32
        %dma_start3A_62 = tpu.memref_slice %arg10[%dma_start3A_60, %dma_start3A_61] : memref<2x128xi32, #tpu.memory_space<vmem>> -> memref<1x128xi32, #tpu.memory_space<vmem>>
        %dma_start3A_63 = tpu.memref_squeeze %dma_start3A_62 : memref<1x128xi32, #tpu.memory_space<vmem>> -> memref<128xi32, #tpu.memory_space<vmem>>
        %dma_start3A_64 = arith.constant 0 : i32
        %dma_start3A_65 = arith.constant 0 : i32
        %dma_start3A_66 = tpu.memref_slice %arg2[%dma_start3A_64, %dma_start3A_65] : memref<10240x128xf32, #tpu.memory_space<hbm>> -> memref<10240x128xf32, #tpu.memory_space<hbm>>
        tpu.enqueue_indirect_dma source(%dma_start3A_66 : memref<10240x128xf32, #tpu.memory_space<hbm>>) target(%arg8 : memref<128x128xf32, #tpu.memory_space<vmem>>) offsets(%dma_start3A_63 : memref<128xi32, #tpu.memory_space<vmem>>) semaphore(%arg13 : memref<!tpu.dma_semaphore, #tpu.memory_space<semaphore_mem>>)
        %dma_wait3A_67 = arith.constant 0 : i32
        %dma_wait3A_68 = arith.constant 0 : i32
        %dma_wait3A_69 = tpu.memref_slice %arg11[%dma_wait3A_67, %dma_wait3A_68] : memref<2x128xi32, #tpu.memory_space<vmem>> -> memref<1x128xi32, #tpu.memory_space<vmem>>
        %dma_wait3A_70 = tpu.memref_squeeze %dma_wait3A_69 : memref<1x128xi32, #tpu.memory_space<vmem>> -> memref<128xi32, #tpu.memory_space<vmem>>
        %dma_wait3A_71 = arith.constant 0 : i32
        %dma_wait3A_72 = arith.constant 0 : i32
        %dma_wait3A_73 = tpu.memref_slice %arg2[%dma_wait3A_71, %dma_wait3A_72] : memref<10240x128xf32, #tpu.memory_space<hbm>> -> memref<10240x128xf32, #tpu.memory_space<hbm>>
        tpu.wait_indirect_dma semaphore(%arg14 : memref<!tpu.dma_semaphore, #tpu.memory_space<semaphore_mem>>) src(%dma_wait3A_73 : memref<10240x128xf32, #tpu.memory_space<hbm>>) dst(%arg9 : memref<128x128xf32, #tpu.memory_space<vmem>>)
        %run_scoped3A_74 = arith.constant 1 : i32
        "tpu.region"() ({
          %run_scoped3A_75 = tpu.sem_alloc : memref<!tpu.dma_semaphore, #tpu.memory_space<semaphore_mem>>
          %dma_start3A_76 = arith.constant 0 : i32
          %dma_start3A_77 = tpu.memref_slice %arg11[%run_scoped3A_74, %dma_start3A_76] : memref<2x128xi32, #tpu.memory_space<vmem>> -> memref<1x128xi32, #tpu.memory_space<vmem>>
          %dma_start3A_78 = tpu.memref_squeeze %dma_start3A_77 : memref<1x128xi32, #tpu.memory_space<vmem>> -> memref<128xi32, #tpu.memory_space<vmem>>
          %dma_start3A_79 = arith.constant 0 : i32
          %dma_start3A_80 = arith.constant 0 : i32
          %dma_start3A_81 = tpu.memref_slice %arg12[%dma_start3A_79, %dma_start3A_80] : memref<10240x128xf32, #tpu.memory_space<vmem_shared>> -> memref<10240x128xf32, #tpu.memory_space<vmem_shared>>
          tpu.enqueue_indirect_dma source(%arg9 : memref<128x128xf32, #tpu.memory_space<vmem>>) target(%dma_start3A_81 : memref<10240x128xf32, #tpu.memory_space<vmem_shared>>) offsets(%dma_start3A_78 : memref<128xi32, #tpu.memory_space<vmem>>) semaphore(%run_scoped3A_75 : memref<!tpu.dma_semaphore, #tpu.memory_space<semaphore_mem>>) {add = true}
          %dma_wait3A_82 = arith.constant 0 : i32
          %dma_wait3A_83 = tpu.memref_slice %arg11[%run_scoped3A_74, %dma_wait3A_82] : memref<2x128xi32, #tpu.memory_space<vmem>> -> memref<1x128xi32, #tpu.memory_space<vmem>>
          %dma_wait3A_84 = tpu.memref_squeeze %dma_wait3A_83 : memref<1x128xi32, #tpu.memory_space<vmem>> -> memref<128xi32, #tpu.memory_space<vmem>>
          %dma_wait3A_85 = arith.constant 0 : i32
          %dma_wait3A_86 = arith.constant 0 : i32
          %dma_wait3A_87 = tpu.memref_slice %arg12[%dma_wait3A_85, %dma_wait3A_86] : memref<10240x128xf32, #tpu.memory_space<vmem_shared>> -> memref<10240x128xf32, #tpu.memory_space<vmem_shared>>
          tpu.wait_indirect_dma semaphore(%run_scoped3A_75 : memref<!tpu.dma_semaphore, #tpu.memory_space<semaphore_mem>>) src(%arg9 : memref<128x128xf32, #tpu.memory_space<vmem>>) dst(%dma_wait3A_87 : memref<10240x128xf32, #tpu.memory_space<vmem_shared>>)
          tpu.yield
        }) : () -> ()
      }
      %scan3A_29 = arith.constant 40 : i32
      %dma_wait3A = arith.constant 0 : i32
      %dma_wait3A_30 = arith.constant 0 : i32
      %dma_wait3A_31 = tpu.memref_slice %arg10[%dma_wait3A, %dma_wait3A_30] : memref<2x128xi32, #tpu.memory_space<vmem>> -> memref<1x128xi32, #tpu.memory_space<vmem>>
      %dma_wait3A_32 = tpu.memref_squeeze %dma_wait3A_31 : memref<1x128xi32, #tpu.memory_space<vmem>> -> memref<128xi32, #tpu.memory_space<vmem>>
      %dma_wait3A_33 = arith.constant 0 : i32
      %dma_wait3A_34 = arith.constant 0 : i32
      %dma_wait3A_35 = tpu.memref_slice %arg2[%dma_wait3A_33, %dma_wait3A_34] : memref<10240x128xf32, #tpu.memory_space<hbm>> -> memref<10240x128xf32, #tpu.memory_space<hbm>>
      tpu.wait_indirect_dma semaphore(%arg13 : memref<!tpu.dma_semaphore, #tpu.memory_space<semaphore_mem>>) src(%dma_wait3A_35 : memref<10240x128xf32, #tpu.memory_space<hbm>>) dst(%arg8 : memref<128x128xf32, #tpu.memory_space<vmem>>)
    } else {
    }
    %eq3A_3 = arith.constant 1 : i32
    %eq3A_4 = arith.cmpi eq, %arg0, %eq3A_3 : i32
    %convert_element_type3A_5 = arith.extui %eq3A_4 : i1 to i32
    %cond3A_6 = arith.constant 0 : i32
    %cond3A_7 = arith.cmpi ne, %convert_element_type3A_5, %cond3A_6 : i32
    scf.if %cond3A_7 {
      %run_scoped3A = arith.constant 0 : i32
      "tpu.region"() ({
        %run_scoped3A_36 = tpu.sem_alloc : memref<!tpu.dma_semaphore, #tpu.memory_space<semaphore_mem>>
        %dma_start3A_37 = arith.constant 0 : i32
        %dma_start3A_38 = arith.constant 0 : i32
        %dma_start3A_39 = arith.constant 0 : i32
        %dma_start3A_40 = tpu.memref_slice %arg4[%arg1, %dma_start3A_37, %dma_start3A_38, %dma_start3A_39] : memref<16x80x2x128xi32, #tpu.memory_space<hbm>> -> memref<1x80x2x128xi32, #tpu.memory_space<hbm>>
        %dma_start3A_41 = tpu.memref_squeeze %dma_start3A_40 : memref<1x80x2x128xi32, #tpu.memory_space<hbm>> -> memref<80x2x128xi32, #tpu.memory_space<hbm>>
        %dma_start3A_42 = arith.constant 0 : i32
        %dma_start3A_43 = arith.constant 0 : i32
        %dma_start3A_44 = tpu.memref_slice %dma_start3A_41[%run_scoped3A, %dma_start3A_42, %dma_start3A_43] : memref<80x2x128xi32, #tpu.memory_space<hbm>> -> memref<1x2x128xi32, #tpu.memory_space<hbm>>
        %dma_start3A_45 = tpu.memref_squeeze %dma_start3A_44 : memref<1x2x128xi32, #tpu.memory_space<hbm>> -> memref<2x128xi32, #tpu.memory_space<hbm>>
        %dma_start3A_46 = arith.constant 0 : i32
        %dma_start3A_47 = arith.constant 0 : i32
        %dma_start3A_48 = arith.constant 0 : i32
        %dma_start3A_49 = tpu.memref_slice %arg4[%arg1, %dma_start3A_46, %dma_start3A_47, %dma_start3A_48] : memref<16x80x2x128xi32, #tpu.memory_space<hbm>> -> memref<1x80x2x128xi32, #tpu.memory_space<hbm>>
        %dma_start3A_50 = tpu.memref_squeeze %dma_start3A_49 : memref<1x80x2x128xi32, #tpu.memory_space<hbm>> -> memref<80x2x128xi32, #tpu.memory_space<hbm>>
        %dma_start3A_51 = arith.constant 0 : i32
        %dma_start3A_52 = arith.constant 0 : i32
        %dma_start3A_53 = tpu.memref_slice %dma_start3A_50[%run_scoped3A, %dma_start3A_51, %dma_start3A_52] : memref<80x2x128xi32, #tpu.memory_space<hbm>> -> memref<1x2x128xi32, #tpu.memory_space<hbm>>
        %dma_start3A_54 = tpu.memref_squeeze %dma_start3A_53 : memref<1x2x128xi32, #tpu.memory_space<hbm>> -> memref<2x128xi32, #tpu.memory_space<hbm>>
        tpu.enqueue_dma source(%dma_start3A_54 : memref<2x128xi32, #tpu.memory_space<hbm>>) target(%arg10 : memref<2x128xi32, #tpu.memory_space<vmem>>) target_semaphore(%run_scoped3A_36 : memref<!tpu.dma_semaphore, #tpu.memory_space<semaphore_mem>>)
        %dma_wait3A_55 = arith.constant 0 : i32
        %dma_wait3A_56 = arith.constant 0 : i32
        %dma_wait3A_57 = arith.constant 0 : i32
        %dma_wait3A_58 = tpu.memref_slice %arg4[%arg1, %dma_wait3A_55, %dma_wait3A_56, %dma_wait3A_57] : memref<16x80x2x128xi32, #tpu.memory_space<hbm>> -> memref<1x80x2x128xi32, #tpu.memory_space<hbm>>
        %dma_wait3A_59 = tpu.memref_squeeze %dma_wait3A_58 : memref<1x80x2x128xi32, #tpu.memory_space<hbm>> -> memref<80x2x128xi32, #tpu.memory_space<hbm>>
        %dma_wait3A_60 = arith.constant 0 : i32
        %dma_wait3A_61 = arith.constant 0 : i32
        %dma_wait3A_62 = tpu.memref_slice %dma_wait3A_59[%run_scoped3A, %dma_wait3A_60, %dma_wait3A_61] : memref<80x2x128xi32, #tpu.memory_space<hbm>> -> memref<1x2x128xi32, #tpu.memory_space<hbm>>
        %dma_wait3A_63 = tpu.memref_squeeze %dma_wait3A_62 : memref<1x2x128xi32, #tpu.memory_space<hbm>> -> memref<2x128xi32, #tpu.memory_space<hbm>>
        %dma_wait3A_64 = arith.constant 0 : i32
        %dma_wait3A_65 = arith.constant 0 : i32
        %dma_wait3A_66 = arith.constant 0 : i32
        %dma_wait3A_67 = tpu.memref_slice %arg4[%arg1, %dma_wait3A_64, %dma_wait3A_65, %dma_wait3A_66] : memref<16x80x2x128xi32, #tpu.memory_space<hbm>> -> memref<1x80x2x128xi32, #tpu.memory_space<hbm>>
        %dma_wait3A_68 = tpu.memref_squeeze %dma_wait3A_67 : memref<1x80x2x128xi32, #tpu.memory_space<hbm>> -> memref<80x2x128xi32, #tpu.memory_space<hbm>>
        %dma_wait3A_69 = arith.constant 0 : i32
        %dma_wait3A_70 = arith.constant 0 : i32
        %dma_wait3A_71 = tpu.memref_slice %dma_wait3A_68[%run_scoped3A, %dma_wait3A_69, %dma_wait3A_70] : memref<80x2x128xi32, #tpu.memory_space<hbm>> -> memref<1x2x128xi32, #tpu.memory_space<hbm>>
        %dma_wait3A_72 = tpu.memref_squeeze %dma_wait3A_71 : memref<1x2x128xi32, #tpu.memory_space<hbm>> -> memref<2x128xi32, #tpu.memory_space<hbm>>
        tpu.wait_dma2 semaphore(%run_scoped3A_36 : memref<!tpu.dma_semaphore, #tpu.memory_space<semaphore_mem>>) src(%dma_wait3A_72 : memref<2x128xi32, #tpu.memory_space<hbm>>) dst(%arg10 : memref<2x128xi32, #tpu.memory_space<vmem>>)
        tpu.yield
      }) : () -> ()
      %dma_start3A = arith.constant 0 : i32
      %dma_start3A_19 = arith.constant 0 : i32
      %dma_start3A_20 = tpu.memref_slice %arg10[%dma_start3A, %dma_start3A_19] : memref<2x128xi32, #tpu.memory_space<vmem>> -> memref<1x128xi32, #tpu.memory_space<vmem>>
      %dma_start3A_21 = tpu.memref_squeeze %dma_start3A_20 : memref<1x128xi32, #tpu.memory_space<vmem>> -> memref<128xi32, #tpu.memory_space<vmem>>
      %dma_start3A_22 = arith.constant 0 : i32
      %dma_start3A_23 = arith.constant 0 : i32
      %dma_start3A_24 = tpu.memref_slice %arg3[%dma_start3A_22, %dma_start3A_23] : memref<10240x128xf32, #tpu.memory_space<hbm>> -> memref<10240x128xf32, #tpu.memory_space<hbm>>
      tpu.enqueue_indirect_dma source(%dma_start3A_24 : memref<10240x128xf32, #tpu.memory_space<hbm>>) target(%arg8 : memref<128x128xf32, #tpu.memory_space<vmem>>) offsets(%dma_start3A_21 : memref<128xi32, #tpu.memory_space<vmem>>) semaphore(%arg13 : memref<!tpu.dma_semaphore, #tpu.memory_space<semaphore_mem>>)
      %scan3A = arith.constant 0 : i32
      %scan3A_25 = arith.constant 0 : i32
      %scan3A_26 = arith.constant 40 : i32
      %scan3A_27 = arith.addi %scan3A_25, %scan3A_26 : i32
      %scan3A_28 = arith.constant 1 : i32
      scf.for %scan3A_36 = %scan3A_25 to %scan3A_27 step %scan3A_28  : i32 {
        %mul3A_37 = arith.constant 2 : i32
        %mul3A_38 = arith.muli %mul3A_37, %scan3A_36 : i32
        %add3A = arith.constant 1 : i32
        %add3A_39 = arith.addi %mul3A_38, %add3A : i32
        "tpu.region"() ({
          %run_scoped3A_75 = tpu.sem_alloc : memref<!tpu.dma_semaphore, #tpu.memory_space<semaphore_mem>>
          %dma_start3A_76 = arith.constant 0 : i32
          %dma_start3A_77 = arith.constant 0 : i32
          %dma_start3A_78 = arith.constant 0 : i32
          %dma_start3A_79 = tpu.memref_slice %arg4[%arg1, %dma_start3A_76, %dma_start3A_77, %dma_start3A_78] : memref<16x80x2x128xi32, #tpu.memory_space<hbm>> -> memref<1x80x2x128xi32, #tpu.memory_space<hbm>>
          %dma_start3A_80 = tpu.memref_squeeze %dma_start3A_79 : memref<1x80x2x128xi32, #tpu.memory_space<hbm>> -> memref<80x2x128xi32, #tpu.memory_space<hbm>>
          %dma_start3A_81 = arith.constant 0 : i32
          %dma_start3A_82 = arith.constant 0 : i32
          %dma_start3A_83 = tpu.memref_slice %dma_start3A_80[%add3A_39, %dma_start3A_81, %dma_start3A_82] : memref<80x2x128xi32, #tpu.memory_space<hbm>> -> memref<1x2x128xi32, #tpu.memory_space<hbm>>
          %dma_start3A_84 = tpu.memref_squeeze %dma_start3A_83 : memref<1x2x128xi32, #tpu.memory_space<hbm>> -> memref<2x128xi32, #tpu.memory_space<hbm>>
          %dma_start3A_85 = arith.constant 0 : i32
          %dma_start3A_86 = arith.constant 0 : i32
          %dma_start3A_87 = arith.constant 0 : i32
          %dma_start3A_88 = tpu.memref_slice %arg4[%arg1, %dma_start3A_85, %dma_start3A_86, %dma_start3A_87] : memref<16x80x2x128xi32, #tpu.memory_space<hbm>> -> memref<1x80x2x128xi32, #tpu.memory_space<hbm>>
          %dma_start3A_89 = tpu.memref_squeeze %dma_start3A_88 : memref<1x80x2x128xi32, #tpu.memory_space<hbm>> -> memref<80x2x128xi32, #tpu.memory_space<hbm>>
          %dma_start3A_90 = arith.constant 0 : i32
          %dma_start3A_91 = arith.constant 0 : i32
          %dma_start3A_92 = tpu.memref_slice %dma_start3A_89[%add3A_39, %dma_start3A_90, %dma_start3A_91] : memref<80x2x128xi32, #tpu.memory_space<hbm>> -> memref<1x2x128xi32, #tpu.memory_space<hbm>>
          %dma_start3A_93 = tpu.memref_squeeze %dma_start3A_92 : memref<1x2x128xi32, #tpu.memory_space<hbm>> -> memref<2x128xi32, #tpu.memory_space<hbm>>
          tpu.enqueue_dma source(%dma_start3A_93 : memref<2x128xi32, #tpu.memory_space<hbm>>) target(%arg11 : memref<2x128xi32, #tpu.memory_space<vmem>>) target_semaphore(%run_scoped3A_75 : memref<!tpu.dma_semaphore, #tpu.memory_space<semaphore_mem>>)
          %dma_wait3A_94 = arith.constant 0 : i32
          %dma_wait3A_95 = arith.constant 0 : i32
          %dma_wait3A_96 = arith.constant 0 : i32
          %dma_wait3A_97 = tpu.memref_slice %arg4[%arg1, %dma_wait3A_94, %dma_wait3A_95, %dma_wait3A_96] : memref<16x80x2x128xi32, #tpu.memory_space<hbm>> -> memref<1x80x2x128xi32, #tpu.memory_space<hbm>>
          %dma_wait3A_98 = tpu.memref_squeeze %dma_wait3A_97 : memref<1x80x2x128xi32, #tpu.memory_space<hbm>> -> memref<80x2x128xi32, #tpu.memory_space<hbm>>
          %dma_wait3A_99 = arith.constant 0 : i32
          %dma_wait3A_100 = arith.constant 0 : i32
          %dma_wait3A_101 = tpu.memref_slice %dma_wait3A_98[%add3A_39, %dma_wait3A_99, %dma_wait3A_100] : memref<80x2x128xi32, #tpu.memory_space<hbm>> -> memref<1x2x128xi32, #tpu.memory_space<hbm>>
          %dma_wait3A_102 = tpu.memref_squeeze %dma_wait3A_101 : memref<1x2x128xi32, #tpu.memory_space<hbm>> -> memref<2x128xi32, #tpu.memory_space<hbm>>
          %dma_wait3A_103 = arith.constant 0 : i32
          %dma_wait3A_104 = arith.constant 0 : i32
          %dma_wait3A_105 = arith.constant 0 : i32
          %dma_wait3A_106 = tpu.memref_slice %arg4[%arg1, %dma_wait3A_103, %dma_wait3A_104, %dma_wait3A_105] : memref<16x80x2x128xi32, #tpu.memory_space<hbm>> -> memref<1x80x2x128xi32, #tpu.memory_space<hbm>>
          %dma_wait3A_107 = tpu.memref_squeeze %dma_wait3A_106 : memref<1x80x2x128xi32, #tpu.memory_space<hbm>> -> memref<80x2x128xi32, #tpu.memory_space<hbm>>
          %dma_wait3A_108 = arith.constant 0 : i32
          %dma_wait3A_109 = arith.constant 0 : i32
          %dma_wait3A_110 = tpu.memref_slice %dma_wait3A_107[%add3A_39, %dma_wait3A_108, %dma_wait3A_109] : memref<80x2x128xi32, #tpu.memory_space<hbm>> -> memref<1x2x128xi32, #tpu.memory_space<hbm>>
          %dma_wait3A_111 = tpu.memref_squeeze %dma_wait3A_110 : memref<1x2x128xi32, #tpu.memory_space<hbm>> -> memref<2x128xi32, #tpu.memory_space<hbm>>
          tpu.wait_dma2 semaphore(%run_scoped3A_75 : memref<!tpu.dma_semaphore, #tpu.memory_space<semaphore_mem>>) src(%dma_wait3A_111 : memref<2x128xi32, #tpu.memory_space<hbm>>) dst(%arg11 : memref<2x128xi32, #tpu.memory_space<vmem>>)
          tpu.yield
        }) : () -> ()
        %dma_start3A_40 = arith.constant 0 : i32
        %dma_start3A_41 = arith.constant 0 : i32
        %dma_start3A_42 = tpu.memref_slice %arg11[%dma_start3A_40, %dma_start3A_41] : memref<2x128xi32, #tpu.memory_space<vmem>> -> memref<1x128xi32, #tpu.memory_space<vmem>>
        %dma_start3A_43 = tpu.memref_squeeze %dma_start3A_42 : memref<1x128xi32, #tpu.memory_space<vmem>> -> memref<128xi32, #tpu.memory_space<vmem>>
        %dma_start3A_44 = arith.constant 0 : i32
        %dma_start3A_45 = arith.constant 0 : i32
        %dma_start3A_46 = tpu.memref_slice %arg3[%dma_start3A_44, %dma_start3A_45] : memref<10240x128xf32, #tpu.memory_space<hbm>> -> memref<10240x128xf32, #tpu.memory_space<hbm>>
        tpu.enqueue_indirect_dma source(%dma_start3A_46 : memref<10240x128xf32, #tpu.memory_space<hbm>>) target(%arg9 : memref<128x128xf32, #tpu.memory_space<vmem>>) offsets(%dma_start3A_43 : memref<128xi32, #tpu.memory_space<vmem>>) semaphore(%arg14 : memref<!tpu.dma_semaphore, #tpu.memory_space<semaphore_mem>>)
        %dma_wait3A_47 = arith.constant 0 : i32
        %dma_wait3A_48 = arith.constant 0 : i32
        %dma_wait3A_49 = tpu.memref_slice %arg10[%dma_wait3A_47, %dma_wait3A_48] : memref<2x128xi32, #tpu.memory_space<vmem>> -> memref<1x128xi32, #tpu.memory_space<vmem>>
        %dma_wait3A_50 = tpu.memref_squeeze %dma_wait3A_49 : memref<1x128xi32, #tpu.memory_space<vmem>> -> memref<128xi32, #tpu.memory_space<vmem>>
        %dma_wait3A_51 = arith.constant 0 : i32
        %dma_wait3A_52 = arith.constant 0 : i32
        %dma_wait3A_53 = tpu.memref_slice %arg3[%dma_wait3A_51, %dma_wait3A_52] : memref<10240x128xf32, #tpu.memory_space<hbm>> -> memref<10240x128xf32, #tpu.memory_space<hbm>>
        tpu.wait_indirect_dma semaphore(%arg13 : memref<!tpu.dma_semaphore, #tpu.memory_space<semaphore_mem>>) src(%dma_wait3A_53 : memref<10240x128xf32, #tpu.memory_space<hbm>>) dst(%arg8 : memref<128x128xf32, #tpu.memory_space<vmem>>)
        %run_scoped3A_54 = arith.constant 1 : i32
        "tpu.region"() ({
          %run_scoped3A_75 = tpu.sem_alloc : memref<!tpu.dma_semaphore, #tpu.memory_space<semaphore_mem>>
          %dma_start3A_76 = arith.constant 0 : i32
          %dma_start3A_77 = tpu.memref_slice %arg10[%run_scoped3A_54, %dma_start3A_76] : memref<2x128xi32, #tpu.memory_space<vmem>> -> memref<1x128xi32, #tpu.memory_space<vmem>>
          %dma_start3A_78 = tpu.memref_squeeze %dma_start3A_77 : memref<1x128xi32, #tpu.memory_space<vmem>> -> memref<128xi32, #tpu.memory_space<vmem>>
          %dma_start3A_79 = arith.constant 0 : i32
          %dma_start3A_80 = arith.constant 0 : i32
          %dma_start3A_81 = tpu.memref_slice %arg12[%dma_start3A_79, %dma_start3A_80] : memref<10240x128xf32, #tpu.memory_space<vmem_shared>> -> memref<10240x128xf32, #tpu.memory_space<vmem_shared>>
          tpu.enqueue_indirect_dma source(%arg8 : memref<128x128xf32, #tpu.memory_space<vmem>>) target(%dma_start3A_81 : memref<10240x128xf32, #tpu.memory_space<vmem_shared>>) offsets(%dma_start3A_78 : memref<128xi32, #tpu.memory_space<vmem>>) semaphore(%run_scoped3A_75 : memref<!tpu.dma_semaphore, #tpu.memory_space<semaphore_mem>>) {add = true}
          %dma_wait3A_82 = arith.constant 0 : i32
          %dma_wait3A_83 = tpu.memref_slice %arg10[%run_scoped3A_54, %dma_wait3A_82] : memref<2x128xi32, #tpu.memory_space<vmem>> -> memref<1x128xi32, #tpu.memory_space<vmem>>
          %dma_wait3A_84 = tpu.memref_squeeze %dma_wait3A_83 : memref<1x128xi32, #tpu.memory_space<vmem>> -> memref<128xi32, #tpu.memory_space<vmem>>
          %dma_wait3A_85 = arith.constant 0 : i32
          %dma_wait3A_86 = arith.constant 0 : i32
          %dma_wait3A_87 = tpu.memref_slice %arg12[%dma_wait3A_85, %dma_wait3A_86] : memref<10240x128xf32, #tpu.memory_space<vmem_shared>> -> memref<10240x128xf32, #tpu.memory_space<vmem_shared>>
          tpu.wait_indirect_dma semaphore(%run_scoped3A_75 : memref<!tpu.dma_semaphore, #tpu.memory_space<semaphore_mem>>) src(%arg8 : memref<128x128xf32, #tpu.memory_space<vmem>>) dst(%dma_wait3A_87 : memref<10240x128xf32, #tpu.memory_space<vmem_shared>>)
          tpu.yield
        }) : () -> ()
        %mul3A_55 = arith.constant 2 : i32
        %mul3A_56 = arith.muli %mul3A_55, %scan3A_36 : i32
        %add3A_57 = arith.constant 2 : i32
        %add3A_58 = arith.addi %mul3A_56, %add3A_57 : i32
        %min3A = arith.constant 78 : i32
        %min3A_59 = arith.minsi %add3A_58, %min3A : i32
        "tpu.region"() ({
          %run_scoped3A_75 = tpu.sem_alloc : memref<!tpu.dma_semaphore, #tpu.memory_space<semaphore_mem>>
          %dma_start3A_76 = arith.constant 0 : i32
          %dma_start3A_77 = arith.constant 0 : i32
          %dma_start3A_78 = arith.constant 0 : i32
          %dma_start3A_79 = tpu.memref_slice %arg4[%arg1, %dma_start3A_76, %dma_start3A_77, %dma_start3A_78] : memref<16x80x2x128xi32, #tpu.memory_space<hbm>> -> memref<1x80x2x128xi32, #tpu.memory_space<hbm>>
          %dma_start3A_80 = tpu.memref_squeeze %dma_start3A_79 : memref<1x80x2x128xi32, #tpu.memory_space<hbm>> -> memref<80x2x128xi32, #tpu.memory_space<hbm>>
          %dma_start3A_81 = arith.constant 0 : i32
          %dma_start3A_82 = arith.constant 0 : i32
          %dma_start3A_83 = tpu.memref_slice %dma_start3A_80[%min3A_59, %dma_start3A_81, %dma_start3A_82] : memref<80x2x128xi32, #tpu.memory_space<hbm>> -> memref<1x2x128xi32, #tpu.memory_space<hbm>>
          %dma_start3A_84 = tpu.memref_squeeze %dma_start3A_83 : memref<1x2x128xi32, #tpu.memory_space<hbm>> -> memref<2x128xi32, #tpu.memory_space<hbm>>
          %dma_start3A_85 = arith.constant 0 : i32
          %dma_start3A_86 = arith.constant 0 : i32
          %dma_start3A_87 = arith.constant 0 : i32
          %dma_start3A_88 = tpu.memref_slice %arg4[%arg1, %dma_start3A_85, %dma_start3A_86, %dma_start3A_87] : memref<16x80x2x128xi32, #tpu.memory_space<hbm>> -> memref<1x80x2x128xi32, #tpu.memory_space<hbm>>
          %dma_start3A_89 = tpu.memref_squeeze %dma_start3A_88 : memref<1x80x2x128xi32, #tpu.memory_space<hbm>> -> memref<80x2x128xi32, #tpu.memory_space<hbm>>
          %dma_start3A_90 = arith.constant 0 : i32
          %dma_start3A_91 = arith.constant 0 : i32
          %dma_start3A_92 = tpu.memref_slice %dma_start3A_89[%min3A_59, %dma_start3A_90, %dma_start3A_91] : memref<80x2x128xi32, #tpu.memory_space<hbm>> -> memref<1x2x128xi32, #tpu.memory_space<hbm>>
          %dma_start3A_93 = tpu.memref_squeeze %dma_start3A_92 : memref<1x2x128xi32, #tpu.memory_space<hbm>> -> memref<2x128xi32, #tpu.memory_space<hbm>>
          tpu.enqueue_dma source(%dma_start3A_93 : memref<2x128xi32, #tpu.memory_space<hbm>>) target(%arg10 : memref<2x128xi32, #tpu.memory_space<vmem>>) target_semaphore(%run_scoped3A_75 : memref<!tpu.dma_semaphore, #tpu.memory_space<semaphore_mem>>)
          %dma_wait3A_94 = arith.constant 0 : i32
          %dma_wait3A_95 = arith.constant 0 : i32
          %dma_wait3A_96 = arith.constant 0 : i32
          %dma_wait3A_97 = tpu.memref_slice %arg4[%arg1, %dma_wait3A_94, %dma_wait3A_95, %dma_wait3A_96] : memref<16x80x2x128xi32, #tpu.memory_space<hbm>> -> memref<1x80x2x128xi32, #tpu.memory_space<hbm>>
          %dma_wait3A_98 = tpu.memref_squeeze %dma_wait3A_97 : memref<1x80x2x128xi32, #tpu.memory_space<hbm>> -> memref<80x2x128xi32, #tpu.memory_space<hbm>>
          %dma_wait3A_99 = arith.constant 0 : i32
          %dma_wait3A_100 = arith.constant 0 : i32
          %dma_wait3A_101 = tpu.memref_slice %dma_wait3A_98[%min3A_59, %dma_wait3A_99, %dma_wait3A_100] : memref<80x2x128xi32, #tpu.memory_space<hbm>> -> memref<1x2x128xi32, #tpu.memory_space<hbm>>
          %dma_wait3A_102 = tpu.memref_squeeze %dma_wait3A_101 : memref<1x2x128xi32, #tpu.memory_space<hbm>> -> memref<2x128xi32, #tpu.memory_space<hbm>>
          %dma_wait3A_103 = arith.constant 0 : i32
          %dma_wait3A_104 = arith.constant 0 : i32
          %dma_wait3A_105 = arith.constant 0 : i32
          %dma_wait3A_106 = tpu.memref_slice %arg4[%arg1, %dma_wait3A_103, %dma_wait3A_104, %dma_wait3A_105] : memref<16x80x2x128xi32, #tpu.memory_space<hbm>> -> memref<1x80x2x128xi32, #tpu.memory_space<hbm>>
          %dma_wait3A_107 = tpu.memref_squeeze %dma_wait3A_106 : memref<1x80x2x128xi32, #tpu.memory_space<hbm>> -> memref<80x2x128xi32, #tpu.memory_space<hbm>>
          %dma_wait3A_108 = arith.constant 0 : i32
          %dma_wait3A_109 = arith.constant 0 : i32
          %dma_wait3A_110 = tpu.memref_slice %dma_wait3A_107[%min3A_59, %dma_wait3A_108, %dma_wait3A_109] : memref<80x2x128xi32, #tpu.memory_space<hbm>> -> memref<1x2x128xi32, #tpu.memory_space<hbm>>
          %dma_wait3A_111 = tpu.memref_squeeze %dma_wait3A_110 : memref<1x2x128xi32, #tpu.memory_space<hbm>> -> memref<2x128xi32, #tpu.memory_space<hbm>>
          tpu.wait_dma2 semaphore(%run_scoped3A_75 : memref<!tpu.dma_semaphore, #tpu.memory_space<semaphore_mem>>) src(%dma_wait3A_111 : memref<2x128xi32, #tpu.memory_space<hbm>>) dst(%arg10 : memref<2x128xi32, #tpu.memory_space<vmem>>)
          tpu.yield
        }) : () -> ()
        %dma_start3A_60 = arith.constant 0 : i32
        %dma_start3A_61 = arith.constant 0 : i32
        %dma_start3A_62 = tpu.memref_slice %arg10[%dma_start3A_60, %dma_start3A_61] : memref<2x128xi32, #tpu.memory_space<vmem>> -> memref<1x128xi32, #tpu.memory_space<vmem>>
        %dma_start3A_63 = tpu.memref_squeeze %dma_start3A_62 : memref<1x128xi32, #tpu.memory_space<vmem>> -> memref<128xi32, #tpu.memory_space<vmem>>
        %dma_start3A_64 = arith.constant 0 : i32
        %dma_start3A_65 = arith.constant 0 : i32
        %dma_start3A_66 = tpu.memref_slice %arg3[%dma_start3A_64, %dma_start3A_65] : memref<10240x128xf32, #tpu.memory_space<hbm>> -> memref<10240x128xf32, #tpu.memory_space<hbm>>
        tpu.enqueue_indirect_dma source(%dma_start3A_66 : memref<10240x128xf32, #tpu.memory_space<hbm>>) target(%arg8 : memref<128x128xf32, #tpu.memory_space<vmem>>) offsets(%dma_start3A_63 : memref<128xi32, #tpu.memory_space<vmem>>) semaphore(%arg13 : memref<!tpu.dma_semaphore, #tpu.memory_space<semaphore_mem>>)
        %dma_wait3A_67 = arith.constant 0 : i32
        %dma_wait3A_68 = arith.constant 0 : i32
        %dma_wait3A_69 = tpu.memref_slice %arg11[%dma_wait3A_67, %dma_wait3A_68] : memref<2x128xi32, #tpu.memory_space<vmem>> -> memref<1x128xi32, #tpu.memory_space<vmem>>
        %dma_wait3A_70 = tpu.memref_squeeze %dma_wait3A_69 : memref<1x128xi32, #tpu.memory_space<vmem>> -> memref<128xi32, #tpu.memory_space<vmem>>
        %dma_wait3A_71 = arith.constant 0 : i32
        %dma_wait3A_72 = arith.constant 0 : i32
        %dma_wait3A_73 = tpu.memref_slice %arg3[%dma_wait3A_71, %dma_wait3A_72] : memref<10240x128xf32, #tpu.memory_space<hbm>> -> memref<10240x128xf32, #tpu.memory_space<hbm>>
        tpu.wait_indirect_dma semaphore(%arg14 : memref<!tpu.dma_semaphore, #tpu.memory_space<semaphore_mem>>) src(%dma_wait3A_73 : memref<10240x128xf32, #tpu.memory_space<hbm>>) dst(%arg9 : memref<128x128xf32, #tpu.memory_space<vmem>>)
        %run_scoped3A_74 = arith.constant 1 : i32
        "tpu.region"() ({
          %run_scoped3A_75 = tpu.sem_alloc : memref<!tpu.dma_semaphore, #tpu.memory_space<semaphore_mem>>
          %dma_start3A_76 = arith.constant 0 : i32
          %dma_start3A_77 = tpu.memref_slice %arg11[%run_scoped3A_74, %dma_start3A_76] : memref<2x128xi32, #tpu.memory_space<vmem>> -> memref<1x128xi32, #tpu.memory_space<vmem>>
          %dma_start3A_78 = tpu.memref_squeeze %dma_start3A_77 : memref<1x128xi32, #tpu.memory_space<vmem>> -> memref<128xi32, #tpu.memory_space<vmem>>
          %dma_start3A_79 = arith.constant 0 : i32
          %dma_start3A_80 = arith.constant 0 : i32
          %dma_start3A_81 = tpu.memref_slice %arg12[%dma_start3A_79, %dma_start3A_80] : memref<10240x128xf32, #tpu.memory_space<vmem_shared>> -> memref<10240x128xf32, #tpu.memory_space<vmem_shared>>
          tpu.enqueue_indirect_dma source(%arg9 : memref<128x128xf32, #tpu.memory_space<vmem>>) target(%dma_start3A_81 : memref<10240x128xf32, #tpu.memory_space<vmem_shared>>) offsets(%dma_start3A_78 : memref<128xi32, #tpu.memory_space<vmem>>) semaphore(%run_scoped3A_75 : memref<!tpu.dma_semaphore, #tpu.memory_space<semaphore_mem>>) {add = true}
          %dma_wait3A_82 = arith.constant 0 : i32
          %dma_wait3A_83 = tpu.memref_slice %arg11[%run_scoped3A_74, %dma_wait3A_82] : memref<2x128xi32, #tpu.memory_space<vmem>> -> memref<1x128xi32, #tpu.memory_space<vmem>>
          %dma_wait3A_84 = tpu.memref_squeeze %dma_wait3A_83 : memref<1x128xi32, #tpu.memory_space<vmem>> -> memref<128xi32, #tpu.memory_space<vmem>>
          %dma_wait3A_85 = arith.constant 0 : i32
          %dma_wait3A_86 = arith.constant 0 : i32
          %dma_wait3A_87 = tpu.memref_slice %arg12[%dma_wait3A_85, %dma_wait3A_86] : memref<10240x128xf32, #tpu.memory_space<vmem_shared>> -> memref<10240x128xf32, #tpu.memory_space<vmem_shared>>
          tpu.wait_indirect_dma semaphore(%run_scoped3A_75 : memref<!tpu.dma_semaphore, #tpu.memory_space<semaphore_mem>>) src(%arg9 : memref<128x128xf32, #tpu.memory_space<vmem>>) dst(%dma_wait3A_87 : memref<10240x128xf32, #tpu.memory_space<vmem_shared>>)
          tpu.yield
        }) : () -> ()
      }
      %scan3A_29 = arith.constant 40 : i32
      %dma_wait3A = arith.constant 0 : i32
      %dma_wait3A_30 = arith.constant 0 : i32
      %dma_wait3A_31 = tpu.memref_slice %arg10[%dma_wait3A, %dma_wait3A_30] : memref<2x128xi32, #tpu.memory_space<vmem>> -> memref<1x128xi32, #tpu.memory_space<vmem>>
      %dma_wait3A_32 = tpu.memref_squeeze %dma_wait3A_31 : memref<1x128xi32, #tpu.memory_space<vmem>> -> memref<128xi32, #tpu.memory_space<vmem>>
      %dma_wait3A_33 = arith.constant 0 : i32
      %dma_wait3A_34 = arith.constant 0 : i32
      %dma_wait3A_35 = tpu.memref_slice %arg3[%dma_wait3A_33, %dma_wait3A_34] : memref<10240x128xf32, #tpu.memory_space<hbm>> -> memref<10240x128xf32, #tpu.memory_space<hbm>>
      tpu.wait_indirect_dma semaphore(%arg13 : memref<!tpu.dma_semaphore, #tpu.memory_space<semaphore_mem>>) src(%dma_wait3A_35 : memref<10240x128xf32, #tpu.memory_space<hbm>>) dst(%arg8 : memref<128x128xf32, #tpu.memory_space<vmem>>)
    } else {
    }
    %barrier3A_8 = arith.constant 0 : index
    tpu.barrier barrier_id(%barrier3A_8)
    %eq3A_9 = arith.constant 0 : i32
    %eq3A_10 = arith.cmpi eq, %arg0, %eq3A_9 : i32
    %convert_element_type3A_11 = arith.extui %eq3A_10 : i1 to i32
    %cond3A_12 = arith.constant 0 : i32
    %cond3A_13 = arith.cmpi ne, %convert_element_type3A_11, %cond3A_12 : i32
    scf.if %cond3A_13 {
      "tpu.region"() ({
        %run_scoped3A = tpu.sem_alloc : memref<!tpu.dma_semaphore, #tpu.memory_space<semaphore_mem>>
        %dma_start3A = arith.constant 0 : i32
        %dma_start3A_19 = tpu.memref_slice %arg6[%mul3A_0, %dma_start3A] : memref<10240x128xf32, #tpu.memory_space<hbm>> -> memref<640x128xf32, #tpu.memory_space<hbm>>
        %dma_start3A_20 = arith.constant 0 : i32
        %dma_start3A_21 = tpu.memref_slice %arg12[%mul3A_0, %dma_start3A_20] : memref<10240x128xf32, #tpu.memory_space<vmem_shared>> -> memref<640x128xf32, #tpu.memory_space<vmem_shared>>
        tpu.enqueue_dma source(%dma_start3A_21 : memref<640x128xf32, #tpu.memory_space<vmem_shared>>) target(%dma_start3A_19 : memref<640x128xf32, #tpu.memory_space<hbm>>) target_semaphore(%run_scoped3A : memref<!tpu.dma_semaphore, #tpu.memory_space<semaphore_mem>>)
        %dma_wait3A = arith.constant 0 : i32
        %dma_wait3A_22 = tpu.memref_slice %arg6[%mul3A_0, %dma_wait3A] : memref<10240x128xf32, #tpu.memory_space<hbm>> -> memref<640x128xf32, #tpu.memory_space<hbm>>
        %dma_wait3A_23 = arith.constant 0 : i32
        %dma_wait3A_24 = tpu.memref_slice %arg12[%mul3A_0, %dma_wait3A_23] : memref<10240x128xf32, #tpu.memory_space<vmem_shared>> -> memref<640x128xf32, #tpu.memory_space<vmem_shared>>
        tpu.wait_dma2 semaphore(%run_scoped3A : memref<!tpu.dma_semaphore, #tpu.memory_space<semaphore_mem>>) src(%dma_wait3A_24 : memref<640x128xf32, #tpu.memory_space<vmem_shared>>) dst(%dma_wait3A_22 : memref<640x128xf32, #tpu.memory_space<hbm>>)
        tpu.yield
      }) : () -> ()
    } else {
    }
    %eq3A_14 = arith.constant 1 : i32
    %eq3A_15 = arith.cmpi eq, %arg0, %eq3A_14 : i32
    %convert_element_type3A_16 = arith.extui %eq3A_15 : i1 to i32
    %cond3A_17 = arith.constant 0 : i32
    %cond3A_18 = arith.cmpi ne, %convert_element_type3A_16, %cond3A_17 : i32
    scf.if %cond3A_18 {
      "tpu.region"() ({
        %run_scoped3A = tpu.sem_alloc : memref<!tpu.dma_semaphore, #tpu.memory_space<semaphore_mem>>
        %dma_start3A = arith.constant 0 : i32
        %dma_start3A_19 = tpu.memref_slice %arg7[%mul3A_0, %dma_start3A] : memref<10240x128xf32, #tpu.memory_space<hbm>> -> memref<640x128xf32, #tpu.memory_space<hbm>>
        %dma_start3A_20 = arith.constant 0 : i32
        %dma_start3A_21 = tpu.memref_slice %arg12[%mul3A_0, %dma_start3A_20] : memref<10240x128xf32, #tpu.memory_space<vmem_shared>> -> memref<640x128xf32, #tpu.memory_space<vmem_shared>>
        tpu.enqueue_dma source(%dma_start3A_21 : memref<640x128xf32, #tpu.memory_space<vmem_shared>>) target(%dma_start3A_19 : memref<640x128xf32, #tpu.memory_space<hbm>>) target_semaphore(%run_scoped3A : memref<!tpu.dma_semaphore, #tpu.memory_space<semaphore_mem>>)
        %dma_wait3A = arith.constant 0 : i32
        %dma_wait3A_22 = tpu.memref_slice %arg7[%mul3A_0, %dma_wait3A] : memref<10240x128xf32, #tpu.memory_space<hbm>> -> memref<640x128xf32, #tpu.memory_space<hbm>>
        %dma_wait3A_23 = arith.constant 0 : i32
        %dma_wait3A_24 = tpu.memref_slice %arg12[%mul3A_0, %dma_wait3A_23] : memref<10240x128xf32, #tpu.memory_space<vmem_shared>> -> memref<640x128xf32, #tpu.memory_space<vmem_shared>>
        tpu.wait_dma2 semaphore(%run_scoped3A : memref<!tpu.dma_semaphore, #tpu.memory_space<semaphore_mem>>) src(%dma_wait3A_24 : memref<640x128xf32, #tpu.memory_space<vmem_shared>>) dst(%dma_wait3A_22 : memref<640x128xf32, #tpu.memory_space<hbm>>)
        tpu.yield
      }) : () -> ()
    } else {
    }
    return
  }
}

#map = affine_map<(d0, d1) -> (0, 0)>
#map1 = affine_map<(d0, d1) -> (0, 0, 0, 0)>
module attributes {stable_mosaic.version = 14 : i64} {
  func.func @_sc_agg2_body(%arg0: i32, %arg1: i32, %arg2: memref<10240x128xf32, #tpu.memory_space<hbm>>, %arg3: memref<10240x128xf32, #tpu.memory_space<hbm>>, %arg4: memref<10240x128xf32, #tpu.memory_space<hbm>>, %arg5: memref<10240x128xf32, #tpu.memory_space<hbm>>, %arg6: memref<16x80x2x128xi32, #tpu.memory_space<hbm>>, %arg7: memref<640x128xf32, #tpu.memory_space<hbm>>, %arg8: memref<10240x128xf32, #tpu.memory_space<hbm>>, %arg9: memref<10240x128xf32, #tpu.memory_space<hbm>>, %arg10: memref<10240x128xf32, #tpu.memory_space<hbm>>, %arg11: memref<10240x128xf32, #tpu.memory_space<hbm>>, %arg12: memref<128x128xf32, #tpu.memory_space<vmem>>, %arg13: memref<128x128xf32, #tpu.memory_space<vmem>>, %arg14: memref<2x128xi32, #tpu.memory_space<vmem>>, %arg15: memref<2x128xi32, #tpu.memory_space<vmem>>, %arg16: memref<10240x128xf32, #tpu.memory_space<vmem_shared>>, %arg17: memref<!tpu.dma_semaphore, #tpu.memory_space<semaphore_mem>>, %arg18: memref<!tpu.dma_semaphore, #tpu.memory_space<semaphore_mem>>, %arg19: memref<!tpu.dma_semaphore, #tpu.memory_space<semaphore_mem>>, %arg20: memref<!tpu.dma_semaphore, #tpu.memory_space<semaphore_mem>>) attributes {dimension_semantics = [#tpu.dimension_semantics<core_parallel>, #tpu.dimension_semantics<subcore_parallel>], iteration_bounds = array<i64: 2, 16>, scalar_prefetch = 0 : i64, scratch_operands = 9 : i64, tpu.core_type = #tpu.core_type<sc_vector_subcore>, window_params = [{transform_indices = #map}, {transform_indices = #map}, {transform_indices = #map}, {transform_indices = #map}, {transform_indices = #map1}, {transform_indices = #map}, {transform_indices = #map}, {transform_indices = #map}, {transform_indices = #map}, {transform_indices = #map}]} {
    %mul3A = arith.constant 640 : i32
    %mul3A_0 = arith.muli %arg1, %mul3A : i32
    %eq3A = arith.constant 0 : i32
    %eq3A_1 = arith.cmpi eq, %arg0, %eq3A : i32
    %convert_element_type3A = arith.extui %eq3A_1 : i1 to i32
    %cond3A = arith.constant 0 : i32
    %cond3A_2 = arith.cmpi ne, %convert_element_type3A, %cond3A : i32
    scf.if %cond3A_2 {
      "tpu.region"() ({
        %run_scoped3A_51 = tpu.sem_alloc : memref<!tpu.dma_semaphore, #tpu.memory_space<semaphore_mem>>
        %dma_start3A_52 = arith.constant 0 : i32
        %dma_start3A_53 = tpu.memref_slice %arg16[%mul3A_0, %dma_start3A_52] : memref<10240x128xf32, #tpu.memory_space<vmem_shared>> -> memref<640x128xf32, #tpu.memory_space<vmem_shared>>
        tpu.enqueue_dma source(%arg7 : memref<640x128xf32, #tpu.memory_space<hbm>>) target(%dma_start3A_53 : memref<640x128xf32, #tpu.memory_space<vmem_shared>>) target_semaphore(%run_scoped3A_51 : memref<!tpu.dma_semaphore, #tpu.memory_space<semaphore_mem>>)
        %dma_wait3A_54 = arith.constant 0 : i32
        %dma_wait3A_55 = tpu.memref_slice %arg16[%mul3A_0, %dma_wait3A_54] : memref<10240x128xf32, #tpu.memory_space<vmem_shared>> -> memref<640x128xf32, #tpu.memory_space<vmem_shared>>
        tpu.wait_dma2 semaphore(%run_scoped3A_51 : memref<!tpu.dma_semaphore, #tpu.memory_space<semaphore_mem>>) src(%arg7 : memref<640x128xf32, #tpu.memory_space<hbm>>) dst(%dma_wait3A_55 : memref<640x128xf32, #tpu.memory_space<vmem_shared>>)
        tpu.yield
      }) : () -> ()
      %barrier3A = arith.constant 0 : index
      tpu.barrier barrier_id(%barrier3A)
      %run_scoped3A = arith.constant 0 : i32
      "tpu.region"() ({
        %run_scoped3A_51 = tpu.sem_alloc : memref<!tpu.dma_semaphore, #tpu.memory_space<semaphore_mem>>
        %dma_start3A_52 = arith.constant 0 : i32
        %dma_start3A_53 = arith.constant 0 : i32
        %dma_start3A_54 = arith.constant 0 : i32
        %dma_start3A_55 = tpu.memref_slice %arg6[%arg1, %dma_start3A_52, %dma_start3A_53, %dma_start3A_54] : memref<16x80x2x128xi32, #tpu.memory_space<hbm>> -> memref<1x80x2x128xi32, #tpu.memory_space<hbm>>
        %dma_start3A_56 = tpu.memref_squeeze %dma_start3A_55 : memref<1x80x2x128xi32, #tpu.memory_space<hbm>> -> memref<80x2x128xi32, #tpu.memory_space<hbm>>
        %dma_start3A_57 = arith.constant 0 : i32
        %dma_start3A_58 = arith.constant 0 : i32
        %dma_start3A_59 = tpu.memref_slice %dma_start3A_56[%run_scoped3A, %dma_start3A_57, %dma_start3A_58] : memref<80x2x128xi32, #tpu.memory_space<hbm>> -> memref<1x2x128xi32, #tpu.memory_space<hbm>>
        %dma_start3A_60 = tpu.memref_squeeze %dma_start3A_59 : memref<1x2x128xi32, #tpu.memory_space<hbm>> -> memref<2x128xi32, #tpu.memory_space<hbm>>
        %dma_start3A_61 = arith.constant 0 : i32
        %dma_start3A_62 = arith.constant 0 : i32
        %dma_start3A_63 = arith.constant 0 : i32
        %dma_start3A_64 = tpu.memref_slice %arg6[%arg1, %dma_start3A_61, %dma_start3A_62, %dma_start3A_63] : memref<16x80x2x128xi32, #tpu.memory_space<hbm>> -> memref<1x80x2x128xi32, #tpu.memory_space<hbm>>
        %dma_start3A_65 = tpu.memref_squeeze %dma_start3A_64 : memref<1x80x2x128xi32, #tpu.memory_space<hbm>> -> memref<80x2x128xi32, #tpu.memory_space<hbm>>
        %dma_start3A_66 = arith.constant 0 : i32
        %dma_start3A_67 = arith.constant 0 : i32
        %dma_start3A_68 = tpu.memref_slice %dma_start3A_65[%run_scoped3A, %dma_start3A_66, %dma_start3A_67] : memref<80x2x128xi32, #tpu.memory_space<hbm>> -> memref<1x2x128xi32, #tpu.memory_space<hbm>>
        %dma_start3A_69 = tpu.memref_squeeze %dma_start3A_68 : memref<1x2x128xi32, #tpu.memory_space<hbm>> -> memref<2x128xi32, #tpu.memory_space<hbm>>
        tpu.enqueue_dma source(%dma_start3A_69 : memref<2x128xi32, #tpu.memory_space<hbm>>) target(%arg14 : memref<2x128xi32, #tpu.memory_space<vmem>>) target_semaphore(%run_scoped3A_51 : memref<!tpu.dma_semaphore, #tpu.memory_space<semaphore_mem>>)
        %dma_wait3A_70 = arith.constant 0 : i32
        %dma_wait3A_71 = arith.constant 0 : i32
        %dma_wait3A_72 = arith.constant 0 : i32
        %dma_wait3A_73 = tpu.memref_slice %arg6[%arg1, %dma_wait3A_70, %dma_wait3A_71, %dma_wait3A_72] : memref<16x80x2x128xi32, #tpu.memory_space<hbm>> -> memref<1x80x2x128xi32, #tpu.memory_space<hbm>>
        %dma_wait3A_74 = tpu.memref_squeeze %dma_wait3A_73 : memref<1x80x2x128xi32, #tpu.memory_space<hbm>> -> memref<80x2x128xi32, #tpu.memory_space<hbm>>
        %dma_wait3A_75 = arith.constant 0 : i32
        %dma_wait3A_76 = arith.constant 0 : i32
        %dma_wait3A_77 = tpu.memref_slice %dma_wait3A_74[%run_scoped3A, %dma_wait3A_75, %dma_wait3A_76] : memref<80x2x128xi32, #tpu.memory_space<hbm>> -> memref<1x2x128xi32, #tpu.memory_space<hbm>>
        %dma_wait3A_78 = tpu.memref_squeeze %dma_wait3A_77 : memref<1x2x128xi32, #tpu.memory_space<hbm>> -> memref<2x128xi32, #tpu.memory_space<hbm>>
        %dma_wait3A_79 = arith.constant 0 : i32
        %dma_wait3A_80 = arith.constant 0 : i32
        %dma_wait3A_81 = arith.constant 0 : i32
        %dma_wait3A_82 = tpu.memref_slice %arg6[%arg1, %dma_wait3A_79, %dma_wait3A_80, %dma_wait3A_81] : memref<16x80x2x128xi32, #tpu.memory_space<hbm>> -> memref<1x80x2x128xi32, #tpu.memory_space<hbm>>
        %dma_wait3A_83 = tpu.memref_squeeze %dma_wait3A_82 : memref<1x80x2x128xi32, #tpu.memory_space<hbm>> -> memref<80x2x128xi32, #tpu.memory_space<hbm>>
        %dma_wait3A_84 = arith.constant 0 : i32
        %dma_wait3A_85 = arith.constant 0 : i32
        %dma_wait3A_86 = tpu.memref_slice %dma_wait3A_83[%run_scoped3A, %dma_wait3A_84, %dma_wait3A_85] : memref<80x2x128xi32, #tpu.memory_space<hbm>> -> memref<1x2x128xi32, #tpu.memory_space<hbm>>
        %dma_wait3A_87 = tpu.memref_squeeze %dma_wait3A_86 : memref<1x2x128xi32, #tpu.memory_space<hbm>> -> memref<2x128xi32, #tpu.memory_space<hbm>>
        tpu.wait_dma2 semaphore(%run_scoped3A_51 : memref<!tpu.dma_semaphore, #tpu.memory_space<semaphore_mem>>) src(%dma_wait3A_87 : memref<2x128xi32, #tpu.memory_space<hbm>>) dst(%arg14 : memref<2x128xi32, #tpu.memory_space<vmem>>)
        tpu.yield
      }) : () -> ()
      %dma_start3A = arith.constant 0 : i32
      %dma_start3A_8 = arith.constant 0 : i32
      %dma_start3A_9 = tpu.memref_slice %arg14[%dma_start3A, %dma_start3A_8] : memref<2x128xi32, #tpu.memory_space<vmem>> -> memref<1x128xi32, #tpu.memory_space<vmem>>
      %dma_start3A_10 = tpu.memref_squeeze %dma_start3A_9 : memref<1x128xi32, #tpu.memory_space<vmem>> -> memref<128xi32, #tpu.memory_space<vmem>>
      %dma_start3A_11 = arith.constant 0 : i32
      %dma_start3A_12 = arith.constant 0 : i32
      %dma_start3A_13 = tpu.memref_slice %arg2[%dma_start3A_11, %dma_start3A_12] : memref<10240x128xf32, #tpu.memory_space<hbm>> -> memref<10240x128xf32, #tpu.memory_space<hbm>>
      tpu.enqueue_indirect_dma source(%dma_start3A_13 : memref<10240x128xf32, #tpu.memory_space<hbm>>) target(%arg12 : memref<128x128xf32, #tpu.memory_space<vmem>>) offsets(%dma_start3A_10 : memref<128xi32, #tpu.memory_space<vmem>>) semaphore(%arg17 : memref<!tpu.dma_semaphore, #tpu.memory_space<semaphore_mem>>)
      %scan3A = arith.constant 0 : i32
      %scan3A_14 = arith.constant 0 : i32
      %scan3A_15 = arith.constant 40 : i32
      %scan3A_16 = arith.addi %scan3A_14, %scan3A_15 : i32
      %scan3A_17 = arith.constant 1 : i32
      scf.for %scan3A_51 = %scan3A_14 to %scan3A_16 step %scan3A_17  : i32 {
        %mul3A_52 = arith.constant 2 : i32
        %mul3A_53 = arith.muli %mul3A_52, %scan3A_51 : i32
        %add3A = arith.constant 1 : i32
        %add3A_54 = arith.addi %mul3A_53, %add3A : i32
        "tpu.region"() ({
          %run_scoped3A_90 = tpu.sem_alloc : memref<!tpu.dma_semaphore, #tpu.memory_space<semaphore_mem>>
          %dma_start3A_91 = arith.constant 0 : i32
          %dma_start3A_92 = arith.constant 0 : i32
          %dma_start3A_93 = arith.constant 0 : i32
          %dma_start3A_94 = tpu.memref_slice %arg6[%arg1, %dma_start3A_91, %dma_start3A_92, %dma_start3A_93] : memref<16x80x2x128xi32, #tpu.memory_space<hbm>> -> memref<1x80x2x128xi32, #tpu.memory_space<hbm>>
          %dma_start3A_95 = tpu.memref_squeeze %dma_start3A_94 : memref<1x80x2x128xi32, #tpu.memory_space<hbm>> -> memref<80x2x128xi32, #tpu.memory_space<hbm>>
          %dma_start3A_96 = arith.constant 0 : i32
          %dma_start3A_97 = arith.constant 0 : i32
          %dma_start3A_98 = tpu.memref_slice %dma_start3A_95[%add3A_54, %dma_start3A_96, %dma_start3A_97] : memref<80x2x128xi32, #tpu.memory_space<hbm>> -> memref<1x2x128xi32, #tpu.memory_space<hbm>>
          %dma_start3A_99 = tpu.memref_squeeze %dma_start3A_98 : memref<1x2x128xi32, #tpu.memory_space<hbm>> -> memref<2x128xi32, #tpu.memory_space<hbm>>
          %dma_start3A_100 = arith.constant 0 : i32
          %dma_start3A_101 = arith.constant 0 : i32
          %dma_start3A_102 = arith.constant 0 : i32
          %dma_start3A_103 = tpu.memref_slice %arg6[%arg1, %dma_start3A_100, %dma_start3A_101, %dma_start3A_102] : memref<16x80x2x128xi32, #tpu.memory_space<hbm>> -> memref<1x80x2x128xi32, #tpu.memory_space<hbm>>
          %dma_start3A_104 = tpu.memref_squeeze %dma_start3A_103 : memref<1x80x2x128xi32, #tpu.memory_space<hbm>> -> memref<80x2x128xi32, #tpu.memory_space<hbm>>
          %dma_start3A_105 = arith.constant 0 : i32
          %dma_start3A_106 = arith.constant 0 : i32
          %dma_start3A_107 = tpu.memref_slice %dma_start3A_104[%add3A_54, %dma_start3A_105, %dma_start3A_106] : memref<80x2x128xi32, #tpu.memory_space<hbm>> -> memref<1x2x128xi32, #tpu.memory_space<hbm>>
          %dma_start3A_108 = tpu.memref_squeeze %dma_start3A_107 : memref<1x2x128xi32, #tpu.memory_space<hbm>> -> memref<2x128xi32, #tpu.memory_space<hbm>>
          tpu.enqueue_dma source(%dma_start3A_108 : memref<2x128xi32, #tpu.memory_space<hbm>>) target(%arg15 : memref<2x128xi32, #tpu.memory_space<vmem>>) target_semaphore(%run_scoped3A_90 : memref<!tpu.dma_semaphore, #tpu.memory_space<semaphore_mem>>)
          %dma_wait3A_109 = arith.constant 0 : i32
          %dma_wait3A_110 = arith.constant 0 : i32
          %dma_wait3A_111 = arith.constant 0 : i32
          %dma_wait3A_112 = tpu.memref_slice %arg6[%arg1, %dma_wait3A_109, %dma_wait3A_110, %dma_wait3A_111] : memref<16x80x2x128xi32, #tpu.memory_space<hbm>> -> memref<1x80x2x128xi32, #tpu.memory_space<hbm>>
          %dma_wait3A_113 = tpu.memref_squeeze %dma_wait3A_112 : memref<1x80x2x128xi32, #tpu.memory_space<hbm>> -> memref<80x2x128xi32, #tpu.memory_space<hbm>>
          %dma_wait3A_114 = arith.constant 0 : i32
          %dma_wait3A_115 = arith.constant 0 : i32
          %dma_wait3A_116 = tpu.memref_slice %dma_wait3A_113[%add3A_54, %dma_wait3A_114, %dma_wait3A_115] : memref<80x2x128xi32, #tpu.memory_space<hbm>> -> memref<1x2x128xi32, #tpu.memory_space<hbm>>
          %dma_wait3A_117 = tpu.memref_squeeze %dma_wait3A_116 : memref<1x2x128xi32, #tpu.memory_space<hbm>> -> memref<2x128xi32, #tpu.memory_space<hbm>>
          %dma_wait3A_118 = arith.constant 0 : i32
          %dma_wait3A_119 = arith.constant 0 : i32
          %dma_wait3A_120 = arith.constant 0 : i32
          %dma_wait3A_121 = tpu.memref_slice %arg6[%arg1, %dma_wait3A_118, %dma_wait3A_119, %dma_wait3A_120] : memref<16x80x2x128xi32, #tpu.memory_space<hbm>> -> memref<1x80x2x128xi32, #tpu.memory_space<hbm>>
          %dma_wait3A_122 = tpu.memref_squeeze %dma_wait3A_121 : memref<1x80x2x128xi32, #tpu.memory_space<hbm>> -> memref<80x2x128xi32, #tpu.memory_space<hbm>>
          %dma_wait3A_123 = arith.constant 0 : i32
          %dma_wait3A_124 = arith.constant 0 : i32
          %dma_wait3A_125 = tpu.memref_slice %dma_wait3A_122[%add3A_54, %dma_wait3A_123, %dma_wait3A_124] : memref<80x2x128xi32, #tpu.memory_space<hbm>> -> memref<1x2x128xi32, #tpu.memory_space<hbm>>
          %dma_wait3A_126 = tpu.memref_squeeze %dma_wait3A_125 : memref<1x2x128xi32, #tpu.memory_space<hbm>> -> memref<2x128xi32, #tpu.memory_space<hbm>>
          tpu.wait_dma2 semaphore(%run_scoped3A_90 : memref<!tpu.dma_semaphore, #tpu.memory_space<semaphore_mem>>) src(%dma_wait3A_126 : memref<2x128xi32, #tpu.memory_space<hbm>>) dst(%arg15 : memref<2x128xi32, #tpu.memory_space<vmem>>)
          tpu.yield
        }) : () -> ()
        %dma_start3A_55 = arith.constant 0 : i32
        %dma_start3A_56 = arith.constant 0 : i32
        %dma_start3A_57 = tpu.memref_slice %arg15[%dma_start3A_55, %dma_start3A_56] : memref<2x128xi32, #tpu.memory_space<vmem>> -> memref<1x128xi32, #tpu.memory_space<vmem>>
        %dma_start3A_58 = tpu.memref_squeeze %dma_start3A_57 : memref<1x128xi32, #tpu.memory_space<vmem>> -> memref<128xi32, #tpu.memory_space<vmem>>
        %dma_start3A_59 = arith.constant 0 : i32
        %dma_start3A_60 = arith.constant 0 : i32
        %dma_start3A_61 = tpu.memref_slice %arg2[%dma_start3A_59, %dma_start3A_60] : memref<10240x128xf32, #tpu.memory_space<hbm>> -> memref<10240x128xf32, #tpu.memory_space<hbm>>
        tpu.enqueue_indirect_dma source(%dma_start3A_61 : memref<10240x128xf32, #tpu.memory_space<hbm>>) target(%arg13 : memref<128x128xf32, #tpu.memory_space<vmem>>) offsets(%dma_start3A_58 : memref<128xi32, #tpu.memory_space<vmem>>) semaphore(%arg18 : memref<!tpu.dma_semaphore, #tpu.memory_space<semaphore_mem>>)
        %dma_wait3A_62 = arith.constant 0 : i32
        %dma_wait3A_63 = arith.constant 0 : i32
        %dma_wait3A_64 = tpu.memref_slice %arg14[%dma_wait3A_62, %dma_wait3A_63] : memref<2x128xi32, #tpu.memory_space<vmem>> -> memref<1x128xi32, #tpu.memory_space<vmem>>
        %dma_wait3A_65 = tpu.memref_squeeze %dma_wait3A_64 : memref<1x128xi32, #tpu.memory_space<vmem>> -> memref<128xi32, #tpu.memory_space<vmem>>
        %dma_wait3A_66 = arith.constant 0 : i32
        %dma_wait3A_67 = arith.constant 0 : i32
        %dma_wait3A_68 = tpu.memref_slice %arg2[%dma_wait3A_66, %dma_wait3A_67] : memref<10240x128xf32, #tpu.memory_space<hbm>> -> memref<10240x128xf32, #tpu.memory_space<hbm>>
        tpu.wait_indirect_dma semaphore(%arg17 : memref<!tpu.dma_semaphore, #tpu.memory_space<semaphore_mem>>) src(%dma_wait3A_68 : memref<10240x128xf32, #tpu.memory_space<hbm>>) dst(%arg12 : memref<128x128xf32, #tpu.memory_space<vmem>>)
        %run_scoped3A_69 = arith.constant 1 : i32
        "tpu.region"() ({
          %run_scoped3A_90 = tpu.sem_alloc : memref<!tpu.dma_semaphore, #tpu.memory_space<semaphore_mem>>
          %dma_start3A_91 = arith.constant 0 : i32
          %dma_start3A_92 = tpu.memref_slice %arg14[%run_scoped3A_69, %dma_start3A_91] : memref<2x128xi32, #tpu.memory_space<vmem>> -> memref<1x128xi32, #tpu.memory_space<vmem>>
          %dma_start3A_93 = tpu.memref_squeeze %dma_start3A_92 : memref<1x128xi32, #tpu.memory_space<vmem>> -> memref<128xi32, #tpu.memory_space<vmem>>
          %dma_start3A_94 = arith.constant 0 : i32
          %dma_start3A_95 = arith.constant 0 : i32
          %dma_start3A_96 = tpu.memref_slice %arg16[%dma_start3A_94, %dma_start3A_95] : memref<10240x128xf32, #tpu.memory_space<vmem_shared>> -> memref<10240x128xf32, #tpu.memory_space<vmem_shared>>
          tpu.enqueue_indirect_dma source(%arg12 : memref<128x128xf32, #tpu.memory_space<vmem>>) target(%dma_start3A_96 : memref<10240x128xf32, #tpu.memory_space<vmem_shared>>) offsets(%dma_start3A_93 : memref<128xi32, #tpu.memory_space<vmem>>) semaphore(%run_scoped3A_90 : memref<!tpu.dma_semaphore, #tpu.memory_space<semaphore_mem>>) {add = true}
          %dma_wait3A_97 = arith.constant 0 : i32
          %dma_wait3A_98 = tpu.memref_slice %arg14[%run_scoped3A_69, %dma_wait3A_97] : memref<2x128xi32, #tpu.memory_space<vmem>> -> memref<1x128xi32, #tpu.memory_space<vmem>>
          %dma_wait3A_99 = tpu.memref_squeeze %dma_wait3A_98 : memref<1x128xi32, #tpu.memory_space<vmem>> -> memref<128xi32, #tpu.memory_space<vmem>>
          %dma_wait3A_100 = arith.constant 0 : i32
          %dma_wait3A_101 = arith.constant 0 : i32
          %dma_wait3A_102 = tpu.memref_slice %arg16[%dma_wait3A_100, %dma_wait3A_101] : memref<10240x128xf32, #tpu.memory_space<vmem_shared>> -> memref<10240x128xf32, #tpu.memory_space<vmem_shared>>
          tpu.wait_indirect_dma semaphore(%run_scoped3A_90 : memref<!tpu.dma_semaphore, #tpu.memory_space<semaphore_mem>>) src(%arg12 : memref<128x128xf32, #tpu.memory_space<vmem>>) dst(%dma_wait3A_102 : memref<10240x128xf32, #tpu.memory_space<vmem_shared>>)
          tpu.yield
        }) : () -> ()
        %mul3A_70 = arith.constant 2 : i32
        %mul3A_71 = arith.muli %mul3A_70, %scan3A_51 : i32
        %add3A_72 = arith.constant 2 : i32
        %add3A_73 = arith.addi %mul3A_71, %add3A_72 : i32
        %min3A = arith.constant 78 : i32
        %min3A_74 = arith.minsi %add3A_73, %min3A : i32
        "tpu.region"() ({
          %run_scoped3A_90 = tpu.sem_alloc : memref<!tpu.dma_semaphore, #tpu.memory_space<semaphore_mem>>
          %dma_start3A_91 = arith.constant 0 : i32
          %dma_start3A_92 = arith.constant 0 : i32
          %dma_start3A_93 = arith.constant 0 : i32
          %dma_start3A_94 = tpu.memref_slice %arg6[%arg1, %dma_start3A_91, %dma_start3A_92, %dma_start3A_93] : memref<16x80x2x128xi32, #tpu.memory_space<hbm>> -> memref<1x80x2x128xi32, #tpu.memory_space<hbm>>
          %dma_start3A_95 = tpu.memref_squeeze %dma_start3A_94 : memref<1x80x2x128xi32, #tpu.memory_space<hbm>> -> memref<80x2x128xi32, #tpu.memory_space<hbm>>
          %dma_start3A_96 = arith.constant 0 : i32
          %dma_start3A_97 = arith.constant 0 : i32
          %dma_start3A_98 = tpu.memref_slice %dma_start3A_95[%min3A_74, %dma_start3A_96, %dma_start3A_97] : memref<80x2x128xi32, #tpu.memory_space<hbm>> -> memref<1x2x128xi32, #tpu.memory_space<hbm>>
          %dma_start3A_99 = tpu.memref_squeeze %dma_start3A_98 : memref<1x2x128xi32, #tpu.memory_space<hbm>> -> memref<2x128xi32, #tpu.memory_space<hbm>>
          %dma_start3A_100 = arith.constant 0 : i32
          %dma_start3A_101 = arith.constant 0 : i32
          %dma_start3A_102 = arith.constant 0 : i32
          %dma_start3A_103 = tpu.memref_slice %arg6[%arg1, %dma_start3A_100, %dma_start3A_101, %dma_start3A_102] : memref<16x80x2x128xi32, #tpu.memory_space<hbm>> -> memref<1x80x2x128xi32, #tpu.memory_space<hbm>>
          %dma_start3A_104 = tpu.memref_squeeze %dma_start3A_103 : memref<1x80x2x128xi32, #tpu.memory_space<hbm>> -> memref<80x2x128xi32, #tpu.memory_space<hbm>>
          %dma_start3A_105 = arith.constant 0 : i32
          %dma_start3A_106 = arith.constant 0 : i32
          %dma_start3A_107 = tpu.memref_slice %dma_start3A_104[%min3A_74, %dma_start3A_105, %dma_start3A_106] : memref<80x2x128xi32, #tpu.memory_space<hbm>> -> memref<1x2x128xi32, #tpu.memory_space<hbm>>
          %dma_start3A_108 = tpu.memref_squeeze %dma_start3A_107 : memref<1x2x128xi32, #tpu.memory_space<hbm>> -> memref<2x128xi32, #tpu.memory_space<hbm>>
          tpu.enqueue_dma source(%dma_start3A_108 : memref<2x128xi32, #tpu.memory_space<hbm>>) target(%arg14 : memref<2x128xi32, #tpu.memory_space<vmem>>) target_semaphore(%run_scoped3A_90 : memref<!tpu.dma_semaphore, #tpu.memory_space<semaphore_mem>>)
          %dma_wait3A_109 = arith.constant 0 : i32
          %dma_wait3A_110 = arith.constant 0 : i32
          %dma_wait3A_111 = arith.constant 0 : i32
          %dma_wait3A_112 = tpu.memref_slice %arg6[%arg1, %dma_wait3A_109, %dma_wait3A_110, %dma_wait3A_111] : memref<16x80x2x128xi32, #tpu.memory_space<hbm>> -> memref<1x80x2x128xi32, #tpu.memory_space<hbm>>
          %dma_wait3A_113 = tpu.memref_squeeze %dma_wait3A_112 : memref<1x80x2x128xi32, #tpu.memory_space<hbm>> -> memref<80x2x128xi32, #tpu.memory_space<hbm>>
          %dma_wait3A_114 = arith.constant 0 : i32
          %dma_wait3A_115 = arith.constant 0 : i32
          %dma_wait3A_116 = tpu.memref_slice %dma_wait3A_113[%min3A_74, %dma_wait3A_114, %dma_wait3A_115] : memref<80x2x128xi32, #tpu.memory_space<hbm>> -> memref<1x2x128xi32, #tpu.memory_space<hbm>>
          %dma_wait3A_117 = tpu.memref_squeeze %dma_wait3A_116 : memref<1x2x128xi32, #tpu.memory_space<hbm>> -> memref<2x128xi32, #tpu.memory_space<hbm>>
          %dma_wait3A_118 = arith.constant 0 : i32
          %dma_wait3A_119 = arith.constant 0 : i32
          %dma_wait3A_120 = arith.constant 0 : i32
          %dma_wait3A_121 = tpu.memref_slice %arg6[%arg1, %dma_wait3A_118, %dma_wait3A_119, %dma_wait3A_120] : memref<16x80x2x128xi32, #tpu.memory_space<hbm>> -> memref<1x80x2x128xi32, #tpu.memory_space<hbm>>
          %dma_wait3A_122 = tpu.memref_squeeze %dma_wait3A_121 : memref<1x80x2x128xi32, #tpu.memory_space<hbm>> -> memref<80x2x128xi32, #tpu.memory_space<hbm>>
          %dma_wait3A_123 = arith.constant 0 : i32
          %dma_wait3A_124 = arith.constant 0 : i32
          %dma_wait3A_125 = tpu.memref_slice %dma_wait3A_122[%min3A_74, %dma_wait3A_123, %dma_wait3A_124] : memref<80x2x128xi32, #tpu.memory_space<hbm>> -> memref<1x2x128xi32, #tpu.memory_space<hbm>>
          %dma_wait3A_126 = tpu.memref_squeeze %dma_wait3A_125 : memref<1x2x128xi32, #tpu.memory_space<hbm>> -> memref<2x128xi32, #tpu.memory_space<hbm>>
          tpu.wait_dma2 semaphore(%run_scoped3A_90 : memref<!tpu.dma_semaphore, #tpu.memory_space<semaphore_mem>>) src(%dma_wait3A_126 : memref<2x128xi32, #tpu.memory_space<hbm>>) dst(%arg14 : memref<2x128xi32, #tpu.memory_space<vmem>>)
          tpu.yield
        }) : () -> ()
        %dma_start3A_75 = arith.constant 0 : i32
        %dma_start3A_76 = arith.constant 0 : i32
        %dma_start3A_77 = tpu.memref_slice %arg14[%dma_start3A_75, %dma_start3A_76] : memref<2x128xi32, #tpu.memory_space<vmem>> -> memref<1x128xi32, #tpu.memory_space<vmem>>
        %dma_start3A_78 = tpu.memref_squeeze %dma_start3A_77 : memref<1x128xi32, #tpu.memory_space<vmem>> -> memref<128xi32, #tpu.memory_space<vmem>>
        %dma_start3A_79 = arith.constant 0 : i32
        %dma_start3A_80 = arith.constant 0 : i32
        %dma_start3A_81 = tpu.memref_slice %arg2[%dma_start3A_79, %dma_start3A_80] : memref<10240x128xf32, #tpu.memory_space<hbm>> -> memref<10240x128xf32, #tpu.memory_space<hbm>>
        tpu.enqueue_indirect_dma source(%dma_start3A_81 : memref<10240x128xf32, #tpu.memory_space<hbm>>) target(%arg12 : memref<128x128xf32, #tpu.memory_space<vmem>>) offsets(%dma_start3A_78 : memref<128xi32, #tpu.memory_space<vmem>>) semaphore(%arg17 : memref<!tpu.dma_semaphore, #tpu.memory_space<semaphore_mem>>)
        %dma_wait3A_82 = arith.constant 0 : i32
        %dma_wait3A_83 = arith.constant 0 : i32
        %dma_wait3A_84 = tpu.memref_slice %arg15[%dma_wait3A_82, %dma_wait3A_83] : memref<2x128xi32, #tpu.memory_space<vmem>> -> memref<1x128xi32, #tpu.memory_space<vmem>>
        %dma_wait3A_85 = tpu.memref_squeeze %dma_wait3A_84 : memref<1x128xi32, #tpu.memory_space<vmem>> -> memref<128xi32, #tpu.memory_space<vmem>>
        %dma_wait3A_86 = arith.constant 0 : i32
        %dma_wait3A_87 = arith.constant 0 : i32
        %dma_wait3A_88 = tpu.memref_slice %arg2[%dma_wait3A_86, %dma_wait3A_87] : memref<10240x128xf32, #tpu.memory_space<hbm>> -> memref<10240x128xf32, #tpu.memory_space<hbm>>
        tpu.wait_indirect_dma semaphore(%arg18 : memref<!tpu.dma_semaphore, #tpu.memory_space<semaphore_mem>>) src(%dma_wait3A_88 : memref<10240x128xf32, #tpu.memory_space<hbm>>) dst(%arg13 : memref<128x128xf32, #tpu.memory_space<vmem>>)
        %run_scoped3A_89 = arith.constant 1 : i32
        "tpu.region"() ({
          %run_scoped3A_90 = tpu.sem_alloc : memref<!tpu.dma_semaphore, #tpu.memory_space<semaphore_mem>>
          %dma_start3A_91 = arith.constant 0 : i32
          %dma_start3A_92 = tpu.memref_slice %arg15[%run_scoped3A_89, %dma_start3A_91] : memref<2x128xi32, #tpu.memory_space<vmem>> -> memref<1x128xi32, #tpu.memory_space<vmem>>
          %dma_start3A_93 = tpu.memref_squeeze %dma_start3A_92 : memref<1x128xi32, #tpu.memory_space<vmem>> -> memref<128xi32, #tpu.memory_space<vmem>>
          %dma_start3A_94 = arith.constant 0 : i32
          %dma_start3A_95 = arith.constant 0 : i32
          %dma_start3A_96 = tpu.memref_slice %arg16[%dma_start3A_94, %dma_start3A_95] : memref<10240x128xf32, #tpu.memory_space<vmem_shared>> -> memref<10240x128xf32, #tpu.memory_space<vmem_shared>>
          tpu.enqueue_indirect_dma source(%arg13 : memref<128x128xf32, #tpu.memory_space<vmem>>) target(%dma_start3A_96 : memref<10240x128xf32, #tpu.memory_space<vmem_shared>>) offsets(%dma_start3A_93 : memref<128xi32, #tpu.memory_space<vmem>>) semaphore(%run_scoped3A_90 : memref<!tpu.dma_semaphore, #tpu.memory_space<semaphore_mem>>) {add = true}
          %dma_wait3A_97 = arith.constant 0 : i32
          %dma_wait3A_98 = tpu.memref_slice %arg15[%run_scoped3A_89, %dma_wait3A_97] : memref<2x128xi32, #tpu.memory_space<vmem>> -> memref<1x128xi32, #tpu.memory_space<vmem>>
          %dma_wait3A_99 = tpu.memref_squeeze %dma_wait3A_98 : memref<1x128xi32, #tpu.memory_space<vmem>> -> memref<128xi32, #tpu.memory_space<vmem>>
          %dma_wait3A_100 = arith.constant 0 : i32
          %dma_wait3A_101 = arith.constant 0 : i32
          %dma_wait3A_102 = tpu.memref_slice %arg16[%dma_wait3A_100, %dma_wait3A_101] : memref<10240x128xf32, #tpu.memory_space<vmem_shared>> -> memref<10240x128xf32, #tpu.memory_space<vmem_shared>>
          tpu.wait_indirect_dma semaphore(%run_scoped3A_90 : memref<!tpu.dma_semaphore, #tpu.memory_space<semaphore_mem>>) src(%arg13 : memref<128x128xf32, #tpu.memory_space<vmem>>) dst(%dma_wait3A_102 : memref<10240x128xf32, #tpu.memory_space<vmem_shared>>)
          tpu.yield
        }) : () -> ()
      }
      %scan3A_18 = arith.constant 40 : i32
      %dma_wait3A = arith.constant 0 : i32
      %dma_wait3A_19 = arith.constant 0 : i32
      %dma_wait3A_20 = tpu.memref_slice %arg14[%dma_wait3A, %dma_wait3A_19] : memref<2x128xi32, #tpu.memory_space<vmem>> -> memref<1x128xi32, #tpu.memory_space<vmem>>
      %dma_wait3A_21 = tpu.memref_squeeze %dma_wait3A_20 : memref<1x128xi32, #tpu.memory_space<vmem>> -> memref<128xi32, #tpu.memory_space<vmem>>
      %dma_wait3A_22 = arith.constant 0 : i32
      %dma_wait3A_23 = arith.constant 0 : i32
      %dma_wait3A_24 = tpu.memref_slice %arg2[%dma_wait3A_22, %dma_wait3A_23] : memref<10240x128xf32, #tpu.memory_space<hbm>> -> memref<10240x128xf32, #tpu.memory_space<hbm>>
      tpu.wait_indirect_dma semaphore(%arg17 : memref<!tpu.dma_semaphore, #tpu.memory_space<semaphore_mem>>) src(%dma_wait3A_24 : memref<10240x128xf32, #tpu.memory_space<hbm>>) dst(%arg12 : memref<128x128xf32, #tpu.memory_space<vmem>>)
      %barrier3A_25 = arith.constant 0 : index
      tpu.barrier barrier_id(%barrier3A_25)
      "tpu.region"() ({
        %run_scoped3A_51 = tpu.sem_alloc : memref<!tpu.dma_semaphore, #tpu.memory_space<semaphore_mem>>
        %dma_start3A_52 = arith.constant 0 : i32
        %dma_start3A_53 = tpu.memref_slice %arg8[%mul3A_0, %dma_start3A_52] : memref<10240x128xf32, #tpu.memory_space<hbm>> -> memref<640x128xf32, #tpu.memory_space<hbm>>
        %dma_start3A_54 = arith.constant 0 : i32
        %dma_start3A_55 = tpu.memref_slice %arg16[%mul3A_0, %dma_start3A_54] : memref<10240x128xf32, #tpu.memory_space<vmem_shared>> -> memref<640x128xf32, #tpu.memory_space<vmem_shared>>
        tpu.enqueue_dma source(%dma_start3A_55 : memref<640x128xf32, #tpu.memory_space<vmem_shared>>) target(%dma_start3A_53 : memref<640x128xf32, #tpu.memory_space<hbm>>) target_semaphore(%run_scoped3A_51 : memref<!tpu.dma_semaphore, #tpu.memory_space<semaphore_mem>>)
        %dma_wait3A_56 = arith.constant 0 : i32
        %dma_wait3A_57 = tpu.memref_slice %arg8[%mul3A_0, %dma_wait3A_56] : memref<10240x128xf32, #tpu.memory_space<hbm>> -> memref<640x128xf32, #tpu.memory_space<hbm>>
        %dma_wait3A_58 = arith.constant 0 : i32
        %dma_wait3A_59 = tpu.memref_slice %arg16[%mul3A_0, %dma_wait3A_58] : memref<10240x128xf32, #tpu.memory_space<vmem_shared>> -> memref<640x128xf32, #tpu.memory_space<vmem_shared>>
        tpu.wait_dma2 semaphore(%run_scoped3A_51 : memref<!tpu.dma_semaphore, #tpu.memory_space<semaphore_mem>>) src(%dma_wait3A_59 : memref<640x128xf32, #tpu.memory_space<vmem_shared>>) dst(%dma_wait3A_57 : memref<640x128xf32, #tpu.memory_space<hbm>>)
        tpu.yield
      }) : () -> ()
      %barrier3A_26 = arith.constant 0 : index
      tpu.barrier barrier_id(%barrier3A_26)
      "tpu.region"() ({
        %run_scoped3A_51 = tpu.sem_alloc : memref<!tpu.dma_semaphore, #tpu.memory_space<semaphore_mem>>
        %dma_start3A_52 = arith.constant 0 : i32
        %dma_start3A_53 = tpu.memref_slice %arg16[%mul3A_0, %dma_start3A_52] : memref<10240x128xf32, #tpu.memory_space<vmem_shared>> -> memref<640x128xf32, #tpu.memory_space<vmem_shared>>
        tpu.enqueue_dma source(%arg7 : memref<640x128xf32, #tpu.memory_space<hbm>>) target(%dma_start3A_53 : memref<640x128xf32, #tpu.memory_space<vmem_shared>>) target_semaphore(%run_scoped3A_51 : memref<!tpu.dma_semaphore, #tpu.memory_space<semaphore_mem>>)
        %dma_wait3A_54 = arith.constant 0 : i32
        %dma_wait3A_55 = tpu.memref_slice %arg16[%mul3A_0, %dma_wait3A_54] : memref<10240x128xf32, #tpu.memory_space<vmem_shared>> -> memref<640x128xf32, #tpu.memory_space<vmem_shared>>
        tpu.wait_dma2 semaphore(%run_scoped3A_51 : memref<!tpu.dma_semaphore, #tpu.memory_space<semaphore_mem>>) src(%arg7 : memref<640x128xf32, #tpu.memory_space<hbm>>) dst(%dma_wait3A_55 : memref<640x128xf32, #tpu.memory_space<vmem_shared>>)
        tpu.yield
      }) : () -> ()
      %barrier3A_27 = arith.constant 0 : index
      tpu.barrier barrier_id(%barrier3A_27)
      %run_scoped3A_28 = arith.constant 0 : i32
      "tpu.region"() ({
        %run_scoped3A_51 = tpu.sem_alloc : memref<!tpu.dma_semaphore, #tpu.memory_space<semaphore_mem>>
        %dma_start3A_52 = arith.constant 0 : i32
        %dma_start3A_53 = arith.constant 0 : i32
        %dma_start3A_54 = arith.constant 0 : i32
        %dma_start3A_55 = tpu.memref_slice %arg6[%arg1, %dma_start3A_52, %dma_start3A_53, %dma_start3A_54] : memref<16x80x2x128xi32, #tpu.memory_space<hbm>> -> memref<1x80x2x128xi32, #tpu.memory_space<hbm>>
        %dma_start3A_56 = tpu.memref_squeeze %dma_start3A_55 : memref<1x80x2x128xi32, #tpu.memory_space<hbm>> -> memref<80x2x128xi32, #tpu.memory_space<hbm>>
        %dma_start3A_57 = arith.constant 0 : i32
        %dma_start3A_58 = arith.constant 0 : i32
        %dma_start3A_59 = tpu.memref_slice %dma_start3A_56[%run_scoped3A_28, %dma_start3A_57, %dma_start3A_58] : memref<80x2x128xi32, #tpu.memory_space<hbm>> -> memref<1x2x128xi32, #tpu.memory_space<hbm>>
        %dma_start3A_60 = tpu.memref_squeeze %dma_start3A_59 : memref<1x2x128xi32, #tpu.memory_space<hbm>> -> memref<2x128xi32, #tpu.memory_space<hbm>>
        %dma_start3A_61 = arith.constant 0 : i32
        %dma_start3A_62 = arith.constant 0 : i32
        %dma_start3A_63 = arith.constant 0 : i32
        %dma_start3A_64 = tpu.memref_slice %arg6[%arg1, %dma_start3A_61, %dma_start3A_62, %dma_start3A_63] : memref<16x80x2x128xi32, #tpu.memory_space<hbm>> -> memref<1x80x2x128xi32, #tpu.memory_space<hbm>>
        %dma_start3A_65 = tpu.memref_squeeze %dma_start3A_64 : memref<1x80x2x128xi32, #tpu.memory_space<hbm>> -> memref<80x2x128xi32, #tpu.memory_space<hbm>>
        %dma_start3A_66 = arith.constant 0 : i32
        %dma_start3A_67 = arith.constant 0 : i32
        %dma_start3A_68 = tpu.memref_slice %dma_start3A_65[%run_scoped3A_28, %dma_start3A_66, %dma_start3A_67] : memref<80x2x128xi32, #tpu.memory_space<hbm>> -> memref<1x2x128xi32, #tpu.memory_space<hbm>>
        %dma_start3A_69 = tpu.memref_squeeze %dma_start3A_68 : memref<1x2x128xi32, #tpu.memory_space<hbm>> -> memref<2x128xi32, #tpu.memory_space<hbm>>
        tpu.enqueue_dma source(%dma_start3A_69 : memref<2x128xi32, #tpu.memory_space<hbm>>) target(%arg14 : memref<2x128xi32, #tpu.memory_space<vmem>>) target_semaphore(%run_scoped3A_51 : memref<!tpu.dma_semaphore, #tpu.memory_space<semaphore_mem>>)
        %dma_wait3A_70 = arith.constant 0 : i32
        %dma_wait3A_71 = arith.constant 0 : i32
        %dma_wait3A_72 = arith.constant 0 : i32
        %dma_wait3A_73 = tpu.memref_slice %arg6[%arg1, %dma_wait3A_70, %dma_wait3A_71, %dma_wait3A_72] : memref<16x80x2x128xi32, #tpu.memory_space<hbm>> -> memref<1x80x2x128xi32, #tpu.memory_space<hbm>>
        %dma_wait3A_74 = tpu.memref_squeeze %dma_wait3A_73 : memref<1x80x2x128xi32, #tpu.memory_space<hbm>> -> memref<80x2x128xi32, #tpu.memory_space<hbm>>
        %dma_wait3A_75 = arith.constant 0 : i32
        %dma_wait3A_76 = arith.constant 0 : i32
        %dma_wait3A_77 = tpu.memref_slice %dma_wait3A_74[%run_scoped3A_28, %dma_wait3A_75, %dma_wait3A_76] : memref<80x2x128xi32, #tpu.memory_space<hbm>> -> memref<1x2x128xi32, #tpu.memory_space<hbm>>
        %dma_wait3A_78 = tpu.memref_squeeze %dma_wait3A_77 : memref<1x2x128xi32, #tpu.memory_space<hbm>> -> memref<2x128xi32, #tpu.memory_space<hbm>>
        %dma_wait3A_79 = arith.constant 0 : i32
        %dma_wait3A_80 = arith.constant 0 : i32
        %dma_wait3A_81 = arith.constant 0 : i32
        %dma_wait3A_82 = tpu.memref_slice %arg6[%arg1, %dma_wait3A_79, %dma_wait3A_80, %dma_wait3A_81] : memref<16x80x2x128xi32, #tpu.memory_space<hbm>> -> memref<1x80x2x128xi32, #tpu.memory_space<hbm>>
        %dma_wait3A_83 = tpu.memref_squeeze %dma_wait3A_82 : memref<1x80x2x128xi32, #tpu.memory_space<hbm>> -> memref<80x2x128xi32, #tpu.memory_space<hbm>>
        %dma_wait3A_84 = arith.constant 0 : i32
        %dma_wait3A_85 = arith.constant 0 : i32
        %dma_wait3A_86 = tpu.memref_slice %dma_wait3A_83[%run_scoped3A_28, %dma_wait3A_84, %dma_wait3A_85] : memref<80x2x128xi32, #tpu.memory_space<hbm>> -> memref<1x2x128xi32, #tpu.memory_space<hbm>>
        %dma_wait3A_87 = tpu.memref_squeeze %dma_wait3A_86 : memref<1x2x128xi32, #tpu.memory_space<hbm>> -> memref<2x128xi32, #tpu.memory_space<hbm>>
        tpu.wait_dma2 semaphore(%run_scoped3A_51 : memref<!tpu.dma_semaphore, #tpu.memory_space<semaphore_mem>>) src(%dma_wait3A_87 : memref<2x128xi32, #tpu.memory_space<hbm>>) dst(%arg14 : memref<2x128xi32, #tpu.memory_space<vmem>>)
        tpu.yield
      }) : () -> ()
      %dma_start3A_29 = arith.constant 0 : i32
      %dma_start3A_30 = arith.constant 0 : i32
      %dma_start3A_31 = tpu.memref_slice %arg14[%dma_start3A_29, %dma_start3A_30] : memref<2x128xi32, #tpu.memory_space<vmem>> -> memref<1x128xi32, #tpu.memory_space<vmem>>
      %dma_start3A_32 = tpu.memref_squeeze %dma_start3A_31 : memref<1x128xi32, #tpu.memory_space<vmem>> -> memref<128xi32, #tpu.memory_space<vmem>>
      %dma_start3A_33 = arith.constant 0 : i32
      %dma_start3A_34 = arith.constant 0 : i32
      %dma_start3A_35 = tpu.memref_slice %arg4[%dma_start3A_33, %dma_start3A_34] : memref<10240x128xf32, #tpu.memory_space<hbm>> -> memref<10240x128xf32, #tpu.memory_space<hbm>>
      tpu.enqueue_indirect_dma source(%dma_start3A_35 : memref<10240x128xf32, #tpu.memory_space<hbm>>) target(%arg12 : memref<128x128xf32, #tpu.memory_space<vmem>>) offsets(%dma_start3A_32 : memref<128xi32, #tpu.memory_space<vmem>>) semaphore(%arg17 : memref<!tpu.dma_semaphore, #tpu.memory_space<semaphore_mem>>)
      %scan3A_36 = arith.constant 0 : i32
      %scan3A_37 = arith.constant 0 : i32
      %scan3A_38 = arith.constant 40 : i32
      %scan3A_39 = arith.addi %scan3A_37, %scan3A_38 : i32
      %scan3A_40 = arith.constant 1 : i32
      scf.for %scan3A_51 = %scan3A_37 to %scan3A_39 step %scan3A_40  : i32 {
        %mul3A_52 = arith.constant 2 : i32
        %mul3A_53 = arith.muli %mul3A_52, %scan3A_51 : i32
        %add3A = arith.constant 1 : i32
        %add3A_54 = arith.addi %mul3A_53, %add3A : i32
        "tpu.region"() ({
          %run_scoped3A_90 = tpu.sem_alloc : memref<!tpu.dma_semaphore, #tpu.memory_space<semaphore_mem>>
          %dma_start3A_91 = arith.constant 0 : i32
          %dma_start3A_92 = arith.constant 0 : i32
          %dma_start3A_93 = arith.constant 0 : i32
          %dma_start3A_94 = tpu.memref_slice %arg6[%arg1, %dma_start3A_91, %dma_start3A_92, %dma_start3A_93] : memref<16x80x2x128xi32, #tpu.memory_space<hbm>> -> memref<1x80x2x128xi32, #tpu.memory_space<hbm>>
          %dma_start3A_95 = tpu.memref_squeeze %dma_start3A_94 : memref<1x80x2x128xi32, #tpu.memory_space<hbm>> -> memref<80x2x128xi32, #tpu.memory_space<hbm>>
          %dma_start3A_96 = arith.constant 0 : i32
          %dma_start3A_97 = arith.constant 0 : i32
          %dma_start3A_98 = tpu.memref_slice %dma_start3A_95[%add3A_54, %dma_start3A_96, %dma_start3A_97] : memref<80x2x128xi32, #tpu.memory_space<hbm>> -> memref<1x2x128xi32, #tpu.memory_space<hbm>>
          %dma_start3A_99 = tpu.memref_squeeze %dma_start3A_98 : memref<1x2x128xi32, #tpu.memory_space<hbm>> -> memref<2x128xi32, #tpu.memory_space<hbm>>
          %dma_start3A_100 = arith.constant 0 : i32
          %dma_start3A_101 = arith.constant 0 : i32
          %dma_start3A_102 = arith.constant 0 : i32
          %dma_start3A_103 = tpu.memref_slice %arg6[%arg1, %dma_start3A_100, %dma_start3A_101, %dma_start3A_102] : memref<16x80x2x128xi32, #tpu.memory_space<hbm>> -> memref<1x80x2x128xi32, #tpu.memory_space<hbm>>
          %dma_start3A_104 = tpu.memref_squeeze %dma_start3A_103 : memref<1x80x2x128xi32, #tpu.memory_space<hbm>> -> memref<80x2x128xi32, #tpu.memory_space<hbm>>
          %dma_start3A_105 = arith.constant 0 : i32
          %dma_start3A_106 = arith.constant 0 : i32
          %dma_start3A_107 = tpu.memref_slice %dma_start3A_104[%add3A_54, %dma_start3A_105, %dma_start3A_106] : memref<80x2x128xi32, #tpu.memory_space<hbm>> -> memref<1x2x128xi32, #tpu.memory_space<hbm>>
          %dma_start3A_108 = tpu.memref_squeeze %dma_start3A_107 : memref<1x2x128xi32, #tpu.memory_space<hbm>> -> memref<2x128xi32, #tpu.memory_space<hbm>>
          tpu.enqueue_dma source(%dma_start3A_108 : memref<2x128xi32, #tpu.memory_space<hbm>>) target(%arg15 : memref<2x128xi32, #tpu.memory_space<vmem>>) target_semaphore(%run_scoped3A_90 : memref<!tpu.dma_semaphore, #tpu.memory_space<semaphore_mem>>)
          %dma_wait3A_109 = arith.constant 0 : i32
          %dma_wait3A_110 = arith.constant 0 : i32
          %dma_wait3A_111 = arith.constant 0 : i32
          %dma_wait3A_112 = tpu.memref_slice %arg6[%arg1, %dma_wait3A_109, %dma_wait3A_110, %dma_wait3A_111] : memref<16x80x2x128xi32, #tpu.memory_space<hbm>> -> memref<1x80x2x128xi32, #tpu.memory_space<hbm>>
          %dma_wait3A_113 = tpu.memref_squeeze %dma_wait3A_112 : memref<1x80x2x128xi32, #tpu.memory_space<hbm>> -> memref<80x2x128xi32, #tpu.memory_space<hbm>>
          %dma_wait3A_114 = arith.constant 0 : i32
          %dma_wait3A_115 = arith.constant 0 : i32
          %dma_wait3A_116 = tpu.memref_slice %dma_wait3A_113[%add3A_54, %dma_wait3A_114, %dma_wait3A_115] : memref<80x2x128xi32, #tpu.memory_space<hbm>> -> memref<1x2x128xi32, #tpu.memory_space<hbm>>
          %dma_wait3A_117 = tpu.memref_squeeze %dma_wait3A_116 : memref<1x2x128xi32, #tpu.memory_space<hbm>> -> memref<2x128xi32, #tpu.memory_space<hbm>>
          %dma_wait3A_118 = arith.constant 0 : i32
          %dma_wait3A_119 = arith.constant 0 : i32
          %dma_wait3A_120 = arith.constant 0 : i32
          %dma_wait3A_121 = tpu.memref_slice %arg6[%arg1, %dma_wait3A_118, %dma_wait3A_119, %dma_wait3A_120] : memref<16x80x2x128xi32, #tpu.memory_space<hbm>> -> memref<1x80x2x128xi32, #tpu.memory_space<hbm>>
          %dma_wait3A_122 = tpu.memref_squeeze %dma_wait3A_121 : memref<1x80x2x128xi32, #tpu.memory_space<hbm>> -> memref<80x2x128xi32, #tpu.memory_space<hbm>>
          %dma_wait3A_123 = arith.constant 0 : i32
          %dma_wait3A_124 = arith.constant 0 : i32
          %dma_wait3A_125 = tpu.memref_slice %dma_wait3A_122[%add3A_54, %dma_wait3A_123, %dma_wait3A_124] : memref<80x2x128xi32, #tpu.memory_space<hbm>> -> memref<1x2x128xi32, #tpu.memory_space<hbm>>
          %dma_wait3A_126 = tpu.memref_squeeze %dma_wait3A_125 : memref<1x2x128xi32, #tpu.memory_space<hbm>> -> memref<2x128xi32, #tpu.memory_space<hbm>>
          tpu.wait_dma2 semaphore(%run_scoped3A_90 : memref<!tpu.dma_semaphore, #tpu.memory_space<semaphore_mem>>) src(%dma_wait3A_126 : memref<2x128xi32, #tpu.memory_space<hbm>>) dst(%arg15 : memref<2x128xi32, #tpu.memory_space<vmem>>)
          tpu.yield
        }) : () -> ()
        %dma_start3A_55 = arith.constant 0 : i32
        %dma_start3A_56 = arith.constant 0 : i32
        %dma_start3A_57 = tpu.memref_slice %arg15[%dma_start3A_55, %dma_start3A_56] : memref<2x128xi32, #tpu.memory_space<vmem>> -> memref<1x128xi32, #tpu.memory_space<vmem>>
        %dma_start3A_58 = tpu.memref_squeeze %dma_start3A_57 : memref<1x128xi32, #tpu.memory_space<vmem>> -> memref<128xi32, #tpu.memory_space<vmem>>
        %dma_start3A_59 = arith.constant 0 : i32
        %dma_start3A_60 = arith.constant 0 : i32
        %dma_start3A_61 = tpu.memref_slice %arg4[%dma_start3A_59, %dma_start3A_60] : memref<10240x128xf32, #tpu.memory_space<hbm>> -> memref<10240x128xf32, #tpu.memory_space<hbm>>
        tpu.enqueue_indirect_dma source(%dma_start3A_61 : memref<10240x128xf32, #tpu.memory_space<hbm>>) target(%arg13 : memref<128x128xf32, #tpu.memory_space<vmem>>) offsets(%dma_start3A_58 : memref<128xi32, #tpu.memory_space<vmem>>) semaphore(%arg18 : memref<!tpu.dma_semaphore, #tpu.memory_space<semaphore_mem>>)
        %dma_wait3A_62 = arith.constant 0 : i32
        %dma_wait3A_63 = arith.constant 0 : i32
        %dma_wait3A_64 = tpu.memref_slice %arg14[%dma_wait3A_62, %dma_wait3A_63] : memref<2x128xi32, #tpu.memory_space<vmem>> -> memref<1x128xi32, #tpu.memory_space<vmem>>
        %dma_wait3A_65 = tpu.memref_squeeze %dma_wait3A_64 : memref<1x128xi32, #tpu.memory_space<vmem>> -> memref<128xi32, #tpu.memory_space<vmem>>
        %dma_wait3A_66 = arith.constant 0 : i32
        %dma_wait3A_67 = arith.constant 0 : i32
        %dma_wait3A_68 = tpu.memref_slice %arg4[%dma_wait3A_66, %dma_wait3A_67] : memref<10240x128xf32, #tpu.memory_space<hbm>> -> memref<10240x128xf32, #tpu.memory_space<hbm>>
        tpu.wait_indirect_dma semaphore(%arg17 : memref<!tpu.dma_semaphore, #tpu.memory_space<semaphore_mem>>) src(%dma_wait3A_68 : memref<10240x128xf32, #tpu.memory_space<hbm>>) dst(%arg12 : memref<128x128xf32, #tpu.memory_space<vmem>>)
        %run_scoped3A_69 = arith.constant 1 : i32
        "tpu.region"() ({
          %run_scoped3A_90 = tpu.sem_alloc : memref<!tpu.dma_semaphore, #tpu.memory_space<semaphore_mem>>
          %dma_start3A_91 = arith.constant 0 : i32
          %dma_start3A_92 = tpu.memref_slice %arg14[%run_scoped3A_69, %dma_start3A_91] : memref<2x128xi32, #tpu.memory_space<vmem>> -> memref<1x128xi32, #tpu.memory_space<vmem>>
          %dma_start3A_93 = tpu.memref_squeeze %dma_start3A_92 : memref<1x128xi32, #tpu.memory_space<vmem>> -> memref<128xi32, #tpu.memory_space<vmem>>
          %dma_start3A_94 = arith.constant 0 : i32
          %dma_start3A_95 = arith.constant 0 : i32
          %dma_start3A_96 = tpu.memref_slice %arg16[%dma_start3A_94, %dma_start3A_95] : memref<10240x128xf32, #tpu.memory_space<vmem_shared>> -> memref<10240x128xf32, #tpu.memory_space<vmem_shared>>
          tpu.enqueue_indirect_dma source(%arg12 : memref<128x128xf32, #tpu.memory_space<vmem>>) target(%dma_start3A_96 : memref<10240x128xf32, #tpu.memory_space<vmem_shared>>) offsets(%dma_start3A_93 : memref<128xi32, #tpu.memory_space<vmem>>) semaphore(%run_scoped3A_90 : memref<!tpu.dma_semaphore, #tpu.memory_space<semaphore_mem>>) {add = true}
          %dma_wait3A_97 = arith.constant 0 : i32
          %dma_wait3A_98 = tpu.memref_slice %arg14[%run_scoped3A_69, %dma_wait3A_97] : memref<2x128xi32, #tpu.memory_space<vmem>> -> memref<1x128xi32, #tpu.memory_space<vmem>>
          %dma_wait3A_99 = tpu.memref_squeeze %dma_wait3A_98 : memref<1x128xi32, #tpu.memory_space<vmem>> -> memref<128xi32, #tpu.memory_space<vmem>>
          %dma_wait3A_100 = arith.constant 0 : i32
          %dma_wait3A_101 = arith.constant 0 : i32
          %dma_wait3A_102 = tpu.memref_slice %arg16[%dma_wait3A_100, %dma_wait3A_101] : memref<10240x128xf32, #tpu.memory_space<vmem_shared>> -> memref<10240x128xf32, #tpu.memory_space<vmem_shared>>
          tpu.wait_indirect_dma semaphore(%run_scoped3A_90 : memref<!tpu.dma_semaphore, #tpu.memory_space<semaphore_mem>>) src(%arg12 : memref<128x128xf32, #tpu.memory_space<vmem>>) dst(%dma_wait3A_102 : memref<10240x128xf32, #tpu.memory_space<vmem_shared>>)
          tpu.yield
        }) : () -> ()
        %mul3A_70 = arith.constant 2 : i32
        %mul3A_71 = arith.muli %mul3A_70, %scan3A_51 : i32
        %add3A_72 = arith.constant 2 : i32
        %add3A_73 = arith.addi %mul3A_71, %add3A_72 : i32
        %min3A = arith.constant 78 : i32
        %min3A_74 = arith.minsi %add3A_73, %min3A : i32
        "tpu.region"() ({
          %run_scoped3A_90 = tpu.sem_alloc : memref<!tpu.dma_semaphore, #tpu.memory_space<semaphore_mem>>
          %dma_start3A_91 = arith.constant 0 : i32
          %dma_start3A_92 = arith.constant 0 : i32
          %dma_start3A_93 = arith.constant 0 : i32
          %dma_start3A_94 = tpu.memref_slice %arg6[%arg1, %dma_start3A_91, %dma_start3A_92, %dma_start3A_93] : memref<16x80x2x128xi32, #tpu.memory_space<hbm>> -> memref<1x80x2x128xi32, #tpu.memory_space<hbm>>
          %dma_start3A_95 = tpu.memref_squeeze %dma_start3A_94 : memref<1x80x2x128xi32, #tpu.memory_space<hbm>> -> memref<80x2x128xi32, #tpu.memory_space<hbm>>
          %dma_start3A_96 = arith.constant 0 : i32
          %dma_start3A_97 = arith.constant 0 : i32
          %dma_start3A_98 = tpu.memref_slice %dma_start3A_95[%min3A_74, %dma_start3A_96, %dma_start3A_97] : memref<80x2x128xi32, #tpu.memory_space<hbm>> -> memref<1x2x128xi32, #tpu.memory_space<hbm>>
          %dma_start3A_99 = tpu.memref_squeeze %dma_start3A_98 : memref<1x2x128xi32, #tpu.memory_space<hbm>> -> memref<2x128xi32, #tpu.memory_space<hbm>>
          %dma_start3A_100 = arith.constant 0 : i32
          %dma_start3A_101 = arith.constant 0 : i32
          %dma_start3A_102 = arith.constant 0 : i32
          %dma_start3A_103 = tpu.memref_slice %arg6[%arg1, %dma_start3A_100, %dma_start3A_101, %dma_start3A_102] : memref<16x80x2x128xi32, #tpu.memory_space<hbm>> -> memref<1x80x2x128xi32, #tpu.memory_space<hbm>>
          %dma_start3A_104 = tpu.memref_squeeze %dma_start3A_103 : memref<1x80x2x128xi32, #tpu.memory_space<hbm>> -> memref<80x2x128xi32, #tpu.memory_space<hbm>>
          %dma_start3A_105 = arith.constant 0 : i32
          %dma_start3A_106 = arith.constant 0 : i32
          %dma_start3A_107 = tpu.memref_slice %dma_start3A_104[%min3A_74, %dma_start3A_105, %dma_start3A_106] : memref<80x2x128xi32, #tpu.memory_space<hbm>> -> memref<1x2x128xi32, #tpu.memory_space<hbm>>
          %dma_start3A_108 = tpu.memref_squeeze %dma_start3A_107 : memref<1x2x128xi32, #tpu.memory_space<hbm>> -> memref<2x128xi32, #tpu.memory_space<hbm>>
          tpu.enqueue_dma source(%dma_start3A_108 : memref<2x128xi32, #tpu.memory_space<hbm>>) target(%arg14 : memref<2x128xi32, #tpu.memory_space<vmem>>) target_semaphore(%run_scoped3A_90 : memref<!tpu.dma_semaphore, #tpu.memory_space<semaphore_mem>>)
          %dma_wait3A_109 = arith.constant 0 : i32
          %dma_wait3A_110 = arith.constant 0 : i32
          %dma_wait3A_111 = arith.constant 0 : i32
          %dma_wait3A_112 = tpu.memref_slice %arg6[%arg1, %dma_wait3A_109, %dma_wait3A_110, %dma_wait3A_111] : memref<16x80x2x128xi32, #tpu.memory_space<hbm>> -> memref<1x80x2x128xi32, #tpu.memory_space<hbm>>
          %dma_wait3A_113 = tpu.memref_squeeze %dma_wait3A_112 : memref<1x80x2x128xi32, #tpu.memory_space<hbm>> -> memref<80x2x128xi32, #tpu.memory_space<hbm>>
          %dma_wait3A_114 = arith.constant 0 : i32
          %dma_wait3A_115 = arith.constant 0 : i32
          %dma_wait3A_116 = tpu.memref_slice %dma_wait3A_113[%min3A_74, %dma_wait3A_114, %dma_wait3A_115] : memref<80x2x128xi32, #tpu.memory_space<hbm>> -> memref<1x2x128xi32, #tpu.memory_space<hbm>>
          %dma_wait3A_117 = tpu.memref_squeeze %dma_wait3A_116 : memref<1x2x128xi32, #tpu.memory_space<hbm>> -> memref<2x128xi32, #tpu.memory_space<hbm>>
          %dma_wait3A_118 = arith.constant 0 : i32
          %dma_wait3A_119 = arith.constant 0 : i32
          %dma_wait3A_120 = arith.constant 0 : i32
          %dma_wait3A_121 = tpu.memref_slice %arg6[%arg1, %dma_wait3A_118, %dma_wait3A_119, %dma_wait3A_120] : memref<16x80x2x128xi32, #tpu.memory_space<hbm>> -> memref<1x80x2x128xi32, #tpu.memory_space<hbm>>
          %dma_wait3A_122 = tpu.memref_squeeze %dma_wait3A_121 : memref<1x80x2x128xi32, #tpu.memory_space<hbm>> -> memref<80x2x128xi32, #tpu.memory_space<hbm>>
          %dma_wait3A_123 = arith.constant 0 : i32
          %dma_wait3A_124 = arith.constant 0 : i32
          %dma_wait3A_125 = tpu.memref_slice %dma_wait3A_122[%min3A_74, %dma_wait3A_123, %dma_wait3A_124] : memref<80x2x128xi32, #tpu.memory_space<hbm>> -> memref<1x2x128xi32, #tpu.memory_space<hbm>>
          %dma_wait3A_126 = tpu.memref_squeeze %dma_wait3A_125 : memref<1x2x128xi32, #tpu.memory_space<hbm>> -> memref<2x128xi32, #tpu.memory_space<hbm>>
          tpu.wait_dma2 semaphore(%run_scoped3A_90 : memref<!tpu.dma_semaphore, #tpu.memory_space<semaphore_mem>>) src(%dma_wait3A_126 : memref<2x128xi32, #tpu.memory_space<hbm>>) dst(%arg14 : memref<2x128xi32, #tpu.memory_space<vmem>>)
          tpu.yield
        }) : () -> ()
        %dma_start3A_75 = arith.constant 0 : i32
        %dma_start3A_76 = arith.constant 0 : i32
        %dma_start3A_77 = tpu.memref_slice %arg14[%dma_start3A_75, %dma_start3A_76] : memref<2x128xi32, #tpu.memory_space<vmem>> -> memref<1x128xi32, #tpu.memory_space<vmem>>
        %dma_start3A_78 = tpu.memref_squeeze %dma_start3A_77 : memref<1x128xi32, #tpu.memory_space<vmem>> -> memref<128xi32, #tpu.memory_space<vmem>>
        %dma_start3A_79 = arith.constant 0 : i32
        %dma_start3A_80 = arith.constant 0 : i32
        %dma_start3A_81 = tpu.memref_slice %arg4[%dma_start3A_79, %dma_start3A_80] : memref<10240x128xf32, #tpu.memory_space<hbm>> -> memref<10240x128xf32, #tpu.memory_space<hbm>>
        tpu.enqueue_indirect_dma source(%dma_start3A_81 : memref<10240x128xf32, #tpu.memory_space<hbm>>) target(%arg12 : memref<128x128xf32, #tpu.memory_space<vmem>>) offsets(%dma_start3A_78 : memref<128xi32, #tpu.memory_space<vmem>>) semaphore(%arg17 : memref<!tpu.dma_semaphore, #tpu.memory_space<semaphore_mem>>)
        %dma_wait3A_82 = arith.constant 0 : i32
        %dma_wait3A_83 = arith.constant 0 : i32
        %dma_wait3A_84 = tpu.memref_slice %arg15[%dma_wait3A_82, %dma_wait3A_83] : memref<2x128xi32, #tpu.memory_space<vmem>> -> memref<1x128xi32, #tpu.memory_space<vmem>>
        %dma_wait3A_85 = tpu.memref_squeeze %dma_wait3A_84 : memref<1x128xi32, #tpu.memory_space<vmem>> -> memref<128xi32, #tpu.memory_space<vmem>>
        %dma_wait3A_86 = arith.constant 0 : i32
        %dma_wait3A_87 = arith.constant 0 : i32
        %dma_wait3A_88 = tpu.memref_slice %arg4[%dma_wait3A_86, %dma_wait3A_87] : memref<10240x128xf32, #tpu.memory_space<hbm>> -> memref<10240x128xf32, #tpu.memory_space<hbm>>
        tpu.wait_indirect_dma semaphore(%arg18 : memref<!tpu.dma_semaphore, #tpu.memory_space<semaphore_mem>>) src(%dma_wait3A_88 : memref<10240x128xf32, #tpu.memory_space<hbm>>) dst(%arg13 : memref<128x128xf32, #tpu.memory_space<vmem>>)
        %run_scoped3A_89 = arith.constant 1 : i32
        "tpu.region"() ({
          %run_scoped3A_90 = tpu.sem_alloc : memref<!tpu.dma_semaphore, #tpu.memory_space<semaphore_mem>>
          %dma_start3A_91 = arith.constant 0 : i32
          %dma_start3A_92 = tpu.memref_slice %arg15[%run_scoped3A_89, %dma_start3A_91] : memref<2x128xi32, #tpu.memory_space<vmem>> -> memref<1x128xi32, #tpu.memory_space<vmem>>
          %dma_start3A_93 = tpu.memref_squeeze %dma_start3A_92 : memref<1x128xi32, #tpu.memory_space<vmem>> -> memref<128xi32, #tpu.memory_space<vmem>>
          %dma_start3A_94 = arith.constant 0 : i32
          %dma_start3A_95 = arith.constant 0 : i32
          %dma_start3A_96 = tpu.memref_slice %arg16[%dma_start3A_94, %dma_start3A_95] : memref<10240x128xf32, #tpu.memory_space<vmem_shared>> -> memref<10240x128xf32, #tpu.memory_space<vmem_shared>>
          tpu.enqueue_indirect_dma source(%arg13 : memref<128x128xf32, #tpu.memory_space<vmem>>) target(%dma_start3A_96 : memref<10240x128xf32, #tpu.memory_space<vmem_shared>>) offsets(%dma_start3A_93 : memref<128xi32, #tpu.memory_space<vmem>>) semaphore(%run_scoped3A_90 : memref<!tpu.dma_semaphore, #tpu.memory_space<semaphore_mem>>) {add = true}
          %dma_wait3A_97 = arith.constant 0 : i32
          %dma_wait3A_98 = tpu.memref_slice %arg15[%run_scoped3A_89, %dma_wait3A_97] : memref<2x128xi32, #tpu.memory_space<vmem>> -> memref<1x128xi32, #tpu.memory_space<vmem>>
          %dma_wait3A_99 = tpu.memref_squeeze %dma_wait3A_98 : memref<1x128xi32, #tpu.memory_space<vmem>> -> memref<128xi32, #tpu.memory_space<vmem>>
          %dma_wait3A_100 = arith.constant 0 : i32
          %dma_wait3A_101 = arith.constant 0 : i32
          %dma_wait3A_102 = tpu.memref_slice %arg16[%dma_wait3A_100, %dma_wait3A_101] : memref<10240x128xf32, #tpu.memory_space<vmem_shared>> -> memref<10240x128xf32, #tpu.memory_space<vmem_shared>>
          tpu.wait_indirect_dma semaphore(%run_scoped3A_90 : memref<!tpu.dma_semaphore, #tpu.memory_space<semaphore_mem>>) src(%arg13 : memref<128x128xf32, #tpu.memory_space<vmem>>) dst(%dma_wait3A_102 : memref<10240x128xf32, #tpu.memory_space<vmem_shared>>)
          tpu.yield
        }) : () -> ()
      }
      %scan3A_41 = arith.constant 40 : i32
      %dma_wait3A_42 = arith.constant 0 : i32
      %dma_wait3A_43 = arith.constant 0 : i32
      %dma_wait3A_44 = tpu.memref_slice %arg14[%dma_wait3A_42, %dma_wait3A_43] : memref<2x128xi32, #tpu.memory_space<vmem>> -> memref<1x128xi32, #tpu.memory_space<vmem>>
      %dma_wait3A_45 = tpu.memref_squeeze %dma_wait3A_44 : memref<1x128xi32, #tpu.memory_space<vmem>> -> memref<128xi32, #tpu.memory_space<vmem>>
      %dma_wait3A_46 = arith.constant 0 : i32
      %dma_wait3A_47 = arith.constant 0 : i32
      %dma_wait3A_48 = tpu.memref_slice %arg4[%dma_wait3A_46, %dma_wait3A_47] : memref<10240x128xf32, #tpu.memory_space<hbm>> -> memref<10240x128xf32, #tpu.memory_space<hbm>>
      tpu.wait_indirect_dma semaphore(%arg17 : memref<!tpu.dma_semaphore, #tpu.memory_space<semaphore_mem>>) src(%dma_wait3A_48 : memref<10240x128xf32, #tpu.memory_space<hbm>>) dst(%arg12 : memref<128x128xf32, #tpu.memory_space<vmem>>)
      %barrier3A_49 = arith.constant 0 : index
      tpu.barrier barrier_id(%barrier3A_49)
      "tpu.region"() ({
        %run_scoped3A_51 = tpu.sem_alloc : memref<!tpu.dma_semaphore, #tpu.memory_space<semaphore_mem>>
        %dma_start3A_52 = arith.constant 0 : i32
        %dma_start3A_53 = tpu.memref_slice %arg10[%mul3A_0, %dma_start3A_52] : memref<10240x128xf32, #tpu.memory_space<hbm>> -> memref<640x128xf32, #tpu.memory_space<hbm>>
        %dma_start3A_54 = arith.constant 0 : i32
        %dma_start3A_55 = tpu.memref_slice %arg16[%mul3A_0, %dma_start3A_54] : memref<10240x128xf32, #tpu.memory_space<vmem_shared>> -> memref<640x128xf32, #tpu.memory_space<vmem_shared>>
        tpu.enqueue_dma source(%dma_start3A_55 : memref<640x128xf32, #tpu.memory_space<vmem_shared>>) target(%dma_start3A_53 : memref<640x128xf32, #tpu.memory_space<hbm>>) target_semaphore(%run_scoped3A_51 : memref<!tpu.dma_semaphore, #tpu.memory_space<semaphore_mem>>)
        %dma_wait3A_56 = arith.constant 0 : i32
        %dma_wait3A_57 = tpu.memref_slice %arg10[%mul3A_0, %dma_wait3A_56] : memref<10240x128xf32, #tpu.memory_space<hbm>> -> memref<640x128xf32, #tpu.memory_space<hbm>>
        %dma_wait3A_58 = arith.constant 0 : i32
        %dma_wait3A_59 = tpu.memref_slice %arg16[%mul3A_0, %dma_wait3A_58] : memref<10240x128xf32, #tpu.memory_space<vmem_shared>> -> memref<640x128xf32, #tpu.memory_space<vmem_shared>>
        tpu.wait_dma2 semaphore(%run_scoped3A_51 : memref<!tpu.dma_semaphore, #tpu.memory_space<semaphore_mem>>) src(%dma_wait3A_59 : memref<640x128xf32, #tpu.memory_space<vmem_shared>>) dst(%dma_wait3A_57 : memref<640x128xf32, #tpu.memory_space<hbm>>)
        tpu.yield
      }) : () -> ()
      %barrier3A_50 = arith.constant 0 : index
      tpu.barrier barrier_id(%barrier3A_50)
    } else {
    }
    %eq3A_3 = arith.constant 1 : i32
    %eq3A_4 = arith.cmpi eq, %arg0, %eq3A_3 : i32
    %convert_element_type3A_5 = arith.extui %eq3A_4 : i1 to i32
    %cond3A_6 = arith.constant 0 : i32
    %cond3A_7 = arith.cmpi ne, %convert_element_type3A_5, %cond3A_6 : i32
    scf.if %cond3A_7 {
      "tpu.region"() ({
        %run_scoped3A_51 = tpu.sem_alloc : memref<!tpu.dma_semaphore, #tpu.memory_space<semaphore_mem>>
        %dma_start3A_52 = arith.constant 0 : i32
        %dma_start3A_53 = tpu.memref_slice %arg16[%mul3A_0, %dma_start3A_52] : memref<10240x128xf32, #tpu.memory_space<vmem_shared>> -> memref<640x128xf32, #tpu.memory_space<vmem_shared>>
        tpu.enqueue_dma source(%arg7 : memref<640x128xf32, #tpu.memory_space<hbm>>) target(%dma_start3A_53 : memref<640x128xf32, #tpu.memory_space<vmem_shared>>) target_semaphore(%run_scoped3A_51 : memref<!tpu.dma_semaphore, #tpu.memory_space<semaphore_mem>>)
        %dma_wait3A_54 = arith.constant 0 : i32
        %dma_wait3A_55 = tpu.memref_slice %arg16[%mul3A_0, %dma_wait3A_54] : memref<10240x128xf32, #tpu.memory_space<vmem_shared>> -> memref<640x128xf32, #tpu.memory_space<vmem_shared>>
        tpu.wait_dma2 semaphore(%run_scoped3A_51 : memref<!tpu.dma_semaphore, #tpu.memory_space<semaphore_mem>>) src(%arg7 : memref<640x128xf32, #tpu.memory_space<hbm>>) dst(%dma_wait3A_55 : memref<640x128xf32, #tpu.memory_space<vmem_shared>>)
        tpu.yield
      }) : () -> ()
      %barrier3A = arith.constant 0 : index
      tpu.barrier barrier_id(%barrier3A)
      %run_scoped3A = arith.constant 0 : i32
      "tpu.region"() ({
        %run_scoped3A_51 = tpu.sem_alloc : memref<!tpu.dma_semaphore, #tpu.memory_space<semaphore_mem>>
        %dma_start3A_52 = arith.constant 0 : i32
        %dma_start3A_53 = arith.constant 0 : i32
        %dma_start3A_54 = arith.constant 0 : i32
        %dma_start3A_55 = tpu.memref_slice %arg6[%arg1, %dma_start3A_52, %dma_start3A_53, %dma_start3A_54] : memref<16x80x2x128xi32, #tpu.memory_space<hbm>> -> memref<1x80x2x128xi32, #tpu.memory_space<hbm>>
        %dma_start3A_56 = tpu.memref_squeeze %dma_start3A_55 : memref<1x80x2x128xi32, #tpu.memory_space<hbm>> -> memref<80x2x128xi32, #tpu.memory_space<hbm>>
        %dma_start3A_57 = arith.constant 0 : i32
        %dma_start3A_58 = arith.constant 0 : i32
        %dma_start3A_59 = tpu.memref_slice %dma_start3A_56[%run_scoped3A, %dma_start3A_57, %dma_start3A_58] : memref<80x2x128xi32, #tpu.memory_space<hbm>> -> memref<1x2x128xi32, #tpu.memory_space<hbm>>
        %dma_start3A_60 = tpu.memref_squeeze %dma_start3A_59 : memref<1x2x128xi32, #tpu.memory_space<hbm>> -> memref<2x128xi32, #tpu.memory_space<hbm>>
        %dma_start3A_61 = arith.constant 0 : i32
        %dma_start3A_62 = arith.constant 0 : i32
        %dma_start3A_63 = arith.constant 0 : i32
        %dma_start3A_64 = tpu.memref_slice %arg6[%arg1, %dma_start3A_61, %dma_start3A_62, %dma_start3A_63] : memref<16x80x2x128xi32, #tpu.memory_space<hbm>> -> memref<1x80x2x128xi32, #tpu.memory_space<hbm>>
        %dma_start3A_65 = tpu.memref_squeeze %dma_start3A_64 : memref<1x80x2x128xi32, #tpu.memory_space<hbm>> -> memref<80x2x128xi32, #tpu.memory_space<hbm>>
        %dma_start3A_66 = arith.constant 0 : i32
        %dma_start3A_67 = arith.constant 0 : i32
        %dma_start3A_68 = tpu.memref_slice %dma_start3A_65[%run_scoped3A, %dma_start3A_66, %dma_start3A_67] : memref<80x2x128xi32, #tpu.memory_space<hbm>> -> memref<1x2x128xi32, #tpu.memory_space<hbm>>
        %dma_start3A_69 = tpu.memref_squeeze %dma_start3A_68 : memref<1x2x128xi32, #tpu.memory_space<hbm>> -> memref<2x128xi32, #tpu.memory_space<hbm>>
        tpu.enqueue_dma source(%dma_start3A_69 : memref<2x128xi32, #tpu.memory_space<hbm>>) target(%arg14 : memref<2x128xi32, #tpu.memory_space<vmem>>) target_semaphore(%run_scoped3A_51 : memref<!tpu.dma_semaphore, #tpu.memory_space<semaphore_mem>>)
        %dma_wait3A_70 = arith.constant 0 : i32
        %dma_wait3A_71 = arith.constant 0 : i32
        %dma_wait3A_72 = arith.constant 0 : i32
        %dma_wait3A_73 = tpu.memref_slice %arg6[%arg1, %dma_wait3A_70, %dma_wait3A_71, %dma_wait3A_72] : memref<16x80x2x128xi32, #tpu.memory_space<hbm>> -> memref<1x80x2x128xi32, #tpu.memory_space<hbm>>
        %dma_wait3A_74 = tpu.memref_squeeze %dma_wait3A_73 : memref<1x80x2x128xi32, #tpu.memory_space<hbm>> -> memref<80x2x128xi32, #tpu.memory_space<hbm>>
        %dma_wait3A_75 = arith.constant 0 : i32
        %dma_wait3A_76 = arith.constant 0 : i32
        %dma_wait3A_77 = tpu.memref_slice %dma_wait3A_74[%run_scoped3A, %dma_wait3A_75, %dma_wait3A_76] : memref<80x2x128xi32, #tpu.memory_space<hbm>> -> memref<1x2x128xi32, #tpu.memory_space<hbm>>
        %dma_wait3A_78 = tpu.memref_squeeze %dma_wait3A_77 : memref<1x2x128xi32, #tpu.memory_space<hbm>> -> memref<2x128xi32, #tpu.memory_space<hbm>>
        %dma_wait3A_79 = arith.constant 0 : i32
        %dma_wait3A_80 = arith.constant 0 : i32
        %dma_wait3A_81 = arith.constant 0 : i32
        %dma_wait3A_82 = tpu.memref_slice %arg6[%arg1, %dma_wait3A_79, %dma_wait3A_80, %dma_wait3A_81] : memref<16x80x2x128xi32, #tpu.memory_space<hbm>> -> memref<1x80x2x128xi32, #tpu.memory_space<hbm>>
        %dma_wait3A_83 = tpu.memref_squeeze %dma_wait3A_82 : memref<1x80x2x128xi32, #tpu.memory_space<hbm>> -> memref<80x2x128xi32, #tpu.memory_space<hbm>>
        %dma_wait3A_84 = arith.constant 0 : i32
        %dma_wait3A_85 = arith.constant 0 : i32
        %dma_wait3A_86 = tpu.memref_slice %dma_wait3A_83[%run_scoped3A, %dma_wait3A_84, %dma_wait3A_85] : memref<80x2x128xi32, #tpu.memory_space<hbm>> -> memref<1x2x128xi32, #tpu.memory_space<hbm>>
        %dma_wait3A_87 = tpu.memref_squeeze %dma_wait3A_86 : memref<1x2x128xi32, #tpu.memory_space<hbm>> -> memref<2x128xi32, #tpu.memory_space<hbm>>
        tpu.wait_dma2 semaphore(%run_scoped3A_51 : memref<!tpu.dma_semaphore, #tpu.memory_space<semaphore_mem>>) src(%dma_wait3A_87 : memref<2x128xi32, #tpu.memory_space<hbm>>) dst(%arg14 : memref<2x128xi32, #tpu.memory_space<vmem>>)
        tpu.yield
      }) : () -> ()
      %dma_start3A = arith.constant 0 : i32
      %dma_start3A_8 = arith.constant 0 : i32
      %dma_start3A_9 = tpu.memref_slice %arg14[%dma_start3A, %dma_start3A_8] : memref<2x128xi32, #tpu.memory_space<vmem>> -> memref<1x128xi32, #tpu.memory_space<vmem>>
      %dma_start3A_10 = tpu.memref_squeeze %dma_start3A_9 : memref<1x128xi32, #tpu.memory_space<vmem>> -> memref<128xi32, #tpu.memory_space<vmem>>
      %dma_start3A_11 = arith.constant 0 : i32
      %dma_start3A_12 = arith.constant 0 : i32
      %dma_start3A_13 = tpu.memref_slice %arg3[%dma_start3A_11, %dma_start3A_12] : memref<10240x128xf32, #tpu.memory_space<hbm>> -> memref<10240x128xf32, #tpu.memory_space<hbm>>
      tpu.enqueue_indirect_dma source(%dma_start3A_13 : memref<10240x128xf32, #tpu.memory_space<hbm>>) target(%arg12 : memref<128x128xf32, #tpu.memory_space<vmem>>) offsets(%dma_start3A_10 : memref<128xi32, #tpu.memory_space<vmem>>) semaphore(%arg17 : memref<!tpu.dma_semaphore, #tpu.memory_space<semaphore_mem>>)
      %scan3A = arith.constant 0 : i32
      %scan3A_14 = arith.constant 0 : i32
      %scan3A_15 = arith.constant 40 : i32
      %scan3A_16 = arith.addi %scan3A_14, %scan3A_15 : i32
      %scan3A_17 = arith.constant 1 : i32
      scf.for %scan3A_51 = %scan3A_14 to %scan3A_16 step %scan3A_17  : i32 {
        %mul3A_52 = arith.constant 2 : i32
        %mul3A_53 = arith.muli %mul3A_52, %scan3A_51 : i32
        %add3A = arith.constant 1 : i32
        %add3A_54 = arith.addi %mul3A_53, %add3A : i32
        "tpu.region"() ({
          %run_scoped3A_90 = tpu.sem_alloc : memref<!tpu.dma_semaphore, #tpu.memory_space<semaphore_mem>>
          %dma_start3A_91 = arith.constant 0 : i32
          %dma_start3A_92 = arith.constant 0 : i32
          %dma_start3A_93 = arith.constant 0 : i32
          %dma_start3A_94 = tpu.memref_slice %arg6[%arg1, %dma_start3A_91, %dma_start3A_92, %dma_start3A_93] : memref<16x80x2x128xi32, #tpu.memory_space<hbm>> -> memref<1x80x2x128xi32, #tpu.memory_space<hbm>>
          %dma_start3A_95 = tpu.memref_squeeze %dma_start3A_94 : memref<1x80x2x128xi32, #tpu.memory_space<hbm>> -> memref<80x2x128xi32, #tpu.memory_space<hbm>>
          %dma_start3A_96 = arith.constant 0 : i32
          %dma_start3A_97 = arith.constant 0 : i32
          %dma_start3A_98 = tpu.memref_slice %dma_start3A_95[%add3A_54, %dma_start3A_96, %dma_start3A_97] : memref<80x2x128xi32, #tpu.memory_space<hbm>> -> memref<1x2x128xi32, #tpu.memory_space<hbm>>
          %dma_start3A_99 = tpu.memref_squeeze %dma_start3A_98 : memref<1x2x128xi32, #tpu.memory_space<hbm>> -> memref<2x128xi32, #tpu.memory_space<hbm>>
          %dma_start3A_100 = arith.constant 0 : i32
          %dma_start3A_101 = arith.constant 0 : i32
          %dma_start3A_102 = arith.constant 0 : i32
          %dma_start3A_103 = tpu.memref_slice %arg6[%arg1, %dma_start3A_100, %dma_start3A_101, %dma_start3A_102] : memref<16x80x2x128xi32, #tpu.memory_space<hbm>> -> memref<1x80x2x128xi32, #tpu.memory_space<hbm>>
          %dma_start3A_104 = tpu.memref_squeeze %dma_start3A_103 : memref<1x80x2x128xi32, #tpu.memory_space<hbm>> -> memref<80x2x128xi32, #tpu.memory_space<hbm>>
          %dma_start3A_105 = arith.constant 0 : i32
          %dma_start3A_106 = arith.constant 0 : i32
          %dma_start3A_107 = tpu.memref_slice %dma_start3A_104[%add3A_54, %dma_start3A_105, %dma_start3A_106] : memref<80x2x128xi32, #tpu.memory_space<hbm>> -> memref<1x2x128xi32, #tpu.memory_space<hbm>>
          %dma_start3A_108 = tpu.memref_squeeze %dma_start3A_107 : memref<1x2x128xi32, #tpu.memory_space<hbm>> -> memref<2x128xi32, #tpu.memory_space<hbm>>
          tpu.enqueue_dma source(%dma_start3A_108 : memref<2x128xi32, #tpu.memory_space<hbm>>) target(%arg15 : memref<2x128xi32, #tpu.memory_space<vmem>>) target_semaphore(%run_scoped3A_90 : memref<!tpu.dma_semaphore, #tpu.memory_space<semaphore_mem>>)
          %dma_wait3A_109 = arith.constant 0 : i32
          %dma_wait3A_110 = arith.constant 0 : i32
          %dma_wait3A_111 = arith.constant 0 : i32
          %dma_wait3A_112 = tpu.memref_slice %arg6[%arg1, %dma_wait3A_109, %dma_wait3A_110, %dma_wait3A_111] : memref<16x80x2x128xi32, #tpu.memory_space<hbm>> -> memref<1x80x2x128xi32, #tpu.memory_space<hbm>>
          %dma_wait3A_113 = tpu.memref_squeeze %dma_wait3A_112 : memref<1x80x2x128xi32, #tpu.memory_space<hbm>> -> memref<80x2x128xi32, #tpu.memory_space<hbm>>
          %dma_wait3A_114 = arith.constant 0 : i32
          %dma_wait3A_115 = arith.constant 0 : i32
          %dma_wait3A_116 = tpu.memref_slice %dma_wait3A_113[%add3A_54, %dma_wait3A_114, %dma_wait3A_115] : memref<80x2x128xi32, #tpu.memory_space<hbm>> -> memref<1x2x128xi32, #tpu.memory_space<hbm>>
          %dma_wait3A_117 = tpu.memref_squeeze %dma_wait3A_116 : memref<1x2x128xi32, #tpu.memory_space<hbm>> -> memref<2x128xi32, #tpu.memory_space<hbm>>
          %dma_wait3A_118 = arith.constant 0 : i32
          %dma_wait3A_119 = arith.constant 0 : i32
          %dma_wait3A_120 = arith.constant 0 : i32
          %dma_wait3A_121 = tpu.memref_slice %arg6[%arg1, %dma_wait3A_118, %dma_wait3A_119, %dma_wait3A_120] : memref<16x80x2x128xi32, #tpu.memory_space<hbm>> -> memref<1x80x2x128xi32, #tpu.memory_space<hbm>>
          %dma_wait3A_122 = tpu.memref_squeeze %dma_wait3A_121 : memref<1x80x2x128xi32, #tpu.memory_space<hbm>> -> memref<80x2x128xi32, #tpu.memory_space<hbm>>
          %dma_wait3A_123 = arith.constant 0 : i32
          %dma_wait3A_124 = arith.constant 0 : i32
          %dma_wait3A_125 = tpu.memref_slice %dma_wait3A_122[%add3A_54, %dma_wait3A_123, %dma_wait3A_124] : memref<80x2x128xi32, #tpu.memory_space<hbm>> -> memref<1x2x128xi32, #tpu.memory_space<hbm>>
          %dma_wait3A_126 = tpu.memref_squeeze %dma_wait3A_125 : memref<1x2x128xi32, #tpu.memory_space<hbm>> -> memref<2x128xi32, #tpu.memory_space<hbm>>
          tpu.wait_dma2 semaphore(%run_scoped3A_90 : memref<!tpu.dma_semaphore, #tpu.memory_space<semaphore_mem>>) src(%dma_wait3A_126 : memref<2x128xi32, #tpu.memory_space<hbm>>) dst(%arg15 : memref<2x128xi32, #tpu.memory_space<vmem>>)
          tpu.yield
        }) : () -> ()
        %dma_start3A_55 = arith.constant 0 : i32
        %dma_start3A_56 = arith.constant 0 : i32
        %dma_start3A_57 = tpu.memref_slice %arg15[%dma_start3A_55, %dma_start3A_56] : memref<2x128xi32, #tpu.memory_space<vmem>> -> memref<1x128xi32, #tpu.memory_space<vmem>>
        %dma_start3A_58 = tpu.memref_squeeze %dma_start3A_57 : memref<1x128xi32, #tpu.memory_space<vmem>> -> memref<128xi32, #tpu.memory_space<vmem>>
        %dma_start3A_59 = arith.constant 0 : i32
        %dma_start3A_60 = arith.constant 0 : i32
        %dma_start3A_61 = tpu.memref_slice %arg3[%dma_start3A_59, %dma_start3A_60] : memref<10240x128xf32, #tpu.memory_space<hbm>> -> memref<10240x128xf32, #tpu.memory_space<hbm>>
        tpu.enqueue_indirect_dma source(%dma_start3A_61 : memref<10240x128xf32, #tpu.memory_space<hbm>>) target(%arg13 : memref<128x128xf32, #tpu.memory_space<vmem>>) offsets(%dma_start3A_58 : memref<128xi32, #tpu.memory_space<vmem>>) semaphore(%arg18 : memref<!tpu.dma_semaphore, #tpu.memory_space<semaphore_mem>>)
        %dma_wait3A_62 = arith.constant 0 : i32
        %dma_wait3A_63 = arith.constant 0 : i32
        %dma_wait3A_64 = tpu.memref_slice %arg14[%dma_wait3A_62, %dma_wait3A_63] : memref<2x128xi32, #tpu.memory_space<vmem>> -> memref<1x128xi32, #tpu.memory_space<vmem>>
        %dma_wait3A_65 = tpu.memref_squeeze %dma_wait3A_64 : memref<1x128xi32, #tpu.memory_space<vmem>> -> memref<128xi32, #tpu.memory_space<vmem>>
        %dma_wait3A_66 = arith.constant 0 : i32
        %dma_wait3A_67 = arith.constant 0 : i32
        %dma_wait3A_68 = tpu.memref_slice %arg3[%dma_wait3A_66, %dma_wait3A_67] : memref<10240x128xf32, #tpu.memory_space<hbm>> -> memref<10240x128xf32, #tpu.memory_space<hbm>>
        tpu.wait_indirect_dma semaphore(%arg17 : memref<!tpu.dma_semaphore, #tpu.memory_space<semaphore_mem>>) src(%dma_wait3A_68 : memref<10240x128xf32, #tpu.memory_space<hbm>>) dst(%arg12 : memref<128x128xf32, #tpu.memory_space<vmem>>)
        %run_scoped3A_69 = arith.constant 1 : i32
        "tpu.region"() ({
          %run_scoped3A_90 = tpu.sem_alloc : memref<!tpu.dma_semaphore, #tpu.memory_space<semaphore_mem>>
          %dma_start3A_91 = arith.constant 0 : i32
          %dma_start3A_92 = tpu.memref_slice %arg14[%run_scoped3A_69, %dma_start3A_91] : memref<2x128xi32, #tpu.memory_space<vmem>> -> memref<1x128xi32, #tpu.memory_space<vmem>>
          %dma_start3A_93 = tpu.memref_squeeze %dma_start3A_92 : memref<1x128xi32, #tpu.memory_space<vmem>> -> memref<128xi32, #tpu.memory_space<vmem>>
          %dma_start3A_94 = arith.constant 0 : i32
          %dma_start3A_95 = arith.constant 0 : i32
          %dma_start3A_96 = tpu.memref_slice %arg16[%dma_start3A_94, %dma_start3A_95] : memref<10240x128xf32, #tpu.memory_space<vmem_shared>> -> memref<10240x128xf32, #tpu.memory_space<vmem_shared>>
          tpu.enqueue_indirect_dma source(%arg12 : memref<128x128xf32, #tpu.memory_space<vmem>>) target(%dma_start3A_96 : memref<10240x128xf32, #tpu.memory_space<vmem_shared>>) offsets(%dma_start3A_93 : memref<128xi32, #tpu.memory_space<vmem>>) semaphore(%run_scoped3A_90 : memref<!tpu.dma_semaphore, #tpu.memory_space<semaphore_mem>>) {add = true}
          %dma_wait3A_97 = arith.constant 0 : i32
          %dma_wait3A_98 = tpu.memref_slice %arg14[%run_scoped3A_69, %dma_wait3A_97] : memref<2x128xi32, #tpu.memory_space<vmem>> -> memref<1x128xi32, #tpu.memory_space<vmem>>
          %dma_wait3A_99 = tpu.memref_squeeze %dma_wait3A_98 : memref<1x128xi32, #tpu.memory_space<vmem>> -> memref<128xi32, #tpu.memory_space<vmem>>
          %dma_wait3A_100 = arith.constant 0 : i32
          %dma_wait3A_101 = arith.constant 0 : i32
          %dma_wait3A_102 = tpu.memref_slice %arg16[%dma_wait3A_100, %dma_wait3A_101] : memref<10240x128xf32, #tpu.memory_space<vmem_shared>> -> memref<10240x128xf32, #tpu.memory_space<vmem_shared>>
          tpu.wait_indirect_dma semaphore(%run_scoped3A_90 : memref<!tpu.dma_semaphore, #tpu.memory_space<semaphore_mem>>) src(%arg12 : memref<128x128xf32, #tpu.memory_space<vmem>>) dst(%dma_wait3A_102 : memref<10240x128xf32, #tpu.memory_space<vmem_shared>>)
          tpu.yield
        }) : () -> ()
        %mul3A_70 = arith.constant 2 : i32
        %mul3A_71 = arith.muli %mul3A_70, %scan3A_51 : i32
        %add3A_72 = arith.constant 2 : i32
        %add3A_73 = arith.addi %mul3A_71, %add3A_72 : i32
        %min3A = arith.constant 78 : i32
        %min3A_74 = arith.minsi %add3A_73, %min3A : i32
        "tpu.region"() ({
          %run_scoped3A_90 = tpu.sem_alloc : memref<!tpu.dma_semaphore, #tpu.memory_space<semaphore_mem>>
          %dma_start3A_91 = arith.constant 0 : i32
          %dma_start3A_92 = arith.constant 0 : i32
          %dma_start3A_93 = arith.constant 0 : i32
          %dma_start3A_94 = tpu.memref_slice %arg6[%arg1, %dma_start3A_91, %dma_start3A_92, %dma_start3A_93] : memref<16x80x2x128xi32, #tpu.memory_space<hbm>> -> memref<1x80x2x128xi32, #tpu.memory_space<hbm>>
          %dma_start3A_95 = tpu.memref_squeeze %dma_start3A_94 : memref<1x80x2x128xi32, #tpu.memory_space<hbm>> -> memref<80x2x128xi32, #tpu.memory_space<hbm>>
          %dma_start3A_96 = arith.constant 0 : i32
          %dma_start3A_97 = arith.constant 0 : i32
          %dma_start3A_98 = tpu.memref_slice %dma_start3A_95[%min3A_74, %dma_start3A_96, %dma_start3A_97] : memref<80x2x128xi32, #tpu.memory_space<hbm>> -> memref<1x2x128xi32, #tpu.memory_space<hbm>>
          %dma_start3A_99 = tpu.memref_squeeze %dma_start3A_98 : memref<1x2x128xi32, #tpu.memory_space<hbm>> -> memref<2x128xi32, #tpu.memory_space<hbm>>
          %dma_start3A_100 = arith.constant 0 : i32
          %dma_start3A_101 = arith.constant 0 : i32
          %dma_start3A_102 = arith.constant 0 : i32
          %dma_start3A_103 = tpu.memref_slice %arg6[%arg1, %dma_start3A_100, %dma_start3A_101, %dma_start3A_102] : memref<16x80x2x128xi32, #tpu.memory_space<hbm>> -> memref<1x80x2x128xi32, #tpu.memory_space<hbm>>
          %dma_start3A_104 = tpu.memref_squeeze %dma_start3A_103 : memref<1x80x2x128xi32, #tpu.memory_space<hbm>> -> memref<80x2x128xi32, #tpu.memory_space<hbm>>
          %dma_start3A_105 = arith.constant 0 : i32
          %dma_start3A_106 = arith.constant 0 : i32
          %dma_start3A_107 = tpu.memref_slice %dma_start3A_104[%min3A_74, %dma_start3A_105, %dma_start3A_106] : memref<80x2x128xi32, #tpu.memory_space<hbm>> -> memref<1x2x128xi32, #tpu.memory_space<hbm>>
          %dma_start3A_108 = tpu.memref_squeeze %dma_start3A_107 : memref<1x2x128xi32, #tpu.memory_space<hbm>> -> memref<2x128xi32, #tpu.memory_space<hbm>>
          tpu.enqueue_dma source(%dma_start3A_108 : memref<2x128xi32, #tpu.memory_space<hbm>>) target(%arg14 : memref<2x128xi32, #tpu.memory_space<vmem>>) target_semaphore(%run_scoped3A_90 : memref<!tpu.dma_semaphore, #tpu.memory_space<semaphore_mem>>)
          %dma_wait3A_109 = arith.constant 0 : i32
          %dma_wait3A_110 = arith.constant 0 : i32
          %dma_wait3A_111 = arith.constant 0 : i32
          %dma_wait3A_112 = tpu.memref_slice %arg6[%arg1, %dma_wait3A_109, %dma_wait3A_110, %dma_wait3A_111] : memref<16x80x2x128xi32, #tpu.memory_space<hbm>> -> memref<1x80x2x128xi32, #tpu.memory_space<hbm>>
          %dma_wait3A_113 = tpu.memref_squeeze %dma_wait3A_112 : memref<1x80x2x128xi32, #tpu.memory_space<hbm>> -> memref<80x2x128xi32, #tpu.memory_space<hbm>>
          %dma_wait3A_114 = arith.constant 0 : i32
          %dma_wait3A_115 = arith.constant 0 : i32
          %dma_wait3A_116 = tpu.memref_slice %dma_wait3A_113[%min3A_74, %dma_wait3A_114, %dma_wait3A_115] : memref<80x2x128xi32, #tpu.memory_space<hbm>> -> memref<1x2x128xi32, #tpu.memory_space<hbm>>
          %dma_wait3A_117 = tpu.memref_squeeze %dma_wait3A_116 : memref<1x2x128xi32, #tpu.memory_space<hbm>> -> memref<2x128xi32, #tpu.memory_space<hbm>>
          %dma_wait3A_118 = arith.constant 0 : i32
          %dma_wait3A_119 = arith.constant 0 : i32
          %dma_wait3A_120 = arith.constant 0 : i32
          %dma_wait3A_121 = tpu.memref_slice %arg6[%arg1, %dma_wait3A_118, %dma_wait3A_119, %dma_wait3A_120] : memref<16x80x2x128xi32, #tpu.memory_space<hbm>> -> memref<1x80x2x128xi32, #tpu.memory_space<hbm>>
          %dma_wait3A_122 = tpu.memref_squeeze %dma_wait3A_121 : memref<1x80x2x128xi32, #tpu.memory_space<hbm>> -> memref<80x2x128xi32, #tpu.memory_space<hbm>>
          %dma_wait3A_123 = arith.constant 0 : i32
          %dma_wait3A_124 = arith.constant 0 : i32
          %dma_wait3A_125 = tpu.memref_slice %dma_wait3A_122[%min3A_74, %dma_wait3A_123, %dma_wait3A_124] : memref<80x2x128xi32, #tpu.memory_space<hbm>> -> memref<1x2x128xi32, #tpu.memory_space<hbm>>
          %dma_wait3A_126 = tpu.memref_squeeze %dma_wait3A_125 : memref<1x2x128xi32, #tpu.memory_space<hbm>> -> memref<2x128xi32, #tpu.memory_space<hbm>>
          tpu.wait_dma2 semaphore(%run_scoped3A_90 : memref<!tpu.dma_semaphore, #tpu.memory_space<semaphore_mem>>) src(%dma_wait3A_126 : memref<2x128xi32, #tpu.memory_space<hbm>>) dst(%arg14 : memref<2x128xi32, #tpu.memory_space<vmem>>)
          tpu.yield
        }) : () -> ()
        %dma_start3A_75 = arith.constant 0 : i32
        %dma_start3A_76 = arith.constant 0 : i32
        %dma_start3A_77 = tpu.memref_slice %arg14[%dma_start3A_75, %dma_start3A_76] : memref<2x128xi32, #tpu.memory_space<vmem>> -> memref<1x128xi32, #tpu.memory_space<vmem>>
        %dma_start3A_78 = tpu.memref_squeeze %dma_start3A_77 : memref<1x128xi32, #tpu.memory_space<vmem>> -> memref<128xi32, #tpu.memory_space<vmem>>
        %dma_start3A_79 = arith.constant 0 : i32
        %dma_start3A_80 = arith.constant 0 : i32
        %dma_start3A_81 = tpu.memref_slice %arg3[%dma_start3A_79, %dma_start3A_80] : memref<10240x128xf32, #tpu.memory_space<hbm>> -> memref<10240x128xf32, #tpu.memory_space<hbm>>
        tpu.enqueue_indirect_dma source(%dma_start3A_81 : memref<10240x128xf32, #tpu.memory_space<hbm>>) target(%arg12 : memref<128x128xf32, #tpu.memory_space<vmem>>) offsets(%dma_start3A_78 : memref<128xi32, #tpu.memory_space<vmem>>) semaphore(%arg17 : memref<!tpu.dma_semaphore, #tpu.memory_space<semaphore_mem>>)
        %dma_wait3A_82 = arith.constant 0 : i32
        %dma_wait3A_83 = arith.constant 0 : i32
        %dma_wait3A_84 = tpu.memref_slice %arg15[%dma_wait3A_82, %dma_wait3A_83] : memref<2x128xi32, #tpu.memory_space<vmem>> -> memref<1x128xi32, #tpu.memory_space<vmem>>
        %dma_wait3A_85 = tpu.memref_squeeze %dma_wait3A_84 : memref<1x128xi32, #tpu.memory_space<vmem>> -> memref<128xi32, #tpu.memory_space<vmem>>
        %dma_wait3A_86 = arith.constant 0 : i32
        %dma_wait3A_87 = arith.constant 0 : i32
        %dma_wait3A_88 = tpu.memref_slice %arg3[%dma_wait3A_86, %dma_wait3A_87] : memref<10240x128xf32, #tpu.memory_space<hbm>> -> memref<10240x128xf32, #tpu.memory_space<hbm>>
        tpu.wait_indirect_dma semaphore(%arg18 : memref<!tpu.dma_semaphore, #tpu.memory_space<semaphore_mem>>) src(%dma_wait3A_88 : memref<10240x128xf32, #tpu.memory_space<hbm>>) dst(%arg13 : memref<128x128xf32, #tpu.memory_space<vmem>>)
        %run_scoped3A_89 = arith.constant 1 : i32
        "tpu.region"() ({
          %run_scoped3A_90 = tpu.sem_alloc : memref<!tpu.dma_semaphore, #tpu.memory_space<semaphore_mem>>
          %dma_start3A_91 = arith.constant 0 : i32
          %dma_start3A_92 = tpu.memref_slice %arg15[%run_scoped3A_89, %dma_start3A_91] : memref<2x128xi32, #tpu.memory_space<vmem>> -> memref<1x128xi32, #tpu.memory_space<vmem>>
          %dma_start3A_93 = tpu.memref_squeeze %dma_start3A_92 : memref<1x128xi32, #tpu.memory_space<vmem>> -> memref<128xi32, #tpu.memory_space<vmem>>
          %dma_start3A_94 = arith.constant 0 : i32
          %dma_start3A_95 = arith.constant 0 : i32
          %dma_start3A_96 = tpu.memref_slice %arg16[%dma_start3A_94, %dma_start3A_95] : memref<10240x128xf32, #tpu.memory_space<vmem_shared>> -> memref<10240x128xf32, #tpu.memory_space<vmem_shared>>
          tpu.enqueue_indirect_dma source(%arg13 : memref<128x128xf32, #tpu.memory_space<vmem>>) target(%dma_start3A_96 : memref<10240x128xf32, #tpu.memory_space<vmem_shared>>) offsets(%dma_start3A_93 : memref<128xi32, #tpu.memory_space<vmem>>) semaphore(%run_scoped3A_90 : memref<!tpu.dma_semaphore, #tpu.memory_space<semaphore_mem>>) {add = true}
          %dma_wait3A_97 = arith.constant 0 : i32
          %dma_wait3A_98 = tpu.memref_slice %arg15[%run_scoped3A_89, %dma_wait3A_97] : memref<2x128xi32, #tpu.memory_space<vmem>> -> memref<1x128xi32, #tpu.memory_space<vmem>>
          %dma_wait3A_99 = tpu.memref_squeeze %dma_wait3A_98 : memref<1x128xi32, #tpu.memory_space<vmem>> -> memref<128xi32, #tpu.memory_space<vmem>>
          %dma_wait3A_100 = arith.constant 0 : i32
          %dma_wait3A_101 = arith.constant 0 : i32
          %dma_wait3A_102 = tpu.memref_slice %arg16[%dma_wait3A_100, %dma_wait3A_101] : memref<10240x128xf32, #tpu.memory_space<vmem_shared>> -> memref<10240x128xf32, #tpu.memory_space<vmem_shared>>
          tpu.wait_indirect_dma semaphore(%run_scoped3A_90 : memref<!tpu.dma_semaphore, #tpu.memory_space<semaphore_mem>>) src(%arg13 : memref<128x128xf32, #tpu.memory_space<vmem>>) dst(%dma_wait3A_102 : memref<10240x128xf32, #tpu.memory_space<vmem_shared>>)
          tpu.yield
        }) : () -> ()
      }
      %scan3A_18 = arith.constant 40 : i32
      %dma_wait3A = arith.constant 0 : i32
      %dma_wait3A_19 = arith.constant 0 : i32
      %dma_wait3A_20 = tpu.memref_slice %arg14[%dma_wait3A, %dma_wait3A_19] : memref<2x128xi32, #tpu.memory_space<vmem>> -> memref<1x128xi32, #tpu.memory_space<vmem>>
      %dma_wait3A_21 = tpu.memref_squeeze %dma_wait3A_20 : memref<1x128xi32, #tpu.memory_space<vmem>> -> memref<128xi32, #tpu.memory_space<vmem>>
      %dma_wait3A_22 = arith.constant 0 : i32
      %dma_wait3A_23 = arith.constant 0 : i32
      %dma_wait3A_24 = tpu.memref_slice %arg3[%dma_wait3A_22, %dma_wait3A_23] : memref<10240x128xf32, #tpu.memory_space<hbm>> -> memref<10240x128xf32, #tpu.memory_space<hbm>>
      tpu.wait_indirect_dma semaphore(%arg17 : memref<!tpu.dma_semaphore, #tpu.memory_space<semaphore_mem>>) src(%dma_wait3A_24 : memref<10240x128xf32, #tpu.memory_space<hbm>>) dst(%arg12 : memref<128x128xf32, #tpu.memory_space<vmem>>)
      %barrier3A_25 = arith.constant 0 : index
      tpu.barrier barrier_id(%barrier3A_25)
      "tpu.region"() ({
        %run_scoped3A_51 = tpu.sem_alloc : memref<!tpu.dma_semaphore, #tpu.memory_space<semaphore_mem>>
        %dma_start3A_52 = arith.constant 0 : i32
        %dma_start3A_53 = tpu.memref_slice %arg9[%mul3A_0, %dma_start3A_52] : memref<10240x128xf32, #tpu.memory_space<hbm>> -> memref<640x128xf32, #tpu.memory_space<hbm>>
        %dma_start3A_54 = arith.constant 0 : i32
        %dma_start3A_55 = tpu.memref_slice %arg16[%mul3A_0, %dma_start3A_54] : memref<10240x128xf32, #tpu.memory_space<vmem_shared>> -> memref<640x128xf32, #tpu.memory_space<vmem_shared>>
        tpu.enqueue_dma source(%dma_start3A_55 : memref<640x128xf32, #tpu.memory_space<vmem_shared>>) target(%dma_start3A_53 : memref<640x128xf32, #tpu.memory_space<hbm>>) target_semaphore(%run_scoped3A_51 : memref<!tpu.dma_semaphore, #tpu.memory_space<semaphore_mem>>)
        %dma_wait3A_56 = arith.constant 0 : i32
        %dma_wait3A_57 = tpu.memref_slice %arg9[%mul3A_0, %dma_wait3A_56] : memref<10240x128xf32, #tpu.memory_space<hbm>> -> memref<640x128xf32, #tpu.memory_space<hbm>>
        %dma_wait3A_58 = arith.constant 0 : i32
        %dma_wait3A_59 = tpu.memref_slice %arg16[%mul3A_0, %dma_wait3A_58] : memref<10240x128xf32, #tpu.memory_space<vmem_shared>> -> memref<640x128xf32, #tpu.memory_space<vmem_shared>>
        tpu.wait_dma2 semaphore(%run_scoped3A_51 : memref<!tpu.dma_semaphore, #tpu.memory_space<semaphore_mem>>) src(%dma_wait3A_59 : memref<640x128xf32, #tpu.memory_space<vmem_shared>>) dst(%dma_wait3A_57 : memref<640x128xf32, #tpu.memory_space<hbm>>)
        tpu.yield
      }) : () -> ()
      %barrier3A_26 = arith.constant 0 : index
      tpu.barrier barrier_id(%barrier3A_26)
      "tpu.region"() ({
        %run_scoped3A_51 = tpu.sem_alloc : memref<!tpu.dma_semaphore, #tpu.memory_space<semaphore_mem>>
        %dma_start3A_52 = arith.constant 0 : i32
        %dma_start3A_53 = tpu.memref_slice %arg16[%mul3A_0, %dma_start3A_52] : memref<10240x128xf32, #tpu.memory_space<vmem_shared>> -> memref<640x128xf32, #tpu.memory_space<vmem_shared>>
        tpu.enqueue_dma source(%arg7 : memref<640x128xf32, #tpu.memory_space<hbm>>) target(%dma_start3A_53 : memref<640x128xf32, #tpu.memory_space<vmem_shared>>) target_semaphore(%run_scoped3A_51 : memref<!tpu.dma_semaphore, #tpu.memory_space<semaphore_mem>>)
        %dma_wait3A_54 = arith.constant 0 : i32
        %dma_wait3A_55 = tpu.memref_slice %arg16[%mul3A_0, %dma_wait3A_54] : memref<10240x128xf32, #tpu.memory_space<vmem_shared>> -> memref<640x128xf32, #tpu.memory_space<vmem_shared>>
        tpu.wait_dma2 semaphore(%run_scoped3A_51 : memref<!tpu.dma_semaphore, #tpu.memory_space<semaphore_mem>>) src(%arg7 : memref<640x128xf32, #tpu.memory_space<hbm>>) dst(%dma_wait3A_55 : memref<640x128xf32, #tpu.memory_space<vmem_shared>>)
        tpu.yield
      }) : () -> ()
      %barrier3A_27 = arith.constant 0 : index
      tpu.barrier barrier_id(%barrier3A_27)
      %run_scoped3A_28 = arith.constant 0 : i32
      "tpu.region"() ({
        %run_scoped3A_51 = tpu.sem_alloc : memref<!tpu.dma_semaphore, #tpu.memory_space<semaphore_mem>>
        %dma_start3A_52 = arith.constant 0 : i32
        %dma_start3A_53 = arith.constant 0 : i32
        %dma_start3A_54 = arith.constant 0 : i32
        %dma_start3A_55 = tpu.memref_slice %arg6[%arg1, %dma_start3A_52, %dma_start3A_53, %dma_start3A_54] : memref<16x80x2x128xi32, #tpu.memory_space<hbm>> -> memref<1x80x2x128xi32, #tpu.memory_space<hbm>>
        %dma_start3A_56 = tpu.memref_squeeze %dma_start3A_55 : memref<1x80x2x128xi32, #tpu.memory_space<hbm>> -> memref<80x2x128xi32, #tpu.memory_space<hbm>>
        %dma_start3A_57 = arith.constant 0 : i32
        %dma_start3A_58 = arith.constant 0 : i32
        %dma_start3A_59 = tpu.memref_slice %dma_start3A_56[%run_scoped3A_28, %dma_start3A_57, %dma_start3A_58] : memref<80x2x128xi32, #tpu.memory_space<hbm>> -> memref<1x2x128xi32, #tpu.memory_space<hbm>>
        %dma_start3A_60 = tpu.memref_squeeze %dma_start3A_59 : memref<1x2x128xi32, #tpu.memory_space<hbm>> -> memref<2x128xi32, #tpu.memory_space<hbm>>
        %dma_start3A_61 = arith.constant 0 : i32
        %dma_start3A_62 = arith.constant 0 : i32
        %dma_start3A_63 = arith.constant 0 : i32
        %dma_start3A_64 = tpu.memref_slice %arg6[%arg1, %dma_start3A_61, %dma_start3A_62, %dma_start3A_63] : memref<16x80x2x128xi32, #tpu.memory_space<hbm>> -> memref<1x80x2x128xi32, #tpu.memory_space<hbm>>
        %dma_start3A_65 = tpu.memref_squeeze %dma_start3A_64 : memref<1x80x2x128xi32, #tpu.memory_space<hbm>> -> memref<80x2x128xi32, #tpu.memory_space<hbm>>
        %dma_start3A_66 = arith.constant 0 : i32
        %dma_start3A_67 = arith.constant 0 : i32
        %dma_start3A_68 = tpu.memref_slice %dma_start3A_65[%run_scoped3A_28, %dma_start3A_66, %dma_start3A_67] : memref<80x2x128xi32, #tpu.memory_space<hbm>> -> memref<1x2x128xi32, #tpu.memory_space<hbm>>
        %dma_start3A_69 = tpu.memref_squeeze %dma_start3A_68 : memref<1x2x128xi32, #tpu.memory_space<hbm>> -> memref<2x128xi32, #tpu.memory_space<hbm>>
        tpu.enqueue_dma source(%dma_start3A_69 : memref<2x128xi32, #tpu.memory_space<hbm>>) target(%arg14 : memref<2x128xi32, #tpu.memory_space<vmem>>) target_semaphore(%run_scoped3A_51 : memref<!tpu.dma_semaphore, #tpu.memory_space<semaphore_mem>>)
        %dma_wait3A_70 = arith.constant 0 : i32
        %dma_wait3A_71 = arith.constant 0 : i32
        %dma_wait3A_72 = arith.constant 0 : i32
        %dma_wait3A_73 = tpu.memref_slice %arg6[%arg1, %dma_wait3A_70, %dma_wait3A_71, %dma_wait3A_72] : memref<16x80x2x128xi32, #tpu.memory_space<hbm>> -> memref<1x80x2x128xi32, #tpu.memory_space<hbm>>
        %dma_wait3A_74 = tpu.memref_squeeze %dma_wait3A_73 : memref<1x80x2x128xi32, #tpu.memory_space<hbm>> -> memref<80x2x128xi32, #tpu.memory_space<hbm>>
        %dma_wait3A_75 = arith.constant 0 : i32
        %dma_wait3A_76 = arith.constant 0 : i32
        %dma_wait3A_77 = tpu.memref_slice %dma_wait3A_74[%run_scoped3A_28, %dma_wait3A_75, %dma_wait3A_76] : memref<80x2x128xi32, #tpu.memory_space<hbm>> -> memref<1x2x128xi32, #tpu.memory_space<hbm>>
        %dma_wait3A_78 = tpu.memref_squeeze %dma_wait3A_77 : memref<1x2x128xi32, #tpu.memory_space<hbm>> -> memref<2x128xi32, #tpu.memory_space<hbm>>
        %dma_wait3A_79 = arith.constant 0 : i32
        %dma_wait3A_80 = arith.constant 0 : i32
        %dma_wait3A_81 = arith.constant 0 : i32
        %dma_wait3A_82 = tpu.memref_slice %arg6[%arg1, %dma_wait3A_79, %dma_wait3A_80, %dma_wait3A_81] : memref<16x80x2x128xi32, #tpu.memory_space<hbm>> -> memref<1x80x2x128xi32, #tpu.memory_space<hbm>>
        %dma_wait3A_83 = tpu.memref_squeeze %dma_wait3A_82 : memref<1x80x2x128xi32, #tpu.memory_space<hbm>> -> memref<80x2x128xi32, #tpu.memory_space<hbm>>
        %dma_wait3A_84 = arith.constant 0 : i32
        %dma_wait3A_85 = arith.constant 0 : i32
        %dma_wait3A_86 = tpu.memref_slice %dma_wait3A_83[%run_scoped3A_28, %dma_wait3A_84, %dma_wait3A_85] : memref<80x2x128xi32, #tpu.memory_space<hbm>> -> memref<1x2x128xi32, #tpu.memory_space<hbm>>
        %dma_wait3A_87 = tpu.memref_squeeze %dma_wait3A_86 : memref<1x2x128xi32, #tpu.memory_space<hbm>> -> memref<2x128xi32, #tpu.memory_space<hbm>>
        tpu.wait_dma2 semaphore(%run_scoped3A_51 : memref<!tpu.dma_semaphore, #tpu.memory_space<semaphore_mem>>) src(%dma_wait3A_87 : memref<2x128xi32, #tpu.memory_space<hbm>>) dst(%arg14 : memref<2x128xi32, #tpu.memory_space<vmem>>)
        tpu.yield
      }) : () -> ()
      %dma_start3A_29 = arith.constant 0 : i32
      %dma_start3A_30 = arith.constant 0 : i32
      %dma_start3A_31 = tpu.memref_slice %arg14[%dma_start3A_29, %dma_start3A_30] : memref<2x128xi32, #tpu.memory_space<vmem>> -> memref<1x128xi32, #tpu.memory_space<vmem>>
      %dma_start3A_32 = tpu.memref_squeeze %dma_start3A_31 : memref<1x128xi32, #tpu.memory_space<vmem>> -> memref<128xi32, #tpu.memory_space<vmem>>
      %dma_start3A_33 = arith.constant 0 : i32
      %dma_start3A_34 = arith.constant 0 : i32
      %dma_start3A_35 = tpu.memref_slice %arg5[%dma_start3A_33, %dma_start3A_34] : memref<10240x128xf32, #tpu.memory_space<hbm>> -> memref<10240x128xf32, #tpu.memory_space<hbm>>
      tpu.enqueue_indirect_dma source(%dma_start3A_35 : memref<10240x128xf32, #tpu.memory_space<hbm>>) target(%arg12 : memref<128x128xf32, #tpu.memory_space<vmem>>) offsets(%dma_start3A_32 : memref<128xi32, #tpu.memory_space<vmem>>) semaphore(%arg17 : memref<!tpu.dma_semaphore, #tpu.memory_space<semaphore_mem>>)
      %scan3A_36 = arith.constant 0 : i32
      %scan3A_37 = arith.constant 0 : i32
      %scan3A_38 = arith.constant 40 : i32
      %scan3A_39 = arith.addi %scan3A_37, %scan3A_38 : i32
      %scan3A_40 = arith.constant 1 : i32
      scf.for %scan3A_51 = %scan3A_37 to %scan3A_39 step %scan3A_40  : i32 {
        %mul3A_52 = arith.constant 2 : i32
        %mul3A_53 = arith.muli %mul3A_52, %scan3A_51 : i32
        %add3A = arith.constant 1 : i32
        %add3A_54 = arith.addi %mul3A_53, %add3A : i32
        "tpu.region"() ({
          %run_scoped3A_90 = tpu.sem_alloc : memref<!tpu.dma_semaphore, #tpu.memory_space<semaphore_mem>>
          %dma_start3A_91 = arith.constant 0 : i32
          %dma_start3A_92 = arith.constant 0 : i32
          %dma_start3A_93 = arith.constant 0 : i32
          %dma_start3A_94 = tpu.memref_slice %arg6[%arg1, %dma_start3A_91, %dma_start3A_92, %dma_start3A_93] : memref<16x80x2x128xi32, #tpu.memory_space<hbm>> -> memref<1x80x2x128xi32, #tpu.memory_space<hbm>>
          %dma_start3A_95 = tpu.memref_squeeze %dma_start3A_94 : memref<1x80x2x128xi32, #tpu.memory_space<hbm>> -> memref<80x2x128xi32, #tpu.memory_space<hbm>>
          %dma_start3A_96 = arith.constant 0 : i32
          %dma_start3A_97 = arith.constant 0 : i32
          %dma_start3A_98 = tpu.memref_slice %dma_start3A_95[%add3A_54, %dma_start3A_96, %dma_start3A_97] : memref<80x2x128xi32, #tpu.memory_space<hbm>> -> memref<1x2x128xi32, #tpu.memory_space<hbm>>
          %dma_start3A_99 = tpu.memref_squeeze %dma_start3A_98 : memref<1x2x128xi32, #tpu.memory_space<hbm>> -> memref<2x128xi32, #tpu.memory_space<hbm>>
          %dma_start3A_100 = arith.constant 0 : i32
          %dma_start3A_101 = arith.constant 0 : i32
          %dma_start3A_102 = arith.constant 0 : i32
          %dma_start3A_103 = tpu.memref_slice %arg6[%arg1, %dma_start3A_100, %dma_start3A_101, %dma_start3A_102] : memref<16x80x2x128xi32, #tpu.memory_space<hbm>> -> memref<1x80x2x128xi32, #tpu.memory_space<hbm>>
          %dma_start3A_104 = tpu.memref_squeeze %dma_start3A_103 : memref<1x80x2x128xi32, #tpu.memory_space<hbm>> -> memref<80x2x128xi32, #tpu.memory_space<hbm>>
          %dma_start3A_105 = arith.constant 0 : i32
          %dma_start3A_106 = arith.constant 0 : i32
          %dma_start3A_107 = tpu.memref_slice %dma_start3A_104[%add3A_54, %dma_start3A_105, %dma_start3A_106] : memref<80x2x128xi32, #tpu.memory_space<hbm>> -> memref<1x2x128xi32, #tpu.memory_space<hbm>>
          %dma_start3A_108 = tpu.memref_squeeze %dma_start3A_107 : memref<1x2x128xi32, #tpu.memory_space<hbm>> -> memref<2x128xi32, #tpu.memory_space<hbm>>
          tpu.enqueue_dma source(%dma_start3A_108 : memref<2x128xi32, #tpu.memory_space<hbm>>) target(%arg15 : memref<2x128xi32, #tpu.memory_space<vmem>>) target_semaphore(%run_scoped3A_90 : memref<!tpu.dma_semaphore, #tpu.memory_space<semaphore_mem>>)
          %dma_wait3A_109 = arith.constant 0 : i32
          %dma_wait3A_110 = arith.constant 0 : i32
          %dma_wait3A_111 = arith.constant 0 : i32
          %dma_wait3A_112 = tpu.memref_slice %arg6[%arg1, %dma_wait3A_109, %dma_wait3A_110, %dma_wait3A_111] : memref<16x80x2x128xi32, #tpu.memory_space<hbm>> -> memref<1x80x2x128xi32, #tpu.memory_space<hbm>>
          %dma_wait3A_113 = tpu.memref_squeeze %dma_wait3A_112 : memref<1x80x2x128xi32, #tpu.memory_space<hbm>> -> memref<80x2x128xi32, #tpu.memory_space<hbm>>
          %dma_wait3A_114 = arith.constant 0 : i32
          %dma_wait3A_115 = arith.constant 0 : i32
          %dma_wait3A_116 = tpu.memref_slice %dma_wait3A_113[%add3A_54, %dma_wait3A_114, %dma_wait3A_115] : memref<80x2x128xi32, #tpu.memory_space<hbm>> -> memref<1x2x128xi32, #tpu.memory_space<hbm>>
          %dma_wait3A_117 = tpu.memref_squeeze %dma_wait3A_116 : memref<1x2x128xi32, #tpu.memory_space<hbm>> -> memref<2x128xi32, #tpu.memory_space<hbm>>
          %dma_wait3A_118 = arith.constant 0 : i32
          %dma_wait3A_119 = arith.constant 0 : i32
          %dma_wait3A_120 = arith.constant 0 : i32
          %dma_wait3A_121 = tpu.memref_slice %arg6[%arg1, %dma_wait3A_118, %dma_wait3A_119, %dma_wait3A_120] : memref<16x80x2x128xi32, #tpu.memory_space<hbm>> -> memref<1x80x2x128xi32, #tpu.memory_space<hbm>>
          %dma_wait3A_122 = tpu.memref_squeeze %dma_wait3A_121 : memref<1x80x2x128xi32, #tpu.memory_space<hbm>> -> memref<80x2x128xi32, #tpu.memory_space<hbm>>
          %dma_wait3A_123 = arith.constant 0 : i32
          %dma_wait3A_124 = arith.constant 0 : i32
          %dma_wait3A_125 = tpu.memref_slice %dma_wait3A_122[%add3A_54, %dma_wait3A_123, %dma_wait3A_124] : memref<80x2x128xi32, #tpu.memory_space<hbm>> -> memref<1x2x128xi32, #tpu.memory_space<hbm>>
          %dma_wait3A_126 = tpu.memref_squeeze %dma_wait3A_125 : memref<1x2x128xi32, #tpu.memory_space<hbm>> -> memref<2x128xi32, #tpu.memory_space<hbm>>
          tpu.wait_dma2 semaphore(%run_scoped3A_90 : memref<!tpu.dma_semaphore, #tpu.memory_space<semaphore_mem>>) src(%dma_wait3A_126 : memref<2x128xi32, #tpu.memory_space<hbm>>) dst(%arg15 : memref<2x128xi32, #tpu.memory_space<vmem>>)
          tpu.yield
        }) : () -> ()
        %dma_start3A_55 = arith.constant 0 : i32
        %dma_start3A_56 = arith.constant 0 : i32
        %dma_start3A_57 = tpu.memref_slice %arg15[%dma_start3A_55, %dma_start3A_56] : memref<2x128xi32, #tpu.memory_space<vmem>> -> memref<1x128xi32, #tpu.memory_space<vmem>>
        %dma_start3A_58 = tpu.memref_squeeze %dma_start3A_57 : memref<1x128xi32, #tpu.memory_space<vmem>> -> memref<128xi32, #tpu.memory_space<vmem>>
        %dma_start3A_59 = arith.constant 0 : i32
        %dma_start3A_60 = arith.constant 0 : i32
        %dma_start3A_61 = tpu.memref_slice %arg5[%dma_start3A_59, %dma_start3A_60] : memref<10240x128xf32, #tpu.memory_space<hbm>> -> memref<10240x128xf32, #tpu.memory_space<hbm>>
        tpu.enqueue_indirect_dma source(%dma_start3A_61 : memref<10240x128xf32, #tpu.memory_space<hbm>>) target(%arg13 : memref<128x128xf32, #tpu.memory_space<vmem>>) offsets(%dma_start3A_58 : memref<128xi32, #tpu.memory_space<vmem>>) semaphore(%arg18 : memref<!tpu.dma_semaphore, #tpu.memory_space<semaphore_mem>>)
        %dma_wait3A_62 = arith.constant 0 : i32
        %dma_wait3A_63 = arith.constant 0 : i32
        %dma_wait3A_64 = tpu.memref_slice %arg14[%dma_wait3A_62, %dma_wait3A_63] : memref<2x128xi32, #tpu.memory_space<vmem>> -> memref<1x128xi32, #tpu.memory_space<vmem>>
        %dma_wait3A_65 = tpu.memref_squeeze %dma_wait3A_64 : memref<1x128xi32, #tpu.memory_space<vmem>> -> memref<128xi32, #tpu.memory_space<vmem>>
        %dma_wait3A_66 = arith.constant 0 : i32
        %dma_wait3A_67 = arith.constant 0 : i32
        %dma_wait3A_68 = tpu.memref_slice %arg5[%dma_wait3A_66, %dma_wait3A_67] : memref<10240x128xf32, #tpu.memory_space<hbm>> -> memref<10240x128xf32, #tpu.memory_space<hbm>>
        tpu.wait_indirect_dma semaphore(%arg17 : memref<!tpu.dma_semaphore, #tpu.memory_space<semaphore_mem>>) src(%dma_wait3A_68 : memref<10240x128xf32, #tpu.memory_space<hbm>>) dst(%arg12 : memref<128x128xf32, #tpu.memory_space<vmem>>)
        %run_scoped3A_69 = arith.constant 1 : i32
        "tpu.region"() ({
          %run_scoped3A_90 = tpu.sem_alloc : memref<!tpu.dma_semaphore, #tpu.memory_space<semaphore_mem>>
          %dma_start3A_91 = arith.constant 0 : i32
          %dma_start3A_92 = tpu.memref_slice %arg14[%run_scoped3A_69, %dma_start3A_91] : memref<2x128xi32, #tpu.memory_space<vmem>> -> memref<1x128xi32, #tpu.memory_space<vmem>>
          %dma_start3A_93 = tpu.memref_squeeze %dma_start3A_92 : memref<1x128xi32, #tpu.memory_space<vmem>> -> memref<128xi32, #tpu.memory_space<vmem>>
          %dma_start3A_94 = arith.constant 0 : i32
          %dma_start3A_95 = arith.constant 0 : i32
          %dma_start3A_96 = tpu.memref_slice %arg16[%dma_start3A_94, %dma_start3A_95] : memref<10240x128xf32, #tpu.memory_space<vmem_shared>> -> memref<10240x128xf32, #tpu.memory_space<vmem_shared>>
          tpu.enqueue_indirect_dma source(%arg12 : memref<128x128xf32, #tpu.memory_space<vmem>>) target(%dma_start3A_96 : memref<10240x128xf32, #tpu.memory_space<vmem_shared>>) offsets(%dma_start3A_93 : memref<128xi32, #tpu.memory_space<vmem>>) semaphore(%run_scoped3A_90 : memref<!tpu.dma_semaphore, #tpu.memory_space<semaphore_mem>>) {add = true}
          %dma_wait3A_97 = arith.constant 0 : i32
          %dma_wait3A_98 = tpu.memref_slice %arg14[%run_scoped3A_69, %dma_wait3A_97] : memref<2x128xi32, #tpu.memory_space<vmem>> -> memref<1x128xi32, #tpu.memory_space<vmem>>
          %dma_wait3A_99 = tpu.memref_squeeze %dma_wait3A_98 : memref<1x128xi32, #tpu.memory_space<vmem>> -> memref<128xi32, #tpu.memory_space<vmem>>
          %dma_wait3A_100 = arith.constant 0 : i32
          %dma_wait3A_101 = arith.constant 0 : i32
          %dma_wait3A_102 = tpu.memref_slice %arg16[%dma_wait3A_100, %dma_wait3A_101] : memref<10240x128xf32, #tpu.memory_space<vmem_shared>> -> memref<10240x128xf32, #tpu.memory_space<vmem_shared>>
          tpu.wait_indirect_dma semaphore(%run_scoped3A_90 : memref<!tpu.dma_semaphore, #tpu.memory_space<semaphore_mem>>) src(%arg12 : memref<128x128xf32, #tpu.memory_space<vmem>>) dst(%dma_wait3A_102 : memref<10240x128xf32, #tpu.memory_space<vmem_shared>>)
          tpu.yield
        }) : () -> ()
        %mul3A_70 = arith.constant 2 : i32
        %mul3A_71 = arith.muli %mul3A_70, %scan3A_51 : i32
        %add3A_72 = arith.constant 2 : i32
        %add3A_73 = arith.addi %mul3A_71, %add3A_72 : i32
        %min3A = arith.constant 78 : i32
        %min3A_74 = arith.minsi %add3A_73, %min3A : i32
        "tpu.region"() ({
          %run_scoped3A_90 = tpu.sem_alloc : memref<!tpu.dma_semaphore, #tpu.memory_space<semaphore_mem>>
          %dma_start3A_91 = arith.constant 0 : i32
          %dma_start3A_92 = arith.constant 0 : i32
          %dma_start3A_93 = arith.constant 0 : i32
          %dma_start3A_94 = tpu.memref_slice %arg6[%arg1, %dma_start3A_91, %dma_start3A_92, %dma_start3A_93] : memref<16x80x2x128xi32, #tpu.memory_space<hbm>> -> memref<1x80x2x128xi32, #tpu.memory_space<hbm>>
          %dma_start3A_95 = tpu.memref_squeeze %dma_start3A_94 : memref<1x80x2x128xi32, #tpu.memory_space<hbm>> -> memref<80x2x128xi32, #tpu.memory_space<hbm>>
          %dma_start3A_96 = arith.constant 0 : i32
          %dma_start3A_97 = arith.constant 0 : i32
          %dma_start3A_98 = tpu.memref_slice %dma_start3A_95[%min3A_74, %dma_start3A_96, %dma_start3A_97] : memref<80x2x128xi32, #tpu.memory_space<hbm>> -> memref<1x2x128xi32, #tpu.memory_space<hbm>>
          %dma_start3A_99 = tpu.memref_squeeze %dma_start3A_98 : memref<1x2x128xi32, #tpu.memory_space<hbm>> -> memref<2x128xi32, #tpu.memory_space<hbm>>
          %dma_start3A_100 = arith.constant 0 : i32
          %dma_start3A_101 = arith.constant 0 : i32
          %dma_start3A_102 = arith.constant 0 : i32
          %dma_start3A_103 = tpu.memref_slice %arg6[%arg1, %dma_start3A_100, %dma_start3A_101, %dma_start3A_102] : memref<16x80x2x128xi32, #tpu.memory_space<hbm>> -> memref<1x80x2x128xi32, #tpu.memory_space<hbm>>
          %dma_start3A_104 = tpu.memref_squeeze %dma_start3A_103 : memref<1x80x2x128xi32, #tpu.memory_space<hbm>> -> memref<80x2x128xi32, #tpu.memory_space<hbm>>
          %dma_start3A_105 = arith.constant 0 : i32
          %dma_start3A_106 = arith.constant 0 : i32
          %dma_start3A_107 = tpu.memref_slice %dma_start3A_104[%min3A_74, %dma_start3A_105, %dma_start3A_106] : memref<80x2x128xi32, #tpu.memory_space<hbm>> -> memref<1x2x128xi32, #tpu.memory_space<hbm>>
          %dma_start3A_108 = tpu.memref_squeeze %dma_start3A_107 : memref<1x2x128xi32, #tpu.memory_space<hbm>> -> memref<2x128xi32, #tpu.memory_space<hbm>>
          tpu.enqueue_dma source(%dma_start3A_108 : memref<2x128xi32, #tpu.memory_space<hbm>>) target(%arg14 : memref<2x128xi32, #tpu.memory_space<vmem>>) target_semaphore(%run_scoped3A_90 : memref<!tpu.dma_semaphore, #tpu.memory_space<semaphore_mem>>)
          %dma_wait3A_109 = arith.constant 0 : i32
          %dma_wait3A_110 = arith.constant 0 : i32
          %dma_wait3A_111 = arith.constant 0 : i32
          %dma_wait3A_112 = tpu.memref_slice %arg6[%arg1, %dma_wait3A_109, %dma_wait3A_110, %dma_wait3A_111] : memref<16x80x2x128xi32, #tpu.memory_space<hbm>> -> memref<1x80x2x128xi32, #tpu.memory_space<hbm>>
          %dma_wait3A_113 = tpu.memref_squeeze %dma_wait3A_112 : memref<1x80x2x128xi32, #tpu.memory_space<hbm>> -> memref<80x2x128xi32, #tpu.memory_space<hbm>>
          %dma_wait3A_114 = arith.constant 0 : i32
          %dma_wait3A_115 = arith.constant 0 : i32
          %dma_wait3A_116 = tpu.memref_slice %dma_wait3A_113[%min3A_74, %dma_wait3A_114, %dma_wait3A_115] : memref<80x2x128xi32, #tpu.memory_space<hbm>> -> memref<1x2x128xi32, #tpu.memory_space<hbm>>
          %dma_wait3A_117 = tpu.memref_squeeze %dma_wait3A_116 : memref<1x2x128xi32, #tpu.memory_space<hbm>> -> memref<2x128xi32, #tpu.memory_space<hbm>>
          %dma_wait3A_118 = arith.constant 0 : i32
          %dma_wait3A_119 = arith.constant 0 : i32
          %dma_wait3A_120 = arith.constant 0 : i32
          %dma_wait3A_121 = tpu.memref_slice %arg6[%arg1, %dma_wait3A_118, %dma_wait3A_119, %dma_wait3A_120] : memref<16x80x2x128xi32, #tpu.memory_space<hbm>> -> memref<1x80x2x128xi32, #tpu.memory_space<hbm>>
          %dma_wait3A_122 = tpu.memref_squeeze %dma_wait3A_121 : memref<1x80x2x128xi32, #tpu.memory_space<hbm>> -> memref<80x2x128xi32, #tpu.memory_space<hbm>>
          %dma_wait3A_123 = arith.constant 0 : i32
          %dma_wait3A_124 = arith.constant 0 : i32
          %dma_wait3A_125 = tpu.memref_slice %dma_wait3A_122[%min3A_74, %dma_wait3A_123, %dma_wait3A_124] : memref<80x2x128xi32, #tpu.memory_space<hbm>> -> memref<1x2x128xi32, #tpu.memory_space<hbm>>
          %dma_wait3A_126 = tpu.memref_squeeze %dma_wait3A_125 : memref<1x2x128xi32, #tpu.memory_space<hbm>> -> memref<2x128xi32, #tpu.memory_space<hbm>>
          tpu.wait_dma2 semaphore(%run_scoped3A_90 : memref<!tpu.dma_semaphore, #tpu.memory_space<semaphore_mem>>) src(%dma_wait3A_126 : memref<2x128xi32, #tpu.memory_space<hbm>>) dst(%arg14 : memref<2x128xi32, #tpu.memory_space<vmem>>)
          tpu.yield
        }) : () -> ()
        %dma_start3A_75 = arith.constant 0 : i32
        %dma_start3A_76 = arith.constant 0 : i32
        %dma_start3A_77 = tpu.memref_slice %arg14[%dma_start3A_75, %dma_start3A_76] : memref<2x128xi32, #tpu.memory_space<vmem>> -> memref<1x128xi32, #tpu.memory_space<vmem>>
        %dma_start3A_78 = tpu.memref_squeeze %dma_start3A_77 : memref<1x128xi32, #tpu.memory_space<vmem>> -> memref<128xi32, #tpu.memory_space<vmem>>
        %dma_start3A_79 = arith.constant 0 : i32
        %dma_start3A_80 = arith.constant 0 : i32
        %dma_start3A_81 = tpu.memref_slice %arg5[%dma_start3A_79, %dma_start3A_80] : memref<10240x128xf32, #tpu.memory_space<hbm>> -> memref<10240x128xf32, #tpu.memory_space<hbm>>
        tpu.enqueue_indirect_dma source(%dma_start3A_81 : memref<10240x128xf32, #tpu.memory_space<hbm>>) target(%arg12 : memref<128x128xf32, #tpu.memory_space<vmem>>) offsets(%dma_start3A_78 : memref<128xi32, #tpu.memory_space<vmem>>) semaphore(%arg17 : memref<!tpu.dma_semaphore, #tpu.memory_space<semaphore_mem>>)
        %dma_wait3A_82 = arith.constant 0 : i32
        %dma_wait3A_83 = arith.constant 0 : i32
        %dma_wait3A_84 = tpu.memref_slice %arg15[%dma_wait3A_82, %dma_wait3A_83] : memref<2x128xi32, #tpu.memory_space<vmem>> -> memref<1x128xi32, #tpu.memory_space<vmem>>
        %dma_wait3A_85 = tpu.memref_squeeze %dma_wait3A_84 : memref<1x128xi32, #tpu.memory_space<vmem>> -> memref<128xi32, #tpu.memory_space<vmem>>
        %dma_wait3A_86 = arith.constant 0 : i32
        %dma_wait3A_87 = arith.constant 0 : i32
        %dma_wait3A_88 = tpu.memref_slice %arg5[%dma_wait3A_86, %dma_wait3A_87] : memref<10240x128xf32, #tpu.memory_space<hbm>> -> memref<10240x128xf32, #tpu.memory_space<hbm>>
        tpu.wait_indirect_dma semaphore(%arg18 : memref<!tpu.dma_semaphore, #tpu.memory_space<semaphore_mem>>) src(%dma_wait3A_88 : memref<10240x128xf32, #tpu.memory_space<hbm>>) dst(%arg13 : memref<128x128xf32, #tpu.memory_space<vmem>>)
        %run_scoped3A_89 = arith.constant 1 : i32
        "tpu.region"() ({
          %run_scoped3A_90 = tpu.sem_alloc : memref<!tpu.dma_semaphore, #tpu.memory_space<semaphore_mem>>
          %dma_start3A_91 = arith.constant 0 : i32
          %dma_start3A_92 = tpu.memref_slice %arg15[%run_scoped3A_89, %dma_start3A_91] : memref<2x128xi32, #tpu.memory_space<vmem>> -> memref<1x128xi32, #tpu.memory_space<vmem>>
          %dma_start3A_93 = tpu.memref_squeeze %dma_start3A_92 : memref<1x128xi32, #tpu.memory_space<vmem>> -> memref<128xi32, #tpu.memory_space<vmem>>
          %dma_start3A_94 = arith.constant 0 : i32
          %dma_start3A_95 = arith.constant 0 : i32
          %dma_start3A_96 = tpu.memref_slice %arg16[%dma_start3A_94, %dma_start3A_95] : memref<10240x128xf32, #tpu.memory_space<vmem_shared>> -> memref<10240x128xf32, #tpu.memory_space<vmem_shared>>
          tpu.enqueue_indirect_dma source(%arg13 : memref<128x128xf32, #tpu.memory_space<vmem>>) target(%dma_start3A_96 : memref<10240x128xf32, #tpu.memory_space<vmem_shared>>) offsets(%dma_start3A_93 : memref<128xi32, #tpu.memory_space<vmem>>) semaphore(%run_scoped3A_90 : memref<!tpu.dma_semaphore, #tpu.memory_space<semaphore_mem>>) {add = true}
          %dma_wait3A_97 = arith.constant 0 : i32
          %dma_wait3A_98 = tpu.memref_slice %arg15[%run_scoped3A_89, %dma_wait3A_97] : memref<2x128xi32, #tpu.memory_space<vmem>> -> memref<1x128xi32, #tpu.memory_space<vmem>>
          %dma_wait3A_99 = tpu.memref_squeeze %dma_wait3A_98 : memref<1x128xi32, #tpu.memory_space<vmem>> -> memref<128xi32, #tpu.memory_space<vmem>>
          %dma_wait3A_100 = arith.constant 0 : i32
          %dma_wait3A_101 = arith.constant 0 : i32
          %dma_wait3A_102 = tpu.memref_slice %arg16[%dma_wait3A_100, %dma_wait3A_101] : memref<10240x128xf32, #tpu.memory_space<vmem_shared>> -> memref<10240x128xf32, #tpu.memory_space<vmem_shared>>
          tpu.wait_indirect_dma semaphore(%run_scoped3A_90 : memref<!tpu.dma_semaphore, #tpu.memory_space<semaphore_mem>>) src(%arg13 : memref<128x128xf32, #tpu.memory_space<vmem>>) dst(%dma_wait3A_102 : memref<10240x128xf32, #tpu.memory_space<vmem_shared>>)
          tpu.yield
        }) : () -> ()
      }
      %scan3A_41 = arith.constant 40 : i32
      %dma_wait3A_42 = arith.constant 0 : i32
      %dma_wait3A_43 = arith.constant 0 : i32
      %dma_wait3A_44 = tpu.memref_slice %arg14[%dma_wait3A_42, %dma_wait3A_43] : memref<2x128xi32, #tpu.memory_space<vmem>> -> memref<1x128xi32, #tpu.memory_space<vmem>>
      %dma_wait3A_45 = tpu.memref_squeeze %dma_wait3A_44 : memref<1x128xi32, #tpu.memory_space<vmem>> -> memref<128xi32, #tpu.memory_space<vmem>>
      %dma_wait3A_46 = arith.constant 0 : i32
      %dma_wait3A_47 = arith.constant 0 : i32
      %dma_wait3A_48 = tpu.memref_slice %arg5[%dma_wait3A_46, %dma_wait3A_47] : memref<10240x128xf32, #tpu.memory_space<hbm>> -> memref<10240x128xf32, #tpu.memory_space<hbm>>
      tpu.wait_indirect_dma semaphore(%arg17 : memref<!tpu.dma_semaphore, #tpu.memory_space<semaphore_mem>>) src(%dma_wait3A_48 : memref<10240x128xf32, #tpu.memory_space<hbm>>) dst(%arg12 : memref<128x128xf32, #tpu.memory_space<vmem>>)
      %barrier3A_49 = arith.constant 0 : index
      tpu.barrier barrier_id(%barrier3A_49)
      "tpu.region"() ({
        %run_scoped3A_51 = tpu.sem_alloc : memref<!tpu.dma_semaphore, #tpu.memory_space<semaphore_mem>>
        %dma_start3A_52 = arith.constant 0 : i32
        %dma_start3A_53 = tpu.memref_slice %arg11[%mul3A_0, %dma_start3A_52] : memref<10240x128xf32, #tpu.memory_space<hbm>> -> memref<640x128xf32, #tpu.memory_space<hbm>>
        %dma_start3A_54 = arith.constant 0 : i32
        %dma_start3A_55 = tpu.memref_slice %arg16[%mul3A_0, %dma_start3A_54] : memref<10240x128xf32, #tpu.memory_space<vmem_shared>> -> memref<640x128xf32, #tpu.memory_space<vmem_shared>>
        tpu.enqueue_dma source(%dma_start3A_55 : memref<640x128xf32, #tpu.memory_space<vmem_shared>>) target(%dma_start3A_53 : memref<640x128xf32, #tpu.memory_space<hbm>>) target_semaphore(%run_scoped3A_51 : memref<!tpu.dma_semaphore, #tpu.memory_space<semaphore_mem>>)
        %dma_wait3A_56 = arith.constant 0 : i32
        %dma_wait3A_57 = tpu.memref_slice %arg11[%mul3A_0, %dma_wait3A_56] : memref<10240x128xf32, #tpu.memory_space<hbm>> -> memref<640x128xf32, #tpu.memory_space<hbm>>
        %dma_wait3A_58 = arith.constant 0 : i32
        %dma_wait3A_59 = tpu.memref_slice %arg16[%mul3A_0, %dma_wait3A_58] : memref<10240x128xf32, #tpu.memory_space<vmem_shared>> -> memref<640x128xf32, #tpu.memory_space<vmem_shared>>
        tpu.wait_dma2 semaphore(%run_scoped3A_51 : memref<!tpu.dma_semaphore, #tpu.memory_space<semaphore_mem>>) src(%dma_wait3A_59 : memref<640x128xf32, #tpu.memory_space<vmem_shared>>) dst(%dma_wait3A_57 : memref<640x128xf32, #tpu.memory_space<hbm>>)
        tpu.yield
      }) : () -> ()
      %barrier3A_50 = arith.constant 0 : index
      tpu.barrier barrier_id(%barrier3A_50)
    } else {
    }
    return
  }
}

#map = affine_map<(d0, d1) -> (0, 0, 0, 0)>
#map1 = affine_map<(d0, d1) -> (0, 0)>
module attributes {stable_mosaic.version = 14 : i64} {
  func.func @_sc_deg_body(%arg0: i32, %arg1: i32, %arg2: memref<16x80x2x128xi32, #tpu.memory_space<hbm>>, %arg3: memref<640x128xf32, #tpu.memory_space<hbm>>, %arg4: memref<128x128xf32, #tpu.memory_space<hbm>>, %arg5: memref<10240x128xf32, #tpu.memory_space<hbm>>, %arg6: memref<10240x128xf32, #tpu.memory_space<hbm>>, %arg7: memref<2x128xi32, #tpu.memory_space<vmem>>, %arg8: memref<128x128xf32, #tpu.memory_space<vmem>>, %arg9: memref<10240x128xf32, #tpu.memory_space<vmem_shared>>) attributes {dimension_semantics = [#tpu.dimension_semantics<core_parallel>, #tpu.dimension_semantics<subcore_parallel>], iteration_bounds = array<i64: 2, 16>, scalar_prefetch = 0 : i64, scratch_operands = 3 : i64, tpu.core_type = #tpu.core_type<sc_vector_subcore>, window_params = [{transform_indices = #map}, {transform_indices = #map1}, {transform_indices = #map1}, {transform_indices = #map1}, {transform_indices = #map1}]} {
    %mul3A = arith.constant 640 : i32
    %mul3A_0 = arith.muli %arg1, %mul3A : i32
    "tpu.region"() ({
      %run_scoped3A = tpu.sem_alloc : memref<!tpu.dma_semaphore, #tpu.memory_space<semaphore_mem>>
      tpu.enqueue_dma source(%arg4 : memref<128x128xf32, #tpu.memory_space<hbm>>) target(%arg8 : memref<128x128xf32, #tpu.memory_space<vmem>>) target_semaphore(%run_scoped3A : memref<!tpu.dma_semaphore, #tpu.memory_space<semaphore_mem>>)
      tpu.wait_dma2 semaphore(%run_scoped3A : memref<!tpu.dma_semaphore, #tpu.memory_space<semaphore_mem>>) src(%arg4 : memref<128x128xf32, #tpu.memory_space<hbm>>) dst(%arg8 : memref<128x128xf32, #tpu.memory_space<vmem>>)
      tpu.yield
    }) : () -> ()
    "tpu.region"() ({
      %run_scoped3A = tpu.sem_alloc : memref<!tpu.dma_semaphore, #tpu.memory_space<semaphore_mem>>
      %dma_start3A = arith.constant 0 : i32
      %dma_start3A_19 = tpu.memref_slice %arg9[%mul3A_0, %dma_start3A] : memref<10240x128xf32, #tpu.memory_space<vmem_shared>> -> memref<640x128xf32, #tpu.memory_space<vmem_shared>>
      tpu.enqueue_dma source(%arg3 : memref<640x128xf32, #tpu.memory_space<hbm>>) target(%dma_start3A_19 : memref<640x128xf32, #tpu.memory_space<vmem_shared>>) target_semaphore(%run_scoped3A : memref<!tpu.dma_semaphore, #tpu.memory_space<semaphore_mem>>)
      %dma_wait3A = arith.constant 0 : i32
      %dma_wait3A_20 = tpu.memref_slice %arg9[%mul3A_0, %dma_wait3A] : memref<10240x128xf32, #tpu.memory_space<vmem_shared>> -> memref<640x128xf32, #tpu.memory_space<vmem_shared>>
      tpu.wait_dma2 semaphore(%run_scoped3A : memref<!tpu.dma_semaphore, #tpu.memory_space<semaphore_mem>>) src(%arg3 : memref<640x128xf32, #tpu.memory_space<hbm>>) dst(%dma_wait3A_20 : memref<640x128xf32, #tpu.memory_space<vmem_shared>>)
      tpu.yield
    }) : () -> ()
    %barrier3A = arith.constant 0 : index
    tpu.barrier barrier_id(%barrier3A)
    %eq3A = arith.constant 0 : i32
    %eq3A_1 = arith.cmpi eq, %arg0, %eq3A : i32
    %convert_element_type3A = arith.extui %eq3A_1 : i1 to i32
    %cond3A = arith.constant 0 : i32
    %cond3A_2 = arith.cmpi ne, %convert_element_type3A, %cond3A : i32
    scf.if %cond3A_2 {
      %scan3A = arith.constant 0 : i32
      %scan3A_19 = arith.constant 0 : i32
      %scan3A_20 = arith.constant 40 : i32
      %scan3A_21 = arith.addi %scan3A_19, %scan3A_20 : i32
      %scan3A_22 = arith.constant 1 : i32
      scf.for %scan3A_24 = %scan3A_19 to %scan3A_21 step %scan3A_22  : i32 {
        "tpu.region"() ({
          %run_scoped3A_25 = tpu.sem_alloc : memref<!tpu.dma_semaphore, #tpu.memory_space<semaphore_mem>>
          %dma_start3A = arith.constant 0 : i32
          %dma_start3A_26 = arith.constant 0 : i32
          %dma_start3A_27 = arith.constant 0 : i32
          %dma_start3A_28 = tpu.memref_slice %arg2[%arg1, %dma_start3A, %dma_start3A_26, %dma_start3A_27] : memref<16x80x2x128xi32, #tpu.memory_space<hbm>> -> memref<1x80x2x128xi32, #tpu.memory_space<hbm>>
          %dma_start3A_29 = tpu.memref_squeeze %dma_start3A_28 : memref<1x80x2x128xi32, #tpu.memory_space<hbm>> -> memref<80x2x128xi32, #tpu.memory_space<hbm>>
          %dma_start3A_30 = arith.constant 0 : i32
          %dma_start3A_31 = arith.constant 0 : i32
          %dma_start3A_32 = tpu.memref_slice %dma_start3A_29[%scan3A_24, %dma_start3A_30, %dma_start3A_31] : memref<80x2x128xi32, #tpu.memory_space<hbm>> -> memref<1x2x128xi32, #tpu.memory_space<hbm>>
          %dma_start3A_33 = tpu.memref_squeeze %dma_start3A_32 : memref<1x2x128xi32, #tpu.memory_space<hbm>> -> memref<2x128xi32, #tpu.memory_space<hbm>>
          %dma_start3A_34 = arith.constant 0 : i32
          %dma_start3A_35 = arith.constant 0 : i32
          %dma_start3A_36 = arith.constant 0 : i32
          %dma_start3A_37 = tpu.memref_slice %arg2[%arg1, %dma_start3A_34, %dma_start3A_35, %dma_start3A_36] : memref<16x80x2x128xi32, #tpu.memory_space<hbm>> -> memref<1x80x2x128xi32, #tpu.memory_space<hbm>>
          %dma_start3A_38 = tpu.memref_squeeze %dma_start3A_37 : memref<1x80x2x128xi32, #tpu.memory_space<hbm>> -> memref<80x2x128xi32, #tpu.memory_space<hbm>>
          %dma_start3A_39 = arith.constant 0 : i32
          %dma_start3A_40 = arith.constant 0 : i32
          %dma_start3A_41 = tpu.memref_slice %dma_start3A_38[%scan3A_24, %dma_start3A_39, %dma_start3A_40] : memref<80x2x128xi32, #tpu.memory_space<hbm>> -> memref<1x2x128xi32, #tpu.memory_space<hbm>>
          %dma_start3A_42 = tpu.memref_squeeze %dma_start3A_41 : memref<1x2x128xi32, #tpu.memory_space<hbm>> -> memref<2x128xi32, #tpu.memory_space<hbm>>
          tpu.enqueue_dma source(%dma_start3A_42 : memref<2x128xi32, #tpu.memory_space<hbm>>) target(%arg7 : memref<2x128xi32, #tpu.memory_space<vmem>>) target_semaphore(%run_scoped3A_25 : memref<!tpu.dma_semaphore, #tpu.memory_space<semaphore_mem>>)
          %dma_wait3A = arith.constant 0 : i32
          %dma_wait3A_43 = arith.constant 0 : i32
          %dma_wait3A_44 = arith.constant 0 : i32
          %dma_wait3A_45 = tpu.memref_slice %arg2[%arg1, %dma_wait3A, %dma_wait3A_43, %dma_wait3A_44] : memref<16x80x2x128xi32, #tpu.memory_space<hbm>> -> memref<1x80x2x128xi32, #tpu.memory_space<hbm>>
          %dma_wait3A_46 = tpu.memref_squeeze %dma_wait3A_45 : memref<1x80x2x128xi32, #tpu.memory_space<hbm>> -> memref<80x2x128xi32, #tpu.memory_space<hbm>>
          %dma_wait3A_47 = arith.constant 0 : i32
          %dma_wait3A_48 = arith.constant 0 : i32
          %dma_wait3A_49 = tpu.memref_slice %dma_wait3A_46[%scan3A_24, %dma_wait3A_47, %dma_wait3A_48] : memref<80x2x128xi32, #tpu.memory_space<hbm>> -> memref<1x2x128xi32, #tpu.memory_space<hbm>>
          %dma_wait3A_50 = tpu.memref_squeeze %dma_wait3A_49 : memref<1x2x128xi32, #tpu.memory_space<hbm>> -> memref<2x128xi32, #tpu.memory_space<hbm>>
          %dma_wait3A_51 = arith.constant 0 : i32
          %dma_wait3A_52 = arith.constant 0 : i32
          %dma_wait3A_53 = arith.constant 0 : i32
          %dma_wait3A_54 = tpu.memref_slice %arg2[%arg1, %dma_wait3A_51, %dma_wait3A_52, %dma_wait3A_53] : memref<16x80x2x128xi32, #tpu.memory_space<hbm>> -> memref<1x80x2x128xi32, #tpu.memory_space<hbm>>
          %dma_wait3A_55 = tpu.memref_squeeze %dma_wait3A_54 : memref<1x80x2x128xi32, #tpu.memory_space<hbm>> -> memref<80x2x128xi32, #tpu.memory_space<hbm>>
          %dma_wait3A_56 = arith.constant 0 : i32
          %dma_wait3A_57 = arith.constant 0 : i32
          %dma_wait3A_58 = tpu.memref_slice %dma_wait3A_55[%scan3A_24, %dma_wait3A_56, %dma_wait3A_57] : memref<80x2x128xi32, #tpu.memory_space<hbm>> -> memref<1x2x128xi32, #tpu.memory_space<hbm>>
          %dma_wait3A_59 = tpu.memref_squeeze %dma_wait3A_58 : memref<1x2x128xi32, #tpu.memory_space<hbm>> -> memref<2x128xi32, #tpu.memory_space<hbm>>
          tpu.wait_dma2 semaphore(%run_scoped3A_25 : memref<!tpu.dma_semaphore, #tpu.memory_space<semaphore_mem>>) src(%dma_wait3A_59 : memref<2x128xi32, #tpu.memory_space<hbm>>) dst(%arg7 : memref<2x128xi32, #tpu.memory_space<vmem>>)
          tpu.yield
        }) : () -> ()
        %run_scoped3A = arith.constant 1 : i32
        "tpu.region"() ({
          %run_scoped3A_25 = tpu.sem_alloc : memref<!tpu.dma_semaphore, #tpu.memory_space<semaphore_mem>>
          %dma_start3A = arith.constant 0 : i32
          %dma_start3A_26 = tpu.memref_slice %arg7[%run_scoped3A, %dma_start3A] : memref<2x128xi32, #tpu.memory_space<vmem>> -> memref<1x128xi32, #tpu.memory_space<vmem>>
          %dma_start3A_27 = tpu.memref_squeeze %dma_start3A_26 : memref<1x128xi32, #tpu.memory_space<vmem>> -> memref<128xi32, #tpu.memory_space<vmem>>
          %dma_start3A_28 = arith.constant 0 : i32
          %dma_start3A_29 = arith.constant 0 : i32
          %dma_start3A_30 = tpu.memref_slice %arg9[%dma_start3A_28, %dma_start3A_29] : memref<10240x128xf32, #tpu.memory_space<vmem_shared>> -> memref<10240x128xf32, #tpu.memory_space<vmem_shared>>
          tpu.enqueue_indirect_dma source(%arg8 : memref<128x128xf32, #tpu.memory_space<vmem>>) target(%dma_start3A_30 : memref<10240x128xf32, #tpu.memory_space<vmem_shared>>) offsets(%dma_start3A_27 : memref<128xi32, #tpu.memory_space<vmem>>) semaphore(%run_scoped3A_25 : memref<!tpu.dma_semaphore, #tpu.memory_space<semaphore_mem>>) {add = true}
          %dma_wait3A = arith.constant 0 : i32
          %dma_wait3A_31 = tpu.memref_slice %arg7[%run_scoped3A, %dma_wait3A] : memref<2x128xi32, #tpu.memory_space<vmem>> -> memref<1x128xi32, #tpu.memory_space<vmem>>
          %dma_wait3A_32 = tpu.memref_squeeze %dma_wait3A_31 : memref<1x128xi32, #tpu.memory_space<vmem>> -> memref<128xi32, #tpu.memory_space<vmem>>
          %dma_wait3A_33 = arith.constant 0 : i32
          %dma_wait3A_34 = arith.constant 0 : i32
          %dma_wait3A_35 = tpu.memref_slice %arg9[%dma_wait3A_33, %dma_wait3A_34] : memref<10240x128xf32, #tpu.memory_space<vmem_shared>> -> memref<10240x128xf32, #tpu.memory_space<vmem_shared>>
          tpu.wait_indirect_dma semaphore(%run_scoped3A_25 : memref<!tpu.dma_semaphore, #tpu.memory_space<semaphore_mem>>) src(%arg8 : memref<128x128xf32, #tpu.memory_space<vmem>>) dst(%dma_wait3A_35 : memref<10240x128xf32, #tpu.memory_space<vmem_shared>>)
          tpu.yield
        }) : () -> ()
      }
      %scan3A_23 = arith.constant 40 : i32
    } else {
    }
    %eq3A_3 = arith.constant 1 : i32
    %eq3A_4 = arith.cmpi eq, %arg0, %eq3A_3 : i32
    %convert_element_type3A_5 = arith.extui %eq3A_4 : i1 to i32
    %cond3A_6 = arith.constant 0 : i32
    %cond3A_7 = arith.cmpi ne, %convert_element_type3A_5, %cond3A_6 : i32
    scf.if %cond3A_7 {
      %scan3A = arith.constant 0 : i32
      %scan3A_19 = arith.constant 40 : i32
      %scan3A_20 = arith.constant 40 : i32
      %scan3A_21 = arith.addi %scan3A_19, %scan3A_20 : i32
      %scan3A_22 = arith.constant 1 : i32
      scf.for %scan3A_24 = %scan3A_19 to %scan3A_21 step %scan3A_22  : i32 {
        "tpu.region"() ({
          %run_scoped3A_25 = tpu.sem_alloc : memref<!tpu.dma_semaphore, #tpu.memory_space<semaphore_mem>>
          %dma_start3A = arith.constant 0 : i32
          %dma_start3A_26 = arith.constant 0 : i32
          %dma_start3A_27 = arith.constant 0 : i32
          %dma_start3A_28 = tpu.memref_slice %arg2[%arg1, %dma_start3A, %dma_start3A_26, %dma_start3A_27] : memref<16x80x2x128xi32, #tpu.memory_space<hbm>> -> memref<1x80x2x128xi32, #tpu.memory_space<hbm>>
          %dma_start3A_29 = tpu.memref_squeeze %dma_start3A_28 : memref<1x80x2x128xi32, #tpu.memory_space<hbm>> -> memref<80x2x128xi32, #tpu.memory_space<hbm>>
          %dma_start3A_30 = arith.constant 0 : i32
          %dma_start3A_31 = arith.constant 0 : i32
          %dma_start3A_32 = tpu.memref_slice %dma_start3A_29[%scan3A_24, %dma_start3A_30, %dma_start3A_31] : memref<80x2x128xi32, #tpu.memory_space<hbm>> -> memref<1x2x128xi32, #tpu.memory_space<hbm>>
          %dma_start3A_33 = tpu.memref_squeeze %dma_start3A_32 : memref<1x2x128xi32, #tpu.memory_space<hbm>> -> memref<2x128xi32, #tpu.memory_space<hbm>>
          %dma_start3A_34 = arith.constant 0 : i32
          %dma_start3A_35 = arith.constant 0 : i32
          %dma_start3A_36 = arith.constant 0 : i32
          %dma_start3A_37 = tpu.memref_slice %arg2[%arg1, %dma_start3A_34, %dma_start3A_35, %dma_start3A_36] : memref<16x80x2x128xi32, #tpu.memory_space<hbm>> -> memref<1x80x2x128xi32, #tpu.memory_space<hbm>>
          %dma_start3A_38 = tpu.memref_squeeze %dma_start3A_37 : memref<1x80x2x128xi32, #tpu.memory_space<hbm>> -> memref<80x2x128xi32, #tpu.memory_space<hbm>>
          %dma_start3A_39 = arith.constant 0 : i32
          %dma_start3A_40 = arith.constant 0 : i32
          %dma_start3A_41 = tpu.memref_slice %dma_start3A_38[%scan3A_24, %dma_start3A_39, %dma_start3A_40] : memref<80x2x128xi32, #tpu.memory_space<hbm>> -> memref<1x2x128xi32, #tpu.memory_space<hbm>>
          %dma_start3A_42 = tpu.memref_squeeze %dma_start3A_41 : memref<1x2x128xi32, #tpu.memory_space<hbm>> -> memref<2x128xi32, #tpu.memory_space<hbm>>
          tpu.enqueue_dma source(%dma_start3A_42 : memref<2x128xi32, #tpu.memory_space<hbm>>) target(%arg7 : memref<2x128xi32, #tpu.memory_space<vmem>>) target_semaphore(%run_scoped3A_25 : memref<!tpu.dma_semaphore, #tpu.memory_space<semaphore_mem>>)
          %dma_wait3A = arith.constant 0 : i32
          %dma_wait3A_43 = arith.constant 0 : i32
          %dma_wait3A_44 = arith.constant 0 : i32
          %dma_wait3A_45 = tpu.memref_slice %arg2[%arg1, %dma_wait3A, %dma_wait3A_43, %dma_wait3A_44] : memref<16x80x2x128xi32, #tpu.memory_space<hbm>> -> memref<1x80x2x128xi32, #tpu.memory_space<hbm>>
          %dma_wait3A_46 = tpu.memref_squeeze %dma_wait3A_45 : memref<1x80x2x128xi32, #tpu.memory_space<hbm>> -> memref<80x2x128xi32, #tpu.memory_space<hbm>>
          %dma_wait3A_47 = arith.constant 0 : i32
          %dma_wait3A_48 = arith.constant 0 : i32
          %dma_wait3A_49 = tpu.memref_slice %dma_wait3A_46[%scan3A_24, %dma_wait3A_47, %dma_wait3A_48] : memref<80x2x128xi32, #tpu.memory_space<hbm>> -> memref<1x2x128xi32, #tpu.memory_space<hbm>>
          %dma_wait3A_50 = tpu.memref_squeeze %dma_wait3A_49 : memref<1x2x128xi32, #tpu.memory_space<hbm>> -> memref<2x128xi32, #tpu.memory_space<hbm>>
          %dma_wait3A_51 = arith.constant 0 : i32
          %dma_wait3A_52 = arith.constant 0 : i32
          %dma_wait3A_53 = arith.constant 0 : i32
          %dma_wait3A_54 = tpu.memref_slice %arg2[%arg1, %dma_wait3A_51, %dma_wait3A_52, %dma_wait3A_53] : memref<16x80x2x128xi32, #tpu.memory_space<hbm>> -> memref<1x80x2x128xi32, #tpu.memory_space<hbm>>
          %dma_wait3A_55 = tpu.memref_squeeze %dma_wait3A_54 : memref<1x80x2x128xi32, #tpu.memory_space<hbm>> -> memref<80x2x128xi32, #tpu.memory_space<hbm>>
          %dma_wait3A_56 = arith.constant 0 : i32
          %dma_wait3A_57 = arith.constant 0 : i32
          %dma_wait3A_58 = tpu.memref_slice %dma_wait3A_55[%scan3A_24, %dma_wait3A_56, %dma_wait3A_57] : memref<80x2x128xi32, #tpu.memory_space<hbm>> -> memref<1x2x128xi32, #tpu.memory_space<hbm>>
          %dma_wait3A_59 = tpu.memref_squeeze %dma_wait3A_58 : memref<1x2x128xi32, #tpu.memory_space<hbm>> -> memref<2x128xi32, #tpu.memory_space<hbm>>
          tpu.wait_dma2 semaphore(%run_scoped3A_25 : memref<!tpu.dma_semaphore, #tpu.memory_space<semaphore_mem>>) src(%dma_wait3A_59 : memref<2x128xi32, #tpu.memory_space<hbm>>) dst(%arg7 : memref<2x128xi32, #tpu.memory_space<vmem>>)
          tpu.yield
        }) : () -> ()
        %run_scoped3A = arith.constant 1 : i32
        "tpu.region"() ({
          %run_scoped3A_25 = tpu.sem_alloc : memref<!tpu.dma_semaphore, #tpu.memory_space<semaphore_mem>>
          %dma_start3A = arith.constant 0 : i32
          %dma_start3A_26 = tpu.memref_slice %arg7[%run_scoped3A, %dma_start3A] : memref<2x128xi32, #tpu.memory_space<vmem>> -> memref<1x128xi32, #tpu.memory_space<vmem>>
          %dma_start3A_27 = tpu.memref_squeeze %dma_start3A_26 : memref<1x128xi32, #tpu.memory_space<vmem>> -> memref<128xi32, #tpu.memory_space<vmem>>
          %dma_start3A_28 = arith.constant 0 : i32
          %dma_start3A_29 = arith.constant 0 : i32
          %dma_start3A_30 = tpu.memref_slice %arg9[%dma_start3A_28, %dma_start3A_29] : memref<10240x128xf32, #tpu.memory_space<vmem_shared>> -> memref<10240x128xf32, #tpu.memory_space<vmem_shared>>
          tpu.enqueue_indirect_dma source(%arg8 : memref<128x128xf32, #tpu.memory_space<vmem>>) target(%dma_start3A_30 : memref<10240x128xf32, #tpu.memory_space<vmem_shared>>) offsets(%dma_start3A_27 : memref<128xi32, #tpu.memory_space<vmem>>) semaphore(%run_scoped3A_25 : memref<!tpu.dma_semaphore, #tpu.memory_space<semaphore_mem>>) {add = true}
          %dma_wait3A = arith.constant 0 : i32
          %dma_wait3A_31 = tpu.memref_slice %arg7[%run_scoped3A, %dma_wait3A] : memref<2x128xi32, #tpu.memory_space<vmem>> -> memref<1x128xi32, #tpu.memory_space<vmem>>
          %dma_wait3A_32 = tpu.memref_squeeze %dma_wait3A_31 : memref<1x128xi32, #tpu.memory_space<vmem>> -> memref<128xi32, #tpu.memory_space<vmem>>
          %dma_wait3A_33 = arith.constant 0 : i32
          %dma_wait3A_34 = arith.constant 0 : i32
          %dma_wait3A_35 = tpu.memref_slice %arg9[%dma_wait3A_33, %dma_wait3A_34] : memref<10240x128xf32, #tpu.memory_space<vmem_shared>> -> memref<10240x128xf32, #tpu.memory_space<vmem_shared>>
          tpu.wait_indirect_dma semaphore(%run_scoped3A_25 : memref<!tpu.dma_semaphore, #tpu.memory_space<semaphore_mem>>) src(%arg8 : memref<128x128xf32, #tpu.memory_space<vmem>>) dst(%dma_wait3A_35 : memref<10240x128xf32, #tpu.memory_space<vmem_shared>>)
          tpu.yield
        }) : () -> ()
      }
      %scan3A_23 = arith.constant 40 : i32
    } else {
    }
    %barrier3A_8 = arith.constant 0 : index
    tpu.barrier barrier_id(%barrier3A_8)
    %eq3A_9 = arith.constant 0 : i32
    %eq3A_10 = arith.cmpi eq, %arg0, %eq3A_9 : i32
    %convert_element_type3A_11 = arith.extui %eq3A_10 : i1 to i32
    %cond3A_12 = arith.constant 0 : i32
    %cond3A_13 = arith.cmpi ne, %convert_element_type3A_11, %cond3A_12 : i32
    scf.if %cond3A_13 {
      "tpu.region"() ({
        %run_scoped3A = tpu.sem_alloc : memref<!tpu.dma_semaphore, #tpu.memory_space<semaphore_mem>>
        %dma_start3A = arith.constant 0 : i32
        %dma_start3A_19 = tpu.memref_slice %arg5[%mul3A_0, %dma_start3A] : memref<10240x128xf32, #tpu.memory_space<hbm>> -> memref<640x128xf32, #tpu.memory_space<hbm>>
        %dma_start3A_20 = arith.constant 0 : i32
        %dma_start3A_21 = tpu.memref_slice %arg9[%mul3A_0, %dma_start3A_20] : memref<10240x128xf32, #tpu.memory_space<vmem_shared>> -> memref<640x128xf32, #tpu.memory_space<vmem_shared>>
        tpu.enqueue_dma source(%dma_start3A_21 : memref<640x128xf32, #tpu.memory_space<vmem_shared>>) target(%dma_start3A_19 : memref<640x128xf32, #tpu.memory_space<hbm>>) target_semaphore(%run_scoped3A : memref<!tpu.dma_semaphore, #tpu.memory_space<semaphore_mem>>)
        %dma_wait3A = arith.constant 0 : i32
        %dma_wait3A_22 = tpu.memref_slice %arg5[%mul3A_0, %dma_wait3A] : memref<10240x128xf32, #tpu.memory_space<hbm>> -> memref<640x128xf32, #tpu.memory_space<hbm>>
        %dma_wait3A_23 = arith.constant 0 : i32
        %dma_wait3A_24 = tpu.memref_slice %arg9[%mul3A_0, %dma_wait3A_23] : memref<10240x128xf32, #tpu.memory_space<vmem_shared>> -> memref<640x128xf32, #tpu.memory_space<vmem_shared>>
        tpu.wait_dma2 semaphore(%run_scoped3A : memref<!tpu.dma_semaphore, #tpu.memory_space<semaphore_mem>>) src(%dma_wait3A_24 : memref<640x128xf32, #tpu.memory_space<vmem_shared>>) dst(%dma_wait3A_22 : memref<640x128xf32, #tpu.memory_space<hbm>>)
        tpu.yield
      }) : () -> ()
    } else {
    }
    %eq3A_14 = arith.constant 1 : i32
    %eq3A_15 = arith.cmpi eq, %arg0, %eq3A_14 : i32
    %convert_element_type3A_16 = arith.extui %eq3A_15 : i1 to i32
    %cond3A_17 = arith.constant 0 : i32
    %cond3A_18 = arith.cmpi ne, %convert_element_type3A_16, %cond3A_17 : i32
    scf.if %cond3A_18 {
      "tpu.region"() ({
        %run_scoped3A = tpu.sem_alloc : memref<!tpu.dma_semaphore, #tpu.memory_space<semaphore_mem>>
        %dma_start3A = arith.constant 0 : i32
        %dma_start3A_19 = tpu.memref_slice %arg6[%mul3A_0, %dma_start3A] : memref<10240x128xf32, #tpu.memory_space<hbm>> -> memref<640x128xf32, #tpu.memory_space<hbm>>
        %dma_start3A_20 = arith.constant 0 : i32
        %dma_start3A_21 = tpu.memref_slice %arg9[%mul3A_0, %dma_start3A_20] : memref<10240x128xf32, #tpu.memory_space<vmem_shared>> -> memref<640x128xf32, #tpu.memory_space<vmem_shared>>
        tpu.enqueue_dma source(%dma_start3A_21 : memref<640x128xf32, #tpu.memory_space<vmem_shared>>) target(%dma_start3A_19 : memref<640x128xf32, #tpu.memory_space<hbm>>) target_semaphore(%run_scoped3A : memref<!tpu.dma_semaphore, #tpu.memory_space<semaphore_mem>>)
        %dma_wait3A = arith.constant 0 : i32
        %dma_wait3A_22 = tpu.memref_slice %arg6[%mul3A_0, %dma_wait3A] : memref<10240x128xf32, #tpu.memory_space<hbm>> -> memref<640x128xf32, #tpu.memory_space<hbm>>
        %dma_wait3A_23 = arith.constant 0 : i32
        %dma_wait3A_24 = tpu.memref_slice %arg9[%mul3A_0, %dma_wait3A_23] : memref<10240x128xf32, #tpu.memory_space<vmem_shared>> -> memref<640x128xf32, #tpu.memory_space<vmem_shared>>
        tpu.wait_dma2 semaphore(%run_scoped3A : memref<!tpu.dma_semaphore, #tpu.memory_space<semaphore_mem>>) src(%dma_wait3A_24 : memref<640x128xf32, #tpu.memory_space<vmem_shared>>) dst(%dma_wait3A_22 : memref<640x128xf32, #tpu.memory_space<hbm>>)
        tpu.yield
      }) : () -> ()
    } else {
    }
    return
  }
}

module attributes {stable_mosaic.version = 14 : i64} {
  func.func @_l1_body(%arg0: i32, %arg1: memref<1024x128xf32, #tpu.memory_space<vmem>>, %arg2: memref<1024x128xf32, #tpu.memory_space<vmem>>, %arg3: memref<1024x128xf32, #tpu.memory_space<vmem>>, %arg4: memref<1024x128xf32, #tpu.memory_space<vmem>>, %arg5: memref<1024x256xf32, #tpu.memory_space<vmem>>, %arg6: memref<256x512xf32, #tpu.memory_space<vmem>>, %arg7: memref<256x512xf32, #tpu.memory_space<vmem>>, %arg8: memref<1x512xf32, #tpu.memory_space<vmem>>, %arg9: memref<1024x128xf32, #tpu.memory_space<vmem>>, %arg10: memref<1024x128xf32, #tpu.memory_space<vmem>>, %arg11: memref<1024x128xf32, #tpu.memory_space<vmem>>, %arg12: memref<1024x128xf32, #tpu.memory_space<vmem>>) attributes {dimension_semantics = [#tpu.dimension_semantics<arbitrary>], iteration_bounds = array<i64: 10>, scalar_prefetch = 0 : i64, scratch_operands = 0 : i64, tpu.core_type = #tpu.core_type<tc>, window_params = [{transform_indices = @transform_0, window_bounds = array<i64: 1024, 128>}, {transform_indices = @transform_1, window_bounds = array<i64: 1024, 128>}, {transform_indices = @transform_2, window_bounds = array<i64: 1024, 128>}, {transform_indices = @transform_3, window_bounds = array<i64: 1024, 128>}, {transform_indices = @transform_4, window_bounds = array<i64: 1024, 256>}, {pipeline_mode = #tpu.pipeline_mode<synchronous>, transform_indices = @transform_5, window_bounds = array<i64: 256, 512>}, {pipeline_mode = #tpu.pipeline_mode<synchronous>, transform_indices = @transform_6, window_bounds = array<i64: 256, 512>}, {pipeline_mode = #tpu.pipeline_mode<synchronous>, transform_indices = @transform_7, window_bounds = array<i64: 1, 512>}, {transform_indices = @transform_8, window_bounds = array<i64: 1024, 128>}, {transform_indices = @transform_9, window_bounds = array<i64: 1024, 128>}, {transform_indices = @transform_10, window_bounds = array<i64: 1024, 128>}, {transform_indices = @transform_11, window_bounds = array<i64: 1024, 128>}]} {
    %get3A = arith.constant 0 : index
    %get3A_0 = arith.constant 0 : index
    %get3A_1 = vector.load %arg3[%get3A, %get3A_0] : memref<1024x128xf32, #tpu.memory_space<vmem>>, vector<1024x128xf32>
    %slice3A = vector.extract_strided_slice %get3A_1 {offsets = [0, 0], sizes = [1024, 1], strides = [1, 1]} : vector<1024x128xf32> to vector<1024x1xf32>
    %get3A_2 = arith.constant 0 : index
    %get3A_3 = arith.constant 0 : index
    %get3A_4 = vector.load %arg4[%get3A_2, %get3A_3] : memref<1024x128xf32, #tpu.memory_space<vmem>>, vector<1024x128xf32>
    %slice3A_5 = vector.extract_strided_slice %get3A_4 {offsets = [0, 0], sizes = [1024, 1], strides = [1, 1]} : vector<1024x128xf32> to vector<1024x1xf32>
    %add3A = arith.addf %slice3A, %slice3A_5 : vector<1024x1xf32>
    %max3A = arith.constant 1.000000e+00 : f32
    %max3A_6 = vector.broadcast %max3A : f32 to vector<1024x1xf32>
    %max3A_7 = arith.maximumf %add3A, %max3A_6 : vector<1024x1xf32>
    %div3A = arith.constant 1.000000e+00 : f32
    %div3A_8 = vector.broadcast %div3A : f32 to vector<1024x1xf32>
    %div3A_9 = arith.divf %div3A_8, %max3A_7 : vector<1024x1xf32>
    %get3A_10 = arith.constant 0 : index
    %get3A_11 = arith.constant 0 : index
    %get3A_12 = vector.load %arg1[%get3A_10, %get3A_11] : memref<1024x128xf32, #tpu.memory_space<vmem>>, vector<1024x128xf32>
    %mul3A = vector.broadcast %div3A_9 : vector<1024x1xf32> to vector<1024x128xf32>
    %mul3A_13 = arith.mulf %get3A_12, %mul3A : vector<1024x128xf32>
    %get3A_14 = arith.constant 0 : index
    %get3A_15 = arith.constant 0 : index
    %get3A_16 = vector.load %arg6[%get3A_14, %get3A_15] : memref<256x512xf32, #tpu.memory_space<vmem>>, vector<128x512xf32>
    %dot_general3A = arith.constant dense<0.000000e+00> : vector<1024x512xf32>
    %dot_general3A_17 = tpu.matmul %mul3A_13, %get3A_16, %dot_general3A {dimension_numbers = #tpu.dot_dimension_numbers<[1], [0], [0], [1], [0, 0, 1, 1], [], []>, transpose_lhs_hint = false} : vector<1024x128xf32>, vector<128x512xf32>, vector<1024x512xf32> -> vector<1024x512xf32>
    %get3A_18 = arith.constant 0 : index
    %get3A_19 = arith.constant 0 : index
    %get3A_20 = vector.load %arg2[%get3A_18, %get3A_19] : memref<1024x128xf32, #tpu.memory_space<vmem>>, vector<1024x128xf32>
    %mul3A_21 = vector.broadcast %div3A_9 : vector<1024x1xf32> to vector<1024x128xf32>
    %mul3A_22 = arith.mulf %get3A_20, %mul3A_21 : vector<1024x128xf32>
    %get3A_23 = arith.constant 128 : index
    %get3A_24 = arith.constant 0 : index
    %get3A_25 = vector.load %arg6[%get3A_23, %get3A_24] : memref<256x512xf32, #tpu.memory_space<vmem>>, vector<128x512xf32>
    %dot_general3A_26 = arith.constant dense<0.000000e+00> : vector<1024x512xf32>
    %dot_general3A_27 = tpu.matmul %mul3A_22, %get3A_25, %dot_general3A_26 {dimension_numbers = #tpu.dot_dimension_numbers<[1], [0], [0], [1], [0, 0, 1, 1], [], []>, transpose_lhs_hint = false} : vector<1024x128xf32>, vector<128x512xf32>, vector<1024x512xf32> -> vector<1024x512xf32>
    %add3A_28 = arith.addf %dot_general3A_17, %dot_general3A_27 : vector<1024x512xf32>
    %get3A_29 = arith.constant 0 : index
    %get3A_30 = arith.constant 0 : index
    %get3A_31 = vector.load %arg5[%get3A_29, %get3A_30] : memref<1024x256xf32, #tpu.memory_space<vmem>>, vector<1024x256xf32>
    %get3A_32 = arith.constant 0 : index
    %get3A_33 = arith.constant 0 : index
    %get3A_34 = vector.load %arg7[%get3A_32, %get3A_33] : memref<256x512xf32, #tpu.memory_space<vmem>>, vector<256x512xf32>
    %dot_general3A_35 = arith.constant dense<0.000000e+00> : vector<1024x512xf32>
    %dot_general3A_36 = tpu.matmul %get3A_31, %get3A_34, %dot_general3A_35 {dimension_numbers = #tpu.dot_dimension_numbers<[1], [0], [0], [1], [0, 0, 1, 1], [], []>, transpose_lhs_hint = false} : vector<1024x256xf32>, vector<256x512xf32>, vector<1024x512xf32> -> vector<1024x512xf32>
    %add3A_37 = arith.addf %add3A_28, %dot_general3A_36 : vector<1024x512xf32>
    %get3A_38 = arith.constant 0 : index
    %get3A_39 = arith.constant 0 : index
    %get3A_40 = vector.load %arg8[%get3A_38, %get3A_39] : memref<1x512xf32, #tpu.memory_space<vmem>>, vector<1x512xf32>
    %add3A_41 = vector.broadcast %get3A_40 : vector<1x512xf32> to vector<1024x512xf32>
    %add3A_42 = arith.addf %add3A_37, %add3A_41 : vector<1024x512xf32>
    %max3A_43 = arith.constant 0.000000e+00 : f32
    %max3A_44 = vector.broadcast %max3A_43 : f32 to vector<1024x512xf32>
    %max3A_45 = arith.maximumf %add3A_42, %max3A_44 : vector<1024x512xf32>
    %slice3A_46 = vector.extract_strided_slice %max3A_45 {offsets = [0, 0], sizes = [1024, 128], strides = [1, 1]} : vector<1024x512xf32> to vector<1024x128xf32>
    %swap3A = arith.constant 0 : index
    %swap3A_47 = arith.constant 0 : index
    %swap3A_48 = vector.load %arg9[%swap3A, %swap3A_47] : memref<1024x128xf32, #tpu.memory_space<vmem>>, vector<1024x128xf32>
    tpu.vector_store %arg9[%swap3A, %swap3A_47], %slice3A_46 {strides = array<i32>} : memref<1024x128xf32, #tpu.memory_space<vmem>>, vector<1024x128xf32>,
    %slice3A_49 = vector.extract_strided_slice %max3A_45 {offsets = [0, 128], sizes = [1024, 128], strides = [1, 1]} : vector<1024x512xf32> to vector<1024x128xf32>
    %swap3A_50 = arith.constant 0 : index
    %swap3A_51 = arith.constant 0 : index
    %swap3A_52 = vector.load %arg10[%swap3A_50, %swap3A_51] : memref<1024x128xf32, #tpu.memory_space<vmem>>, vector<1024x128xf32>
    tpu.vector_store %arg10[%swap3A_50, %swap3A_51], %slice3A_49 {strides = array<i32>} : memref<1024x128xf32, #tpu.memory_space<vmem>>, vector<1024x128xf32>,
    %slice3A_53 = vector.extract_strided_slice %max3A_45 {offsets = [0, 256], sizes = [1024, 128], strides = [1, 1]} : vector<1024x512xf32> to vector<1024x128xf32>
    %swap3A_54 = arith.constant 0 : index
    %swap3A_55 = arith.constant 0 : index
    %swap3A_56 = vector.load %arg11[%swap3A_54, %swap3A_55] : memref<1024x128xf32, #tpu.memory_space<vmem>>, vector<1024x128xf32>
    tpu.vector_store %arg11[%swap3A_54, %swap3A_55], %slice3A_53 {strides = array<i32>} : memref<1024x128xf32, #tpu.memory_space<vmem>>, vector<1024x128xf32>,
    %slice3A_57 = vector.extract_strided_slice %max3A_45 {offsets = [0, 384], sizes = [1024, 128], strides = [1, 1]} : vector<1024x512xf32> to vector<1024x128xf32>
    %swap3A_58 = arith.constant 0 : index
    %swap3A_59 = arith.constant 0 : index
    %swap3A_60 = vector.load %arg12[%swap3A_58, %swap3A_59] : memref<1024x128xf32, #tpu.memory_space<vmem>>, vector<1024x128xf32>
    tpu.vector_store %arg12[%swap3A_58, %swap3A_59], %slice3A_57 {strides = array<i32>} : memref<1024x128xf32, #tpu.memory_space<vmem>>, vector<1024x128xf32>,
    return
  }
  func.func @transform_0(%arg0: i32) -> (i32, i32) {
    %c0_i32 = arith.constant 0 : i32
    %c0_i32_0 = arith.constant 0 : i32
    return %arg0, %c0_i32 : i32, i32
  }
  func.func @transform_1(%arg0: i32) -> (i32, i32) {
    %c0_i32 = arith.constant 0 : i32
    %c0_i32_0 = arith.constant 0 : i32
    return %arg0, %c0_i32 : i32, i32
  }
  func.func @transform_2(%arg0: i32) -> (i32, i32) {
    %c0_i32 = arith.constant 0 : i32
    %c0_i32_0 = arith.constant 0 : i32
    return %arg0, %c0_i32 : i32, i32
  }
  func.func @transform_3(%arg0: i32) -> (i32, i32) {
    %c0_i32 = arith.constant 0 : i32
    %c0_i32_0 = arith.constant 0 : i32
    return %arg0, %c0_i32 : i32, i32
  }
  func.func @transform_4(%arg0: i32) -> (i32, i32) {
    %c0_i32 = arith.constant 0 : i32
    %c0_i32_0 = arith.constant 0 : i32
    return %arg0, %c0_i32 : i32, i32
  }
  func.func @transform_5(%arg0: i32) -> (i32, i32) {
    %c0_i32 = arith.constant 0 : i32
    %c0_i32_0 = arith.constant 0 : i32
    %c0_i32_1 = arith.constant 0 : i32
    return %c0_i32, %c0_i32_0 : i32, i32
  }
  func.func @transform_6(%arg0: i32) -> (i32, i32) {
    %c0_i32 = arith.constant 0 : i32
    %c0_i32_0 = arith.constant 0 : i32
    %c0_i32_1 = arith.constant 0 : i32
    return %c0_i32, %c0_i32_0 : i32, i32
  }
  func.func @transform_7(%arg0: i32) -> (i32, i32) {
    %c0_i32 = arith.constant 0 : i32
    %c0_i32_0 = arith.constant 0 : i32
    %c0_i32_1 = arith.constant 0 : i32
    return %c0_i32, %c0_i32_0 : i32, i32
  }
  func.func @transform_8(%arg0: i32) -> (i32, i32) {
    %c0_i32 = arith.constant 0 : i32
    %c0_i32_0 = arith.constant 0 : i32
    return %arg0, %c0_i32 : i32, i32
  }
  func.func @transform_9(%arg0: i32) -> (i32, i32) {
    %c0_i32 = arith.constant 0 : i32
    %c0_i32_0 = arith.constant 0 : i32
    return %arg0, %c0_i32 : i32, i32
  }
  func.func @transform_10(%arg0: i32) -> (i32, i32) {
    %c0_i32 = arith.constant 0 : i32
    %c0_i32_0 = arith.constant 0 : i32
    return %arg0, %c0_i32 : i32, i32
  }
  func.func @transform_11(%arg0: i32) -> (i32, i32) {
    %c0_i32 = arith.constant 0 : i32
    %c0_i32_0 = arith.constant 0 : i32
    return %arg0, %c0_i32 : i32, i32
  }
}

module attributes {stable_mosaic.version = 14 : i64} {
  func.func @_l2_body(%arg0: i32, %arg1: memref<1024x128xf32, #tpu.memory_space<vmem>>, %arg2: memref<1024x128xf32, #tpu.memory_space<vmem>>, %arg3: memref<1024x128xf32, #tpu.memory_space<vmem>>, %arg4: memref<1024x128xf32, #tpu.memory_space<vmem>>, %arg5: memref<1024x128xf32, #tpu.memory_space<vmem>>, %arg6: memref<1024x128xf32, #tpu.memory_space<vmem>>, %arg7: memref<1024x128xf32, #tpu.memory_space<vmem>>, %arg8: memref<1024x128xf32, #tpu.memory_space<vmem>>, %arg9: memref<1024x128xf32, #tpu.memory_space<vmem>>, %arg10: memref<1024x128xf32, #tpu.memory_space<vmem>>, %arg11: memref<512x512xf32, #tpu.memory_space<vmem>>, %arg12: memref<512x512xf32, #tpu.memory_space<vmem>>, %arg13: memref<1x512xf32, #tpu.memory_space<vmem>>, %arg14: memref<512x128xf32, #tpu.memory_space<vmem>>, %arg15: memref<1x128xf32, #tpu.memory_space<vmem>>, %arg16: memref<1024x128xf32, #tpu.memory_space<vmem>>) attributes {dimension_semantics = [#tpu.dimension_semantics<arbitrary>], iteration_bounds = array<i64: 10>, scalar_prefetch = 0 : i64, scratch_operands = 0 : i64, tpu.core_type = #tpu.core_type<tc>, window_params = [{transform_indices = @transform_0, window_bounds = array<i64: 1024, 128>}, {transform_indices = @transform_1, window_bounds = array<i64: 1024, 128>}, {transform_indices = @transform_2, window_bounds = array<i64: 1024, 128>}, {transform_indices = @transform_3, window_bounds = array<i64: 1024, 128>}, {transform_indices = @transform_4, window_bounds = array<i64: 1024, 128>}, {transform_indices = @transform_5, window_bounds = array<i64: 1024, 128>}, {transform_indices = @transform_6, window_bounds = array<i64: 1024, 128>}, {transform_indices = @transform_7, window_bounds = array<i64: 1024, 128>}, {transform_indices = @transform_8, window_bounds = array<i64: 1024, 128>}, {transform_indices = @transform_9, window_bounds = array<i64: 1024, 128>}, {pipeline_mode = #tpu.pipeline_mode<synchronous>, transform_indices = @transform_10, window_bounds = array<i64: 512, 512>}, {pipeline_mode = #tpu.pipeline_mode<synchronous>, transform_indices = @transform_11, window_bounds = array<i64: 512, 512>}, {pipeline_mode = #tpu.pipeline_mode<synchronous>, transform_indices = @transform_12, window_bounds = array<i64: 1, 512>}, {pipeline_mode = #tpu.pipeline_mode<synchronous>, transform_indices = @transform_13, window_bounds = array<i64: 512, 128>}, {pipeline_mode = #tpu.pipeline_mode<synchronous>, transform_indices = @transform_14, window_bounds = array<i64: 1, 128>}, {transform_indices = @transform_15, window_bounds = array<i64: 1024, 128>}]} {
    %get3A = arith.constant 0 : index
    %get3A_0 = arith.constant 0 : index
    %get3A_1 = vector.load %arg5[%get3A, %get3A_0] : memref<1024x128xf32, #tpu.memory_space<vmem>>, vector<1024x128xf32>
    %slice3A = vector.extract_strided_slice %get3A_1 {offsets = [0, 0], sizes = [1024, 1], strides = [1, 1]} : vector<1024x128xf32> to vector<1024x1xf32>
    %get3A_2 = arith.constant 0 : index
    %get3A_3 = arith.constant 0 : index
    %get3A_4 = vector.load %arg6[%get3A_2, %get3A_3] : memref<1024x128xf32, #tpu.memory_space<vmem>>, vector<1024x128xf32>
    %slice3A_5 = vector.extract_strided_slice %get3A_4 {offsets = [0, 0], sizes = [1024, 1], strides = [1, 1]} : vector<1024x128xf32> to vector<1024x1xf32>
    %add3A = arith.addf %slice3A, %slice3A_5 : vector<1024x1xf32>
    %max3A = arith.constant 1.000000e+00 : f32
    %max3A_6 = vector.broadcast %max3A : f32 to vector<1024x1xf32>
    %max3A_7 = arith.maximumf %add3A, %max3A_6 : vector<1024x1xf32>
    %div3A = arith.constant 1.000000e+00 : f32
    %div3A_8 = vector.broadcast %div3A : f32 to vector<1024x1xf32>
    %div3A_9 = arith.divf %div3A_8, %max3A_7 : vector<1024x1xf32>
    %get3A_10 = arith.constant 0 : index
    %get3A_11 = arith.constant 0 : index
    %get3A_12 = vector.load %arg1[%get3A_10, %get3A_11] : memref<1024x128xf32, #tpu.memory_space<vmem>>, vector<1024x128xf32>
    %mul3A = vector.broadcast %div3A_9 : vector<1024x1xf32> to vector<1024x128xf32>
    %mul3A_13 = arith.mulf %get3A_12, %mul3A : vector<1024x128xf32>
    %get3A_14 = arith.constant 0 : index
    %get3A_15 = arith.constant 0 : index
    %get3A_16 = vector.load %arg2[%get3A_14, %get3A_15] : memref<1024x128xf32, #tpu.memory_space<vmem>>, vector<1024x128xf32>
    %mul3A_17 = vector.broadcast %div3A_9 : vector<1024x1xf32> to vector<1024x128xf32>
    %mul3A_18 = arith.mulf %get3A_16, %mul3A_17 : vector<1024x128xf32>
    %get3A_19 = arith.constant 0 : index
    %get3A_20 = arith.constant 0 : index
    %get3A_21 = vector.load %arg3[%get3A_19, %get3A_20] : memref<1024x128xf32, #tpu.memory_space<vmem>>, vector<1024x128xf32>
    %mul3A_22 = vector.broadcast %div3A_9 : vector<1024x1xf32> to vector<1024x128xf32>
    %mul3A_23 = arith.mulf %get3A_21, %mul3A_22 : vector<1024x128xf32>
    %get3A_24 = arith.constant 0 : index
    %get3A_25 = arith.constant 0 : index
    %get3A_26 = vector.load %arg4[%get3A_24, %get3A_25] : memref<1024x128xf32, #tpu.memory_space<vmem>>, vector<1024x128xf32>
    %mul3A_27 = vector.broadcast %div3A_9 : vector<1024x1xf32> to vector<1024x128xf32>
    %mul3A_28 = arith.mulf %get3A_26, %mul3A_27 : vector<1024x128xf32>
    %concatenate3A = tpu.concatenate %mul3A_13, %mul3A_18, %mul3A_23, %mul3A_28 in 1 : vector<1024x128xf32>, vector<1024x128xf32>, vector<1024x128xf32>, vector<1024x128xf32> -> vector<1024x512xf32>
    %get3A_29 = arith.constant 0 : index
    %get3A_30 = arith.constant 0 : index
    %get3A_31 = vector.load %arg7[%get3A_29, %get3A_30] : memref<1024x128xf32, #tpu.memory_space<vmem>>, vector<1024x128xf32>
    %get3A_32 = arith.constant 0 : index
    %get3A_33 = arith.constant 0 : index
    %get3A_34 = vector.load %arg8[%get3A_32, %get3A_33] : memref<1024x128xf32, #tpu.memory_space<vmem>>, vector<1024x128xf32>
    %get3A_35 = arith.constant 0 : index
    %get3A_36 = arith.constant 0 : index
    %get3A_37 = vector.load %arg9[%get3A_35, %get3A_36] : memref<1024x128xf32, #tpu.memory_space<vmem>>, vector<1024x128xf32>
    %get3A_38 = arith.constant 0 : index
    %get3A_39 = arith.constant 0 : index
    %get3A_40 = vector.load %arg10[%get3A_38, %get3A_39] : memref<1024x128xf32, #tpu.memory_space<vmem>>, vector<1024x128xf32>
    %concatenate3A_41 = tpu.concatenate %get3A_31, %get3A_34, %get3A_37, %get3A_40 in 1 : vector<1024x128xf32>, vector<1024x128xf32>, vector<1024x128xf32>, vector<1024x128xf32> -> vector<1024x512xf32>
    %get3A_42 = arith.constant 0 : index
    %get3A_43 = arith.constant 0 : index
    %get3A_44 = vector.load %arg11[%get3A_42, %get3A_43] : memref<512x512xf32, #tpu.memory_space<vmem>>, vector<512x512xf32>
    %dot_general3A = arith.constant dense<0.000000e+00> : vector<1024x512xf32>
    %dot_general3A_45 = tpu.matmul %concatenate3A, %get3A_44, %dot_general3A {dimension_numbers = #tpu.dot_dimension_numbers<[1], [0], [0], [1], [0, 0, 1, 1], [], []>, transpose_lhs_hint = false} : vector<1024x512xf32>, vector<512x512xf32>, vector<1024x512xf32> -> vector<1024x512xf32>
    %get3A_46 = arith.constant 0 : index
    %get3A_47 = arith.constant 0 : index
    %get3A_48 = vector.load %arg12[%get3A_46, %get3A_47] : memref<512x512xf32, #tpu.memory_space<vmem>>, vector<512x512xf32>
    %dot_general3A_49 = arith.constant dense<0.000000e+00> : vector<1024x512xf32>
    %dot_general3A_50 = tpu.matmul %concatenate3A_41, %get3A_48, %dot_general3A_49 {dimension_numbers = #tpu.dot_dimension_numbers<[1], [0], [0], [1], [0, 0, 1, 1], [], []>, transpose_lhs_hint = false} : vector<1024x512xf32>, vector<512x512xf32>, vector<1024x512xf32> -> vector<1024x512xf32>
    %add3A_51 = arith.addf %dot_general3A_45, %dot_general3A_50 : vector<1024x512xf32>
    %get3A_52 = arith.constant 0 : index
    %get3A_53 = arith.constant 0 : index
    %get3A_54 = vector.load %arg13[%get3A_52, %get3A_53] : memref<1x512xf32, #tpu.memory_space<vmem>>, vector<1x512xf32>
    %add3A_55 = vector.broadcast %get3A_54 : vector<1x512xf32> to vector<1024x512xf32>
    %add3A_56 = arith.addf %add3A_51, %add3A_55 : vector<1024x512xf32>
    %max3A_57 = arith.constant 0.000000e+00 : f32
    %max3A_58 = vector.broadcast %max3A_57 : f32 to vector<1024x512xf32>
    %max3A_59 = arith.maximumf %add3A_56, %max3A_58 : vector<1024x512xf32>
    %get3A_60 = arith.constant 0 : index
    %get3A_61 = arith.constant 0 : index
    %get3A_62 = vector.load %arg14[%get3A_60, %get3A_61] : memref<512x128xf32, #tpu.memory_space<vmem>>, vector<512x128xf32>
    %dot_general3A_63 = arith.constant dense<0.000000e+00> : vector<1024x128xf32>
    %dot_general3A_64 = tpu.matmul %max3A_59, %get3A_62, %dot_general3A_63 {dimension_numbers = #tpu.dot_dimension_numbers<[1], [0], [0], [1], [0, 0, 1, 1], [], []>, transpose_lhs_hint = false} : vector<1024x512xf32>, vector<512x128xf32>, vector<1024x128xf32> -> vector<1024x128xf32>
    %get3A_65 = arith.constant 0 : index
    %get3A_66 = arith.constant 0 : index
    %get3A_67 = vector.load %arg15[%get3A_65, %get3A_66] : memref<1x128xf32, #tpu.memory_space<vmem>>, vector<1x128xf32>
    %add3A_68 = vector.broadcast %get3A_67 : vector<1x128xf32> to vector<1024x128xf32>
    %add3A_69 = arith.addf %dot_general3A_64, %add3A_68 : vector<1024x128xf32>
    %logistic3A = arith.negf %add3A_69 : vector<1024x128xf32>
    %logistic3A_70 = math.exp %logistic3A : vector<1024x128xf32>
    %logistic3A_71 = arith.constant 1.000000e+00 : f32
    %logistic3A_72 = vector.broadcast %logistic3A_71 : f32 to vector<1024x128xf32>
    %logistic3A_73 = arith.addf %logistic3A_72, %logistic3A_70 : vector<1024x128xf32>
    %logistic3A_74 = arith.divf %logistic3A_72, %logistic3A_73 : vector<1024x128xf32>
    %swap3A = arith.constant 0 : index
    %swap3A_75 = arith.constant 0 : index
    %swap3A_76 = vector.load %arg16[%swap3A, %swap3A_75] : memref<1024x128xf32, #tpu.memory_space<vmem>>, vector<1024x128xf32>
    tpu.vector_store %arg16[%swap3A, %swap3A_75], %logistic3A_74 {strides = array<i32>} : memref<1024x128xf32, #tpu.memory_space<vmem>>, vector<1024x128xf32>,
    return
  }
  func.func @transform_0(%arg0: i32) -> (i32, i32) {
    %c0_i32 = arith.constant 0 : i32
    %c0_i32_0 = arith.constant 0 : i32
    return %arg0, %c0_i32 : i32, i32
  }
  func.func @transform_1(%arg0: i32) -> (i32, i32) {
    %c0_i32 = arith.constant 0 : i32
    %c0_i32_0 = arith.constant 0 : i32
    return %arg0, %c0_i32 : i32, i32
  }
  func.func @transform_2(%arg0: i32) -> (i32, i32) {
    %c0_i32 = arith.constant 0 : i32
    %c0_i32_0 = arith.constant 0 : i32
    return %arg0, %c0_i32 : i32, i32
  }
  func.func @transform_3(%arg0: i32) -> (i32, i32) {
    %c0_i32 = arith.constant 0 : i32
    %c0_i32_0 = arith.constant 0 : i32
    return %arg0, %c0_i32 : i32, i32
  }
  func.func @transform_4(%arg0: i32) -> (i32, i32) {
    %c0_i32 = arith.constant 0 : i32
    %c0_i32_0 = arith.constant 0 : i32
    return %arg0, %c0_i32 : i32, i32
  }
  func.func @transform_5(%arg0: i32) -> (i32, i32) {
    %c0_i32 = arith.constant 0 : i32
    %c0_i32_0 = arith.constant 0 : i32
    return %arg0, %c0_i32 : i32, i32
  }
  func.func @transform_6(%arg0: i32) -> (i32, i32) {
    %c0_i32 = arith.constant 0 : i32
    %c0_i32_0 = arith.constant 0 : i32
    return %arg0, %c0_i32 : i32, i32
  }
  func.func @transform_7(%arg0: i32) -> (i32, i32) {
    %c0_i32 = arith.constant 0 : i32
    %c0_i32_0 = arith.constant 0 : i32
    return %arg0, %c0_i32 : i32, i32
  }
  func.func @transform_8(%arg0: i32) -> (i32, i32) {
    %c0_i32 = arith.constant 0 : i32
    %c0_i32_0 = arith.constant 0 : i32
    return %arg0, %c0_i32 : i32, i32
  }
  func.func @transform_9(%arg0: i32) -> (i32, i32) {
    %c0_i32 = arith.constant 0 : i32
    %c0_i32_0 = arith.constant 0 : i32
    return %arg0, %c0_i32 : i32, i32
  }
  func.func @transform_10(%arg0: i32) -> (i32, i32) {
    %c0_i32 = arith.constant 0 : i32
    %c0_i32_0 = arith.constant 0 : i32
    %c0_i32_1 = arith.constant 0 : i32
    return %c0_i32, %c0_i32_0 : i32, i32
  }
  func.func @transform_11(%arg0: i32) -> (i32, i32) {
    %c0_i32 = arith.constant 0 : i32
    %c0_i32_0 = arith.constant 0 : i32
    %c0_i32_1 = arith.constant 0 : i32
    return %c0_i32, %c0_i32_0 : i32, i32
  }
  func.func @transform_12(%arg0: i32) -> (i32, i32) {
    %c0_i32 = arith.constant 0 : i32
    %c0_i32_0 = arith.constant 0 : i32
    %c0_i32_1 = arith.constant 0 : i32
    return %c0_i32, %c0_i32_0 : i32, i32
  }
  func.func @transform_13(%arg0: i32) -> (i32, i32) {
    %c0_i32 = arith.constant 0 : i32
    %c0_i32_0 = arith.constant 0 : i32
    %c0_i32_1 = arith.constant 0 : i32
    return %c0_i32, %c0_i32_0 : i32, i32
  }
  func.func @transform_14(%arg0: i32) -> (i32, i32) {
    %c0_i32 = arith.constant 0 : i32
    %c0_i32_0 = arith.constant 0 : i32
    %c0_i32_1 = arith.constant 0 : i32
    return %c0_i32, %c0_i32_0 : i32, i32
  }
  func.func @transform_15(%arg0: i32) -> (i32, i32) {
    %c0_i32 = arith.constant 0 : i32
    %c0_i32_0 = arith.constant 0 : i32
    return %arg0, %c0_i32 : i32, i32
  }
}

</mosaic_0001>

<sc_bundles>
// kernel: kernel.10.cloned.1.call-start
scs
__scs_entry_jumppad:
0x0: {  	(pc) =	sbr.rel $0x88, $3  }
0x1: {  	(tag) =	ssettag $0x0;
	lr =	simm.s32 $0x1  }
0x2: {  	[smem:$0x3F97] =	sst lr;
	_ =	strace $0xD0000000  }
0x3: {  	_ = 	snop  }
0x4: {  	_ = 	snop  }
0x5: {  	_ = 	snop  }
0x6: {  	_ = 	snop  }
0x7: {  	_ = 	snop  }
__scs_overlays_trampoline_lowered:
0x8: {  	[smem:$0x3FA6] =	sst s0  }
0x9: {  	[smem:$0x3FA7] =	sst s1  }
0xa: {  	[smem:$0x3FA8] =	sst s2  }
0xb: {  	[smem:$0x3FA9] =	sst s3  }
0xc: {  	[smem:$0x3FAA] =	sst s4  }
0xd: {  	[smem:$0x3FAB] =	sst s5  }
0xe: {  	[smem:$0x3FAC] =	sst s6  }
0xf: {  	[smem:$0x3FAD] =	sst s7  }
0x10: {  	[smem:$0x3FAE] =	sst s8  }
0x11: {  	[smem:$0x3FAF] =	sst s9;
	s0 =	simm.s32 @!p0 $0x0  }
0x12: {  	s1 =	sld [smem:$0x3F95];
	s0 =	simm.s32 @p0 $0x1  }
0x13: {  	[smem:$0x3FB0] =	sst s0;
	s0 =	simm.s32 @!p1 $0x0  }
0x14: {  	s2 =	sld [smem:$0x3F94];
	s0 =	simm.s32 @p1 $0x1  }
0x15: {  	[smem:$0x3FB1] =	sst s0;
	s0 =	simm.s32 @!p2 $0x0  }
0x16: {  	s3 =	sld [smem:$0x3FDB];
	s0 =	simm.s32 @p2 $0x1  }
0x17: {  	s4 =	simm.s32 $0x1BF5;
	[smem:$0x3FB3] =	sst s0  }
0x18: {  	s0 =	sld [smem:$0x3F96];
	_ =	swait.ge [sflag:s4], $0x0  }
0x19: {  	s7 =	sld [smem:$0x3F97]  }
0x1a: {  	s8 =	sadd.s32 $0xFFFFE003, lr  }
0x1b: {  	s9 =	sadd.s32 $0xFFFFFEF7, lr;
	s5 =	simm.s32 $0xFFFFFFFF;
	p2 =	slt.u32 s8, $0xFFFFF086  }
0x1c: {  	p1 =	slt.u32 s9, $0xF7A;
	s5 =	simm.s32 @!p2 $0x0  }
0x1d: {  	s5 =	simm.s32 @p1 $0x1;
	p0 =	seq.s32 s7, s2  }
0x1e: {  	s7 =	smul.u32 @!p0 $0xF7A, s2;
	p2 =	seq.s32 @!p0 s5, $0x0  }
0x1f: {  	s9 =	smul.u32 $0xF7A, s1;
	s8 =	simm.s32 @!p0 $0x1BF5;
	p2 =	por !p2, p0  }
0x20: {  	[sflag:s8] =	ssyncset.s32 @!p0 $0xFFFFF086;
	s6 =	sadd.s32 @!p0 s3, s7;
	s7 =	simm.s32 @!p0 $0x108  }
0x21: {  	s3 =	sadd.s32 s3, s9;
	s6 =	sadd.s32 @!p0 $0x88, s6;
	s7 =	simm.s32 @p2 $0x1082  }
0x22: {  	[simem:s7], [sflag:s8] =	dma.local @!p0 [hbm:s6], $0xF7A  }
0x23: {  	s9 =	sor.u32 $0xD0000000, s2;
	s6 =	simm.s32 $0x108;
	_ =	swait.ge @!p0 [sflag:s8], $0x0  }
0x24: {  	s3 =	sadd.s32 $0x88, s3;
	s6 =	simm.s32 @!p1 $0x1082;
	[sflag:s4] =	ssyncset.s32 $0xFFFFF086  }
0x25: {  	[simem:s6], [sflag:s4] =	dma.local [hbm:s3], $0xF7A  }
0x26: {  	[smem:$0x3F97] =	sst s1;
	(tag) =	ssettag s2;
	_ =	strace s9  }
0x27: {  	s1 =	sld [smem:$0x3FA7]  }
0x28: {  	s2 =	sld [smem:$0x3FA8]  }
0x29: {  	s4 =	sld [smem:$0x3FAA]  }
0x2a: {  	p0 =	seq.s32 s5, $0x0;
	s5 =	sld [smem:$0x3FAB]  }
0x2b: {  	s6 =	sld [smem:$0x3FAC]  }
0x2c: {  	s7 =	sld [smem:$0x3FAD]  }
0x2d: {  	s3 =	simm.s32 $0x108;
	s8 =	sld [smem:$0x3FAE]  }
0x2e: {  	s3 =	simm.s32 @!p0 $0x1082;
	s9 =	sld [smem:$0x3FAF]  }
0x2f: {  	lr =	sadd.s32 s0, s3;
	s0 =	sld [smem:$0x3FA6]  }
0x30: {  	s3 =	sld [smem:$0x3FA9]  }
0x31: {  	[smem:$0x3FB2] =	sst s10  }
0x32: {  	s10 =	sld [smem:$0x3FB0];
	_ =	sdelay $0x3  }
0x33: {  	p0 =	seq.s32 s10, $0x1;
	s10 =	sld [smem:$0x3FB2];
	_ =	sdelay $0x3  }
0x34: {  	[smem:$0x3FB2] =	sst s10  }
0x35: {  	s10 =	sld [smem:$0x3FB1];
	_ =	sdelay $0x3  }
0x36: {  	p1 =	seq.s32 s10, $0x1;
	s10 =	sld [smem:$0x3FB2];
	_ =	sdelay $0x3  }
0x37: {  	[smem:$0x3FB2] =	sst s10  }
0x38: {  	s10 =	sld [smem:$0x3FB3]  }
0x39: {  	_ = 	snop;
	(pc) =	sbr.ind lr, $3  }
0x3a: {  	_ = 	snop  }
0x3b: {  	_ = 	snop  }
0x3c: {  	p2 =	seq.s32 s10, $0x1;
	s10 =	sld [smem:$0x3FB2]  }
0x3d: {  	_ =	shalt  }
0x3e: {  	_ =	shalt  }
0x3f: {  	_ =	shalt  }
0x40: {  	_ =	shalt  }
0x41: {  	_ =	shalt  }
0x42: {  	_ =	shalt  }
0x43: {  	_ =	shalt  }
0x44: {  	_ =	shalt  }
0x45: {  	_ =	shalt  }
0x46: {  	_ =	shalt  }
0x47: {  	_ =	shalt  }
0x48: {  	_ =	shalt  }
0x49: {  	_ =	shalt  }
0x4a: {  	_ =	shalt  }
0x4b: {  	_ =	shalt  }
0x4c: {  	_ =	shalt  }
0x4d: {  	_ =	shalt  }
0x4e: {  	_ =	shalt  }
0x4f: {  	_ =	shalt  }
0x50: {  	_ =	shalt  }
0x51: {  	_ =	shalt  }
0x52: {  	_ =	shalt  }
0x53: {  	_ =	shalt  }
0x54: {  	_ =	shalt  }
0x55: {  	_ =	shalt  }
0x56: {  	_ =	shalt  }
0x57: {  	_ =	shalt  }
0x58: {  	_ =	shalt  }
0x59: {  	_ =	shalt  }
0x5a: {  	_ =	shalt  }
0x5b: {  	_ =	shalt  }
0x5c: {  	_ =	shalt  }
0x5d: {  	_ =	shalt  }
0x5e: {  	_ =	shalt  }
0x5f: {  	_ =	shalt  }
0x60: {  	_ =	shalt  }
0x61: {  	_ =	shalt  }
0x62: {  	_ =	shalt  }
0x63: {  	_ =	shalt  }
0x64: {  	_ =	shalt  }
0x65: {  	_ =	shalt  }
0x66: {  	_ =	shalt  }
0x67: {  	_ =	shalt  }
0x68: {  	_ =	shalt  }
0x69: {  	_ =	shalt  }
0x6a: {  	_ =	shalt  }
0x6b: {  	_ =	shalt  }
0x6c: {  	_ =	shalt  }
0x6d: {  	_ =	shalt  }
0x6e: {  	_ =	shalt  }
0x6f: {  	_ =	shalt  }
0x70: {  	_ =	shalt  }
0x71: {  	_ =	shalt  }
0x72: {  	_ =	shalt  }
0x73: {  	_ =	shalt  }
0x74: {  	_ =	shalt  }
0x75: {  	_ =	shalt  }
0x76: {  	_ =	shalt  }
0x77: {  	_ =	shalt  }
0x78: {  	_ =	shalt  }
0x79: {  	_ =	shalt  }
0x7a: {  	_ =	shalt  }
0x7b: {  	_ =	shalt  }
0x7c: {  	_ =	shalt  }
0x7d: {  	_ =	shalt  }
0x7e: {  	_ =	shalt  }
0x7f: {  	_ =	shalt  }
0x80: {  	_ =	shalt  }
0x81: {  	_ =	shalt  }
0x82: {  	_ =	shalt  }
0x83: {  	_ =	shalt  }
0x84: {  	_ =	shalt  }
0x85: {  	_ =	shalt  }
0x86: {  	_ =	shalt  }
0x87: {  	_ =	shalt  }
.Lfunc_end0:
.L_simem_size_0:
called_computation.1_lowered:
.L_overlay_start_0:
0x88: {  	s2 =	sld [smem:$0x3FD9]  }
0x89: {  	s3 =	sld [smem:$0x3FFE];
	_ =	sdelay $0x1  }
0x8a: {  	s1 =	srdreg.scid  }
0x8b: {  	s0 =	sand.u32 $0x1, s1  }
0x8c: {  	s17 =	sshll.u32 s0, $0xA;
	s2 =	sadd.s32 s3, s2  }
0x8d: {  	s2 =	sadd.s32 s2, s17  }
0x8e: {  	[smem:$0x3FBE] =	sst s2  }
0x8f: {  	_ = 	snop  }
0x90: {  	s2 =	sld [smem:$0x3FD0];
	(tm) =	ssettm $0x1  }
0x91: {  	s18 =	sld [smem:$0x3FFB];
	_ =	sdelay $0x3  }
0x92: {  	_ =	strace s18  }
0x93: {  	s3 =	sld [smem:$0x3FFC];
	_ =	sdelay $0x3  }
0x94: {  	_ =	strace s3  }
0x95: {  	s3 =	sld [smem:$0x3FFD];
	_ =	sdelay $0x3  }
0x96: {  	_ =	strace s3  }
0x97: {  	_ =	strace $0x8FFFFFFF  }
0x98: {  	s19 =	sld [smem:$0x3FDB];
	_ =	sdelay $0x1  }
0x99: {  	s4 =	simm.s32 $_scs_section_size  }
0x9a: {  	s5 =	simm.s32 $_size__tile_overlayer_lowered;
	s6 =	simm.s32 $_tile_overlayer_lowered  }
0x9b: {  	s22 =	simm.s32 $0x1BFF;
	s21 =	sshll.u32 s6, $0x1;
	s3 =	sadd.s32 s4, s19  }
0x9c: {  	s7 =	simm.s32 $0x0;
	s20 =	sshll.u32 s5, $0x1;
	s5 =	sadd.s32 s21, s3  }
0x9d: {  	[timem:s7], [sflag:s22] =	dma.local [hbm:s5], s20  }
0x9e: {  	_ =	swait.ge [sflag:s22], s20  }
0x9f: {  	s4 =	ssub.s32 $0x0, s20;
	[sflag:s22] =	ssyncset.done $0x0  }
0xa0: {  	[sflag:s22] =	ssyncadd.s32 s4;
	_ =	sdelay $0x1  }
0xa1: {  	s23 =	simm.s32 $0x1B8B  }
0xa2: {  	_ =	swait.ge [sflag:s23], $0x1  }
0xa3: {  	[sflag:s23] =	ssyncset.done $0x0  }
0xa4: {  	s25 =	simm.s32 $0x1B8E;
	s24 =	sld [smem:$0x3FFE];
	[sflag:s23] =	ssyncadd.s32 $0xFFFFFFFF  }
0xa5: {  	s26 =	simm.s32 $execute0_lowered;
	[smem:$0x3FD2] =	sst s25  }
0xa6: {  	s5 =	sshll.u32 s26, $0x1;
	_ =	strace $0x80000046;
	[dreg:$0x1] =	wrdreg $0xFFFFFFFF  }
0xa7: {  	s28 =	simm.s32 $_size_execute0_lowered;
	s3 =	sadd.s32 s3, s5;
	[dreg:$0x0] =	wrdreg $0x0  }
0xa8: {  	s5 =	sshll.u32 s28, $0x1;
	[dreg:$0x2] =	wrdreg s3  }
0xa9: {  	[dreg:$0x3] =	wrdreg s5  }
0xaa: {  	[dreg:$0x4] =	wrdreg $0xC0  }
0xab: {  	_ =	task [dreg:s7], $0x5FFFF  }
0xac: {  	[dreg:$0x1] =	wrdreg $0xFFFFFFFF  }
0xad: {  	[dreg:$0x0] =	wrdreg $0x60  }
0xae: {  	[dreg:$0x2] =	wrdreg s24  }
0xaf: {  	[dreg:$0x3] =	wrdreg s2  }
0xb0: {  	[dreg:$0x4] =	wrdreg $0x82000  }
0xb1: {  	[dreg:$0x5] =	wrdreg $0xA  }
0xb2: {  	_ =	task.clear_ibuf [dreg:s7], $0x6FFFF;
	_ =	strace $0x90000046  }
0xb3: {  	s29 =	simm.s32 $0xA;
	_ =	strace $0x80000048  }
0xb4: {  	_ =	swait.ge [sflag:s29], $0x1  }
0xb5: {  	[sflag:s29] =	ssyncadd.s32 $0xFFFFFFFF  }
0xb6: {  	_ =	strace $0x90000048  }
0xb7: {  	_ =	sfence  }
0xb8: {  	s30 =	sld [smem:$0x0];
	_ =	sdelay $0x2  }
0xb9: {  	s31 =	sshll.u32 s1, $0xD;
	s1 =	sshrl.u32 s1, $0x2  }
0xba: {  	s3 =	sand.u32 $0x4000, s31;
	s1 =	sadd.s32 s1, s30  }
0xbb: {  	s0 =	sor.u32 s3, s0;
	s1 =	sshll.u32 s1, $0x11  }
0xbc: {  	s0 =	sor.u32 s1, s0  }
0xbd: {  	s0 =	sadd.s32 $0x8F2B, s0  }
0xbe: {  	[sflag:s0] =	ssyncadd.remote.s32 $0x1  }
0xbf: {  	_ =	sfence.sel $0xFFFF  }
0xc0: {  	[dreg:$0x0] =	wrdreg $0xFFFFFFFF;
	(pc) =	sbr.abs _section_cstart, $3  }
0xc1: {  	[dreg:$0x1] =	wrdreg $0xFFFFFFFF  }
0xc2: {  	_ =	task.clear_ibuf [dreg:s7], $0x2FFFF;
	_ =	strace $0x9FFFFFFF  }
0xc3: {  	(tm) =	ssettm $0x7FFFFFFF  }
tec
execute0_lowered:
.L_overlay_start_1:
0x0: {  	(tag) =	ssettag $0x1  }
0x1: {  	s8 =	rddreg [dreg:$0x0]  }
0x2: {  	s1 =	rddreg [dreg:$0x1]  }
0x3: {  	s2 =	rddreg [dreg:$0x2]  }
0x4: {  	s0 =	rddreg [dreg:$0x3];
	s4 =	simm.s32 $0x0;
	s3 =	stileid.u32  }
0x5: {  	s9 =	srdreg.scid;
	s15 =	simm.s32 $0x8000;
	s17 =	simm.s32 $0x80  }
0x6: {  	s19 =	simm.s32 $0x8100;
	s20 =	simm.s32 $0x4000;
	s21 =	simm.s32 $0x1  }
0x7: {  	s22 =	simm.s32 $0x8080;
	s23 =	simm.s32 $0x2;
	s24 =	simm.s32 $0x8180  }
0x8: {  	s25 =	simm.s32 $0x0;
	[smem:$0x7FF] =	sst s4;
	s5 =	sadd.s32 $0x2B800, s8  }
0x9: {  	s7 =	smul.u32 $0xA00, s3;
	s6 =	sadd.s32 $0x3800, s8;
	s13 =	sand.u32 $0x1, s9  }
0xa: {  	s30 =	smul.u32 $0x50000, s3;
	s31 =	sshll.u32 s3, $0x6;
	_ =	strace $0x80000047  }
0xb: {  	s11 =	ssub.s32 $0x2, s13;
	p0 =	sne.s32 s13, $0x0;
	s10 =	sadd.s32 s7, s8  }
.Ltmp0:
0xc: {  	s7 =	sadd.s32 $0x5D800, s8;
	s12 =	sshrl.u32 s11, $0x1;
	(pc) =	sbr.rel .LBB2_1-.Ltmp0, $4  }
0xd: {  	s8 =	sadd.s32 $0x85800, s8;
	s9 =	sshrl.u32 s30, $0x2;
	s12 =	ssub.s32 s11, s12  }
0xe: {  	s14 =	sadd.s32 s9, s2;
	s9 =	sor.u32 $0x1C03, s31;
	s10 =	sadd.s32 $0x53800, s10  }
0xf: {  	s11 =	smul.u32 $0x2800, s3;
	s12 =	smax.u32 s12, $0x1;
	s13 =	sshrl.u32 s14, $0x3  }
0x10: {  	s14 =	simm.s32 $0x3;
	s16 =	sadd.s32 $0x40, s10;
	s18 =	sadd.s32 $0x20, s10  }
.LBB2_7:
0x11: {  	[sflag:s14] =	ssyncadd.s32 $0xFFFFC000;
	s26 =	smov.u32 s8  }
.LBB2_8:
0x12: {  	_ =	swait.ge [sflag:s21], $0x4000  }
0x13: {  	s25 =	sadd.s32 $0x1, s25;
	[sflag:s21] =	ssyncset.done $0x0  }
0x14: {  	p1 =	sne.s32 s25, s12;
	[sflag:s21] =	ssyncadd.s32 $0xFFFFC000  }
.Ltmp1:
0x15: {  	s26 =	sadd.s32 s26, s11;
	[bflag:$0x0] =	sbarrier.arrive $0xFFFF;
	(pc) =	sbr.rel @!p1 .LBB2_9-.Ltmp1, $4  }
0x16: {  	[hbm:s26], [sflag:s9] =	dma.local [spmem:s13], $0x2800  }
0x17: {  	_ =	swait.ge [sflag:s14], $0x2800  }
0x18: {  	[sflag:s14] =	ssyncset.done $0x0  }
0x19: {  	[sflag:s14] =	ssyncadd.s32 $0xFFFFD800  }
.LBB2_1:
0x1a: {  	[spmem:s13], [sflag:s9] =	dma.local [hbm:s1], $0x2800  }
0x1b: {  	_ =	swait.ge [sflag:s14], $0x2800  }
0x1c: {  	[sflag:s14] =	ssyncset.done $0x0  }
0x1d: {  	[sflag:s14] =	ssyncadd.s32 $0xFFFFD800  }
.Ltmp2:
0x1e: {  	[bflag:$0x0] =	sbarrier.arrive $0xFFFF;
	(pc) =	sbr.rel @p0 .LBB2_5-.Ltmp2, $4  }
0x1f: {  	[tilespmem:s15], [sflag:$0x3] =	stream.linear.gather [hbm4b:s10+s4], $0x100, $0x38;
	[tilespmem:$0x1C200] =	vst v63  }
0x20: {  	_ =	swait.ge [sflag:s14], $0x100  }
0x21: {  	[sflag:s14] =	ssyncset.done $0x0  }
0x22: {  	s26 =	simm.s32 $0x0;
	[sflag:s14] =	ssyncadd.s32 $0xFFFFFF00  }
0x23: {  	[tilespmem:s26], [sflag:$0x1] =	stream.indirect.gather [hbm4b:s5+s17], $0x80, s15, s17, $0xb8;
	[tilespmem:$0x1C200] =	vst v63  }
0x24: {  	_ = 	snop  }
0x25: {  	[tilespmem:s19], [sflag:$0x3] =	stream.linear.gather [hbm4b:s18+s4], $0x100, $0x38;
	[tilespmem:$0x1C200] =	vst v63  }
0x26: {  	_ =	swait.ge [sflag:s14], $0x100  }
0x27: {  	[sflag:s14] =	ssyncset.done $0x0  }
0x28: {  	[sflag:s14] =	ssyncadd.s32 $0xFFFFFF00  }
0x29: {  	[tilespmem:s20], [sflag:$0x2] =	stream.indirect.gather [hbm4b:s5+s17], $0x80, s19, s17, $0xb8;
	[tilespmem:$0x1C200] =	vst v63  }
0x2a: {  	_ =	swait.ge [sflag:s21], $0x4000  }
0x2b: {  	[sflag:s21] =	ssyncset.done $0x0  }
0x2c: {  	[sflag:s21] =	ssyncadd.s32 $0xFFFFC000  }
0x2d: {  	[spmem:s2] =	stream.indirect.scatter.add.f32 [tilespmem:s4], [sflag:$0x3], $0x80, s22, s17, $0xb8;
	[tilespmem:$0x1C200] =	vst v63  }
0x2e: {  	s31 =	smin.u32 s26, $0x4C;
	_ =	swait.ge [sflag:s14], $0x4000  }
0x2f: {  	s26 =	sshll.u32 s31, $0x5;
	[sflag:s14] =	ssyncset.done $0x0  }
0x30: {  	s26 =	sadd.s32 s26, s16;
	[sflag:s14] =	ssyncadd.s32 $0xFFFFC000  }
0x31: {  	[tilespmem:s15], [sflag:$0x3] =	stream.linear.gather [hbm4b:s26+s4], $0x100, $0x38;
	[tilespmem:$0x1C200] =	vst v63  }
0x32: {  	_ =	swait.ge [sflag:s14], $0x100  }
0x33: {  	[sflag:s14] =	ssyncset.done $0x0  }
0x34: {  	[sflag:s14] =	ssyncadd.s32 $0xFFFFFF00  }
0x35: {  	[tilespmem:s4], [sflag:$0x1] =	stream.indirect.gather [hbm4b:s5+s17], $0x80, s15, s17, $0xb8;
	[tilespmem:$0x1C200] =	vst v63  }
0x36: {  	_ =	swait.ge [sflag:s23], $0x4000  }
0x37: {  	[sflag:s23] =	ssyncset.done $0x0  }
0x38: {  	[sflag:s23] =	ssyncadd.s32 $0xFFFFC000  }
0x39: {  	[spmem:s2] =	stream.indirect.scatter.add.f32 [tilespmem:s20], [sflag:$0x3], $0x80, s24, s17, $0xb8;
	[tilespmem:$0x1C200] =	vst v63  }
0x3a: {  	_ =	swait.ge [sflag:s14], $0x4000  }
0x3b: {  	s28 =	smov.u32 s18;
	s26 =	simm.s32 $0x2;
	[sflag:s14] =	ssyncset.done $0x0  }
.LBB2_3:
0x3c: {  	p1 =	seq.s32 s26, $0x4E;
	[sflag:s14] =	ssyncadd.s32 $0xFFFFC000;
	s28 =	sadd.s32 $0x40, s28  }
0x3d: {  	[tilespmem:s19], [sflag:$0x3] =	stream.linear.gather [hbm4b:s28+s4], $0x100, $0x38;
	[tilespmem:$0x1C200] =	vst v63  }
0x3e: {  	s29 =	smov.u32 s26;
	s26 =	sadd.s32 $0x2, s26;
	_ =	swait.ge [sflag:s14], $0x100  }
0x3f: {  	[sflag:s14] =	ssyncset.done $0x0  }
0x40: {  	[sflag:s14] =	ssyncadd.s32 $0xFFFFFF00  }
0x41: {  	[tilespmem:s20], [sflag:$0x2] =	stream.indirect.gather [hbm4b:s5+s17], $0x80, s19, s17, $0xb8;
	[tilespmem:$0x1C200] =	vst v63  }
0x42: {  	_ =	swait.ge [sflag:s21], $0x4000  }
0x43: {  	[sflag:s21] =	ssyncset.done $0x0  }
0x44: {  	[sflag:s21] =	ssyncadd.s32 $0xFFFFC000  }
0x45: {  	[spmem:s2] =	stream.indirect.scatter.add.f32 [tilespmem:s4], [sflag:$0x3], $0x80, s22, s17, $0xb8;
	[tilespmem:$0x1C200] =	vst v63  }
0x46: {  	s29 =	smin.u32 s29, $0x4C;
	_ =	swait.ge [sflag:s14], $0x4000  }
0x47: {  	s29 =	sshll.u32 s29, $0x5;
	[sflag:s14] =	ssyncset.done $0x0  }
0x48: {  	s29 =	sadd.s32 s29, s16;
	[sflag:s14] =	ssyncadd.s32 $0xFFFFC000  }
0x49: {  	[tilespmem:s15], [sflag:$0x3] =	stream.linear.gather [hbm4b:s29+s4], $0x100, $0x38;
	[tilespmem:$0x1C200] =	vst v63  }
0x4a: {  	_ =	swait.ge [sflag:s14], $0x100  }
0x4b: {  	[sflag:s14] =	ssyncset.done $0x0  }
0x4c: {  	[sflag:s14] =	ssyncadd.s32 $0xFFFFFF00  }
0x4d: {  	[tilespmem:s4], [sflag:$0x1] =	stream.indirect.gather [hbm4b:s5+s17], $0x80, s15, s17, $0xb8;
	[tilespmem:$0x1C200] =	vst v63  }
0x4e: {  	_ =	swait.ge [sflag:s23], $0x4000  }
.Ltmp3:
0x4f: {  	[sflag:s23] =	ssyncset.done $0x0;
	(pc) =	sbr.rel @!p1 .LBB2_3-.Ltmp3, $4  }
0x50: {  	[sflag:s23] =	ssyncadd.s32 $0xFFFFC000  }
0x51: {  	[spmem:s2] =	stream.indirect.scatter.add.f32 [tilespmem:s20], [sflag:$0x3], $0x80, s24, s17, $0xb8;
	[tilespmem:$0x1C200] =	vst v63  }
0x52: {  	_ =	swait.ge [sflag:s14], $0x4000  }
0x53: {  	[sflag:s14] =	ssyncset.done $0x0  }
.Ltmp4:
0x54: {  	(pc) =	sbr.rel .LBB2_8-.Ltmp4, $2  }
0x55: {  	_ =	sdelay $0x2  }
0x56: {  	[sflag:s14] =	ssyncadd.s32 $0xFFFFC000;
	s26 =	smov.u32 s7  }
.LBB2_5:
0x57: {  	[tilespmem:s26], [sflag:$0x1] =	stream.indirect.gather [hbm4b:s6+s17], $0x80, s15, s17, $0xb8;
	[tilespmem:$0x1C200] =	vst v63  }
0x58: {  	_ = 	snop  }
0x59: {  	[tilespmem:s19], [sflag:$0x3] =	stream.linear.gather [hbm4b:s18+s4], $0x100, $0x38;
	[tilespmem:$0x1C200] =	vst v63  }
0x5a: {  	_ =	swait.ge [sflag:s14], $0x100  }
0x5b: {  	[sflag:s14] =	ssyncset.done $0x0  }
0x5c: {  	[sflag:s14] =	ssyncadd.s32 $0xFFFFFF00  }
0x5d: {  	[tilespmem:s20], [sflag:$0x2] =	stream.indirect.gather [hbm4b:s6+s17], $0x80, s19, s17, $0xb8;
	[tilespmem:$0x1C200] =	vst v63  }
0x5e: {  	_ =	swait.ge [sflag:s21], $0x4000  }
0x5f: {  	[sflag:s21] =	ssyncset.done $0x0  }
0x60: {  	[sflag:s21] =	ssyncadd.s32 $0xFFFFC000  }
0x61: {  	[spmem:s2] =	stream.indirect.scatter.add.f32 [tilespmem:s4], [sflag:$0x3], $0x80, s22, s17, $0xb8;
	[tilespmem:$0x1C200] =	vst v63  }
0x62: {  	s31 =	smin.u32 s26, $0x4C;
	_ =	swait.ge [sflag:s14], $0x4000  }
0x63: {  	s26 =	sshll.u32 s31, $0x5;
	[sflag:s14] =	ssyncset.done $0x0  }
0x64: {  	s26 =	sadd.s32 s26, s16;
	[sflag:s14] =	ssyncadd.s32 $0xFFFFC000  }
0x65: {  	[tilespmem:s15], [sflag:$0x3] =	stream.linear.gather [hbm4b:s26+s4], $0x100, $0x38;
	[tilespmem:$0x1C200] =	vst v63  }
0x66: {  	_ =	swait.ge [sflag:s14], $0x100  }
0x67: {  	[sflag:s14] =	ssyncset.done $0x0  }
0x68: {  	[sflag:s14] =	ssyncadd.s32 $0xFFFFFF00  }
0x69: {  	[tilespmem:s4], [sflag:$0x1] =	stream.indirect.gather [hbm4b:s6+s17], $0x80, s15, s17, $0xb8;
	[tilespmem:$0x1C200] =	vst v63  }
0x6a: {  	_ =	swait.ge [sflag:s23], $0x4000  }
0x6b: {  	[sflag:s23] =	ssyncset.done $0x0  }
0x6c: {  	[sflag:s23] =	ssyncadd.s32 $0xFFFFC000  }
0x6d: {  	[spmem:s2] =	stream.indirect.scatter.add.f32 [tilespmem:s20], [sflag:$0x3], $0x80, s24, s17, $0xb8;
	[tilespmem:$0x1C200] =	vst v63  }
0x6e: {  	_ =	swait.ge [sflag:s14], $0x4000  }
0x6f: {  	s28 =	smov.u32 s18;
	s26 =	simm.s32 $0x2;
	[sflag:s14] =	ssyncset.done $0x0  }
.LBB2_6:
0x70: {  	p1 =	sne.s32 s26, $0x4E;
	[sflag:s14] =	ssyncadd.s32 $0xFFFFC000;
	s28 =	sadd.s32 $0x40, s28  }
0x71: {  	[tilespmem:s19], [sflag:$0x3] =	stream.linear.gather [hbm4b:s28+s4], $0x100, $0x38;
	[tilespmem:$0x1C200] =	vst v63  }
0x72: {  	s29 =	smov.u32 s26;
	s26 =	sadd.s32 $0x2, s26;
	_ =	swait.ge [sflag:s14], $0x100  }
0x73: {  	[sflag:s14] =	ssyncset.done $0x0  }
0x74: {  	[sflag:s14] =	ssyncadd.s32 $0xFFFFFF00  }
0x75: {  	[tilespmem:s20], [sflag:$0x2] =	stream.indirect.gather [hbm4b:s6+s17], $0x80, s19, s17, $0xb8;
	[tilespmem:$0x1C200] =	vst v63  }
0x76: {  	_ =	swait.ge [sflag:s21], $0x4000  }
0x77: {  	[sflag:s21] =	ssyncset.done $0x0  }
0x78: {  	[sflag:s21] =	ssyncadd.s32 $0xFFFFC000  }
0x79: {  	[spmem:s2] =	stream.indirect.scatter.add.f32 [tilespmem:s4], [sflag:$0x3], $0x80, s22, s17, $0xb8;
	[tilespmem:$0x1C200] =	vst v63  }
0x7a: {  	s29 =	smin.u32 s29, $0x4C;
	_ =	swait.ge [sflag:s14], $0x4000  }
0x7b: {  	s29 =	sshll.u32 s29, $0x5;
	[sflag:s14] =	ssyncset.done $0x0  }
0x7c: {  	s29 =	sadd.s32 s29, s16;
	[sflag:s14] =	ssyncadd.s32 $0xFFFFC000  }
0x7d: {  	[tilespmem:s15], [sflag:$0x3] =	stream.linear.gather [hbm4b:s29+s4], $0x100, $0x38;
	[tilespmem:$0x1C200] =	vst v63  }
0x7e: {  	_ =	swait.ge [sflag:s14], $0x100  }
0x7f: {  	[sflag:s14] =	ssyncset.done $0x0  }
0x80: {  	[sflag:s14] =	ssyncadd.s32 $0xFFFFFF00  }
0x81: {  	[tilespmem:s4], [sflag:$0x1] =	stream.indirect.gather [hbm4b:s6+s17], $0x80, s15, s17, $0xb8;
	[tilespmem:$0x1C200] =	vst v63  }
0x82: {  	_ =	swait.ge [sflag:s23], $0x4000  }
.Ltmp5:
0x83: {  	[sflag:s23] =	ssyncset.done $0x0;
	(pc) =	sbr.rel @p1 .LBB2_6-.Ltmp5, $4  }
0x84: {  	[sflag:s23] =	ssyncadd.s32 $0xFFFFC000  }
0x85: {  	[spmem:s2] =	stream.indirect.scatter.add.f32 [tilespmem:s20], [sflag:$0x3], $0x80, s24, s17, $0xb8;
	[tilespmem:$0x1C200] =	vst v63  }
0x86: {  	_ =	swait.ge [sflag:s14], $0x4000  }
0x87: {  	[sflag:s14] =	ssyncset.done $0x0  }
.Ltmp6:
0x88: {  	_ = 	snop;
	(pc) =	sbr.rel .LBB2_7-.Ltmp6, $1  }
0x89: {  	_ =	sdelay $0x3  }
.LBB2_9:
0x8a: {  	_ =	sfence.sel $0x180000  }
0x8b: {  	[bflag:$0x0] =	sbarrier.arrive $0xFFFF  }
0x8c: {  	p0 =	sne.s32 s3, $0x0;
	_ =	strace $0x90000047  }
0x8d: {  	s0 =	sadd.s32 @!p0 $0x100000, s0;
	[bflag:$0x2] =	sbarrier.arrive $0xFFFF  }
0x8e: {  	[sflag:s0] =	ssyncadd.tile.s32 @!p0 $0x1;
	_ =	shalt  }
.Lfunc_end2:
_tile_overlayer_lowered:
.L_overlay_start_2:
0x8f: {  	(tag) =	ssettag $0x2  }
0x90: {  	s0 =	rddreg [dreg:$0x0];
	s2 =	stileid.u32  }
0x91: {  	s1 =	rddreg [dreg:$0x1];
	p0 =	sne.s32 s2, $0x0  }
0x92: {  	s3 =	rddreg [dreg:$0x2];
	[bflag:$0x3] =	sbarrier.arrive $0xFFFF;
	s2 =	simm.s32 @!p0 $0x1C03  }
0x93: {  	[timem:s3], [sflag:s2] =	dma.local @!p0 [hbm:s0], s1  }
0x94: {  	s0 =	simm.s32 @!p0 $0x3  }
0x95: {  	_ =	swait.ge @!p0 [sflag:s0], s1  }
0x96: {  	s1 =	ssub.s32 @!p0 $0x0, s1;
	[sflag:s0] =	ssyncset.done @!p0 $0x0  }
0x97: {  	[sflag:s0] =	ssyncadd.s32 @!p0 s1  }
0x98: {  	[bflag:$0x3] =	sbarrier.arrive $0xFFFF  }
0x99: {  	_ =	shalt  }

// kernel: kernel.13.cloned.1.call-start
scs
__scs_entry_jumppad:
0x0: {  	(pc) =	sbr.rel $0x88, $3  }
0x1: {  	(tag) =	ssettag $0x0;
	lr =	simm.s32 $0x1  }
0x2: {  	[smem:$0x3F97] =	sst lr;
	_ =	strace $0xD0000000  }
0x3: {  	_ = 	snop  }
0x4: {  	_ = 	snop  }
0x5: {  	_ = 	snop  }
0x6: {  	_ = 	snop  }
0x7: {  	_ = 	snop  }
__scs_overlays_trampoline_lowered:
0x8: {  	[smem:$0x3FA6] =	sst s0  }
0x9: {  	[smem:$0x3FA7] =	sst s1  }
0xa: {  	[smem:$0x3FA8] =	sst s2  }
0xb: {  	[smem:$0x3FA9] =	sst s3  }
0xc: {  	[smem:$0x3FAA] =	sst s4  }
0xd: {  	[smem:$0x3FAB] =	sst s5  }
0xe: {  	[smem:$0x3FAC] =	sst s6  }
0xf: {  	[smem:$0x3FAD] =	sst s7  }
0x10: {  	[smem:$0x3FAE] =	sst s8  }
0x11: {  	[smem:$0x3FAF] =	sst s9;
	s0 =	simm.s32 @!p0 $0x0  }
0x12: {  	s1 =	sld [smem:$0x3F95];
	s0 =	simm.s32 @p0 $0x1  }
0x13: {  	[smem:$0x3FB0] =	sst s0;
	s0 =	simm.s32 @!p1 $0x0  }
0x14: {  	s2 =	sld [smem:$0x3F94];
	s0 =	simm.s32 @p1 $0x1  }
0x15: {  	[smem:$0x3FB1] =	sst s0;
	s0 =	simm.s32 @!p2 $0x0  }
0x16: {  	s3 =	sld [smem:$0x3FDB];
	s0 =	simm.s32 @p2 $0x1  }
0x17: {  	s4 =	simm.s32 $0x1BF5;
	[smem:$0x3FB3] =	sst s0  }
0x18: {  	s0 =	sld [smem:$0x3F96];
	_ =	swait.ge [sflag:s4], $0x0  }
0x19: {  	s7 =	sld [smem:$0x3F97]  }
0x1a: {  	s8 =	sadd.s32 $0xFFFFE003, lr  }
0x1b: {  	s9 =	sadd.s32 $0xFFFFFEF7, lr;
	s5 =	simm.s32 $0xFFFFFFFF;
	p2 =	slt.u32 s8, $0xFFFFF086  }
0x1c: {  	p1 =	slt.u32 s9, $0xF7A;
	s5 =	simm.s32 @!p2 $0x0  }
0x1d: {  	s5 =	simm.s32 @p1 $0x1;
	p0 =	seq.s32 s7, s2  }
0x1e: {  	s7 =	smul.u32 @!p0 $0xF7A, s2;
	p2 =	seq.s32 @!p0 s5, $0x0  }
0x1f: {  	s9 =	smul.u32 $0xF7A, s1;
	s8 =	simm.s32 @!p0 $0x1BF5;
	p2 =	por !p2, p0  }
0x20: {  	[sflag:s8] =	ssyncset.s32 @!p0 $0xFFFFF086;
	s6 =	sadd.s32 @!p0 s3, s7;
	s7 =	simm.s32 @!p0 $0x108  }
0x21: {  	s3 =	sadd.s32 s3, s9;
	s6 =	sadd.s32 @!p0 $0x88, s6;
	s7 =	simm.s32 @p2 $0x1082  }
0x22: {  	[simem:s7], [sflag:s8] =	dma.local @!p0 [hbm:s6], $0xF7A  }
0x23: {  	s9 =	sor.u32 $0xD0000000, s2;
	s6 =	simm.s32 $0x108;
	_ =	swait.ge @!p0 [sflag:s8], $0x0  }
0x24: {  	s3 =	sadd.s32 $0x88, s3;
	s6 =	simm.s32 @!p1 $0x1082;
	[sflag:s4] =	ssyncset.s32 $0xFFFFF086  }
0x25: {  	[simem:s6], [sflag:s4] =	dma.local [hbm:s3], $0xF7A  }
0x26: {  	[smem:$0x3F97] =	sst s1;
	(tag) =	ssettag s2;
	_ =	strace s9  }
0x27: {  	s1 =	sld [smem:$0x3FA7]  }
0x28: {  	s2 =	sld [smem:$0x3FA8]  }
0x29: {  	s4 =	sld [smem:$0x3FAA]  }
0x2a: {  	p0 =	seq.s32 s5, $0x0;
	s5 =	sld [smem:$0x3FAB]  }
0x2b: {  	s6 =	sld [smem:$0x3FAC]  }
0x2c: {  	s7 =	sld [smem:$0x3FAD]  }
0x2d: {  	s3 =	simm.s32 $0x108;
	s8 =	sld [smem:$0x3FAE]  }
0x2e: {  	s3 =	simm.s32 @!p0 $0x1082;
	s9 =	sld [smem:$0x3FAF]  }
0x2f: {  	lr =	sadd.s32 s0, s3;
	s0 =	sld [smem:$0x3FA6]  }
0x30: {  	s3 =	sld [smem:$0x3FA9]  }
0x31: {  	[smem:$0x3FB2] =	sst s10  }
0x32: {  	s10 =	sld [smem:$0x3FB0];
	_ =	sdelay $0x3  }
0x33: {  	p0 =	seq.s32 s10, $0x1;
	s10 =	sld [smem:$0x3FB2];
	_ =	sdelay $0x3  }
0x34: {  	[smem:$0x3FB2] =	sst s10  }
0x35: {  	s10 =	sld [smem:$0x3FB1];
	_ =	sdelay $0x3  }
0x36: {  	p1 =	seq.s32 s10, $0x1;
	s10 =	sld [smem:$0x3FB2];
	_ =	sdelay $0x3  }
0x37: {  	[smem:$0x3FB2] =	sst s10  }
0x38: {  	s10 =	sld [smem:$0x3FB3]  }
0x39: {  	_ = 	snop;
	(pc) =	sbr.ind lr, $3  }
0x3a: {  	_ = 	snop  }
0x3b: {  	_ = 	snop  }
0x3c: {  	p2 =	seq.s32 s10, $0x1;
	s10 =	sld [smem:$0x3FB2]  }
0x3d: {  	_ =	shalt  }
0x3e: {  	_ =	shalt  }
0x3f: {  	_ =	shalt  }
0x40: {  	_ =	shalt  }
0x41: {  	_ =	shalt  }
0x42: {  	_ =	shalt  }
0x43: {  	_ =	shalt  }
0x44: {  	_ =	shalt  }
0x45: {  	_ =	shalt  }
0x46: {  	_ =	shalt  }
0x47: {  	_ =	shalt  }
0x48: {  	_ =	shalt  }
0x49: {  	_ =	shalt  }
0x4a: {  	_ =	shalt  }
0x4b: {  	_ =	shalt  }
0x4c: {  	_ =	shalt  }
0x4d: {  	_ =	shalt  }
0x4e: {  	_ =	shalt  }
0x4f: {  	_ =	shalt  }
0x50: {  	_ =	shalt  }
0x51: {  	_ =	shalt  }
0x52: {  	_ =	shalt  }
0x53: {  	_ =	shalt  }
0x54: {  	_ =	shalt  }
0x55: {  	_ =	shalt  }
0x56: {  	_ =	shalt  }
0x57: {  	_ =	shalt  }
0x58: {  	_ =	shalt  }
0x59: {  	_ =	shalt  }
0x5a: {  	_ =	shalt  }
0x5b: {  	_ =	shalt  }
0x5c: {  	_ =	shalt  }
0x5d: {  	_ =	shalt  }
0x5e: {  	_ =	shalt  }
0x5f: {  	_ =	shalt  }
0x60: {  	_ =	shalt  }
0x61: {  	_ =	shalt  }
0x62: {  	_ =	shalt  }
0x63: {  	_ =	shalt  }
0x64: {  	_ =	shalt  }
0x65: {  	_ =	shalt  }
0x66: {  	_ =	shalt  }
0x67: {  	_ =	shalt  }
0x68: {  	_ =	shalt  }
0x69: {  	_ =	shalt  }
0x6a: {  	_ =	shalt  }
0x6b: {  	_ =	shalt  }
0x6c: {  	_ =	shalt  }
0x6d: {  	_ =	shalt  }
0x6e: {  	_ =	shalt  }
0x6f: {  	_ =	shalt  }
0x70: {  	_ =	shalt  }
0x71: {  	_ =	shalt  }
0x72: {  	_ =	shalt  }
0x73: {  	_ =	shalt  }
0x74: {  	_ =	shalt  }
0x75: {  	_ =	shalt  }
0x76: {  	_ =	shalt  }
0x77: {  	_ =	shalt  }
0x78: {  	_ =	shalt  }
0x79: {  	_ =	shalt  }
0x7a: {  	_ =	shalt  }
0x7b: {  	_ =	shalt  }
0x7c: {  	_ =	shalt  }
0x7d: {  	_ =	shalt  }
0x7e: {  	_ =	shalt  }
0x7f: {  	_ =	shalt  }
0x80: {  	_ =	shalt  }
0x81: {  	_ =	shalt  }
0x82: {  	_ =	shalt  }
0x83: {  	_ =	shalt  }
0x84: {  	_ =	shalt  }
0x85: {  	_ =	shalt  }
0x86: {  	_ =	shalt  }
0x87: {  	_ =	shalt  }
.Lfunc_end0:
.L_simem_size_0:
called_computation.2_lowered:
.L_overlay_start_0:
0x88: {  	s2 =	sld [smem:$0x3FD9]  }
0x89: {  	s3 =	sld [smem:$0x3FFE];
	_ =	sdelay $0x1  }
0x8a: {  	s1 =	srdreg.scid  }
0x8b: {  	s0 =	sand.u32 $0x1, s1  }
0x8c: {  	s17 =	sshll.u32 s0, $0xA;
	s2 =	sadd.s32 s3, s2  }
0x8d: {  	s2 =	sadd.s32 s2, s17  }
0x8e: {  	[smem:$0x3FBE] =	sst s2  }
0x8f: {  	_ = 	snop  }
0x90: {  	s2 =	sld [smem:$0x3FD0];
	(tm) =	ssettm $0x1  }
0x91: {  	s18 =	sld [smem:$0x3FFB];
	_ =	sdelay $0x3  }
0x92: {  	_ =	strace s18  }
0x93: {  	s3 =	sld [smem:$0x3FFC];
	_ =	sdelay $0x3  }
0x94: {  	_ =	strace s3  }
0x95: {  	s3 =	sld [smem:$0x3FFD];
	_ =	sdelay $0x3  }
0x96: {  	_ =	strace s3  }
0x97: {  	_ =	strace $0x8FFFFFFF  }
0x98: {  	s19 =	sld [smem:$0x3FDB];
	_ =	sdelay $0x1  }
0x99: {  	s4 =	simm.s32 $_scs_section_size  }
0x9a: {  	s5 =	simm.s32 $_size__tile_overlayer_lowered;
	s6 =	simm.s32 $_tile_overlayer_lowered  }
0x9b: {  	s22 =	simm.s32 $0x1BFF;
	s21 =	sshll.u32 s6, $0x1;
	s3 =	sadd.s32 s4, s19  }
0x9c: {  	s7 =	simm.s32 $0x0;
	s20 =	sshll.u32 s5, $0x1;
	s5 =	sadd.s32 s21, s3  }
0x9d: {  	[timem:s7], [sflag:s22] =	dma.local [hbm:s5], s20  }
0x9e: {  	_ =	swait.ge [sflag:s22], s20  }
0x9f: {  	s4 =	ssub.s32 $0x0, s20;
	[sflag:s22] =	ssyncset.done $0x0  }
0xa0: {  	[sflag:s22] =	ssyncadd.s32 s4;
	_ =	sdelay $0x1  }
0xa1: {  	s23 =	simm.s32 $0x1B8B  }
0xa2: {  	_ =	swait.ge [sflag:s23], $0x1  }
0xa3: {  	[sflag:s23] =	ssyncset.done $0x0  }
0xa4: {  	s25 =	simm.s32 $0x1B8E;
	s24 =	sld [smem:$0x3FFE];
	[sflag:s23] =	ssyncadd.s32 $0xFFFFFFFF  }
0xa5: {  	s26 =	simm.s32 $execute0_lowered;
	[smem:$0x3FD2] =	sst s25  }
0xa6: {  	s5 =	sshll.u32 s26, $0x1;
	_ =	strace $0x8000004C;
	[dreg:$0x1] =	wrdreg $0xFFFFFFFF  }
0xa7: {  	s28 =	simm.s32 $_size_execute0_lowered;
	s3 =	sadd.s32 s3, s5;
	[dreg:$0x0] =	wrdreg $0x0  }
0xa8: {  	s5 =	sshll.u32 s28, $0x1;
	[dreg:$0x2] =	wrdreg s3  }
0xa9: {  	[dreg:$0x3] =	wrdreg s5  }
0xaa: {  	[dreg:$0x4] =	wrdreg $0xC0  }
0xab: {  	_ =	task [dreg:s7], $0x5FFFF  }
0xac: {  	[dreg:$0x1] =	wrdreg $0xFFFFFFFF  }
0xad: {  	[dreg:$0x0] =	wrdreg $0x60  }
0xae: {  	[dreg:$0x2] =	wrdreg s24  }
0xaf: {  	[dreg:$0x3] =	wrdreg s2  }
0xb0: {  	[dreg:$0x4] =	wrdreg $0x82000  }
0xb1: {  	[dreg:$0x5] =	wrdreg $0x9  }
0xb2: {  	_ =	task.clear_ibuf [dreg:s7], $0x6FFFF;
	_ =	strace $0x9000004C  }
0xb3: {  	s29 =	simm.s32 $0x9;
	_ =	strace $0x8000004E  }
0xb4: {  	_ =	swait.ge [sflag:s29], $0x1  }
0xb5: {  	[sflag:s29] =	ssyncadd.s32 $0xFFFFFFFF  }
0xb6: {  	_ =	strace $0x9000004E  }
0xb7: {  	_ =	sfence  }
0xb8: {  	s30 =	sld [smem:$0x0];
	_ =	sdelay $0x2  }
0xb9: {  	s31 =	sshll.u32 s1, $0xD;
	s1 =	sshrl.u32 s1, $0x2  }
0xba: {  	s3 =	sand.u32 $0x4000, s31;
	s1 =	sadd.s32 s1, s30  }
0xbb: {  	s0 =	sor.u32 s3, s0;
	s1 =	sshll.u32 s1, $0x11  }
0xbc: {  	s0 =	sor.u32 s1, s0  }
0xbd: {  	s0 =	sadd.s32 $0x8F2B, s0  }
0xbe: {  	[sflag:s0] =	ssyncadd.remote.s32 $0x1  }
0xbf: {  	_ =	sfence.sel $0xFFFF  }
0xc0: {  	[dreg:$0x0] =	wrdreg $0xFFFFFFFF;
	(pc) =	sbr.abs _section_cstart, $3  }
0xc1: {  	[dreg:$0x1] =	wrdreg $0xFFFFFFFF  }
0xc2: {  	_ =	task.clear_ibuf [dreg:s7], $0x2FFFF;
	_ =	strace $0x9FFFFFFF  }
0xc3: {  	(tm) =	ssettm $0x7FFFFFFF  }
tec
execute0_lowered:
.L_overlay_start_1:
0x0: {  	(tag) =	ssettag $0x1  }
0x1: {  	s0 =	rddreg [dreg:$0x0]  }
0x2: {  	s1 =	rddreg [dreg:$0x1]  }
0x3: {  	s2 =	rddreg [dreg:$0x2];
	s3 =	simm.s32 $0x0;
	s18 =	stileid.u32  }
0x4: {  	s10 =	srdreg.scid;
	s19 =	simm.s32 $0x8000;
	s21 =	simm.s32 $0x80  }
0x5: {  	s23 =	simm.s32 $0x8100;
	s28 =	simm.s32 $0x2;
	s29 =	simm.s32 $0x8180  }
0x6: {  	s30 =	simm.s32 $0x0;
	[smem:$0x7FF] =	sst s3;
	s5 =	sadd.s32 $0x3800, s0  }
0x7: {  	s6 =	sadd.s32 $0x2B800, s0;
	s7 =	sadd.s32 $0x5D800, s0;
	s4 =	smul.u32 $0xA00, s18  }
0x8: {  	s8 =	sadd.s32 $0x85800, s0;
	s9 =	smul.u32 $0x2800, s18;
	s12 =	sand.u32 $0x1, s10  }
0x9: {  	s14 =	smul.u32 $0x50000, s18;
	s24 =	sadd.s32 $0x14E000, s0;
	s11 =	sadd.s32 $0x176000, s0  }
0xa: {  	s31 =	sshll.u32 s18, $0x6;
	s18 =	simm.s32 $0x3;
	_ =	strace $0x8000004D  }
0xb: {  	s13 =	ssub.s32 $0x2, s12;
	[dreg:$0x4] =	wrdreg s24;
	p0 =	seq.s32 s12, $0x1  }
0xc: {  	s24 =	simm.s32 $0x4000;
	s4 =	sadd.s32 s4, s0;
	s15 =	sadd.s32 s9, s0  }
.Ltmp0:
0xd: {  	s16 =	sshrl.u32 s13, $0x1;
	s26 =	sshrl.u32 s14, $0x2;
	(pc) =	sbr.rel .LBB2_1-.Ltmp0, $4  }
0xe: {  	s25 =	ssub.s32 s13, s16;
	s17 =	sadd.s32 s26, s2;
	s12 =	sadd.s32 $0x53800, s4  }
0xf: {  	s13 =	sadd.s32 $0xFE000, s15;
	s14 =	sadd.s32 $0x126000, s15;
	s16 =	sor.u32 $0x1C03, s31  }
0x10: {  	s26 =	simm.s32 $0x8080;
	s15 =	smax.u32 s25, $0x1;
	s17 =	sshrl.u32 s17, $0x3  }
0x11: {  	s20 =	sadd.s32 $0x40, s12;
	s22 =	sadd.s32 $0x20, s12;
	s25 =	simm.s32 $0x1  }
.LBB2_11:
0x12: {  	[sflag:s18] =	ssyncadd.s32 $0xFFFFC000;
	s0 =	smov.u32 s11  }
.LBB2_12:
0x13: {  	_ =	swait.ge [sflag:s25], $0x4000  }
0x14: {  	[sflag:s25] =	ssyncset.done $0x0  }
0x15: {  	s30 =	sadd.s32 $0x1, s30;
	[sflag:s25] =	ssyncadd.s32 $0xFFFFC000  }
0x16: {  	s0 =	sadd.s32 s0, s9;
	p1 =	sne.s32 s30, s15;
	[bflag:$0x0] =	sbarrier.arrive $0xFFFF  }
0x17: {  	[hbm:s0], [sflag:s16] =	dma.local [spmem:s17], $0x2800  }
.Ltmp1:
0x18: {  	_ =	swait.ge [sflag:s18], $0x2800;
	(pc) =	sbr.rel @!p1 .LBB2_13-.Ltmp1, $3  }
0x19: {  	[sflag:s18] =	ssyncset.done $0x0  }
0x1a: {  	[sflag:s18] =	ssyncadd.s32 $0xFFFFD800  }
0x1b: {  	[bflag:$0x0] =	sbarrier.arrive $0xFFFF;
	_ =	sdelay $0x1  }
.LBB2_1:
0x1c: {  	[spmem:s17], [sflag:s16] =	dma.local [hbm:s1], $0x2800  }
0x1d: {  	_ =	swait.ge [sflag:s18], $0x2800  }
0x1e: {  	[sflag:s18] =	ssyncset.done $0x0  }
0x1f: {  	[sflag:s18] =	ssyncadd.s32 $0xFFFFD800  }
.Ltmp2:
0x20: {  	[bflag:$0x0] =	sbarrier.arrive $0xFFFF;
	(pc) =	sbr.rel @!p0 .LBB2_2-.Ltmp2, $4  }
0x21: {  	[tilespmem:s19], [sflag:$0x3] =	stream.linear.gather [hbm4b:s12+s3], $0x100, $0x38;
	[tilespmem:$0x1C200] =	vst v63  }
0x22: {  	_ =	swait.ge [sflag:s18], $0x100  }
0x23: {  	[sflag:s18] =	ssyncset.done $0x0  }
0x24: {  	s0 =	simm.s32 $0x0;
	[sflag:s18] =	ssyncadd.s32 $0xFFFFFF00  }
0x25: {  	[tilespmem:s0], [sflag:$0x1] =	stream.indirect.gather [hbm4b:s6+s21], $0x80, s19, s21, $0xb8;
	[tilespmem:$0x1C200] =	vst v63  }
0x26: {  	_ = 	snop  }
0x27: {  	[tilespmem:s23], [sflag:$0x3] =	stream.linear.gather [hbm4b:s22+s3], $0x100, $0x38;
	[tilespmem:$0x1C200] =	vst v63  }
0x28: {  	_ =	swait.ge [sflag:s18], $0x100  }
0x29: {  	[sflag:s18] =	ssyncset.done $0x0  }
0x2a: {  	[sflag:s18] =	ssyncadd.s32 $0xFFFFFF00  }
0x2b: {  	[tilespmem:s24], [sflag:$0x2] =	stream.indirect.gather [hbm4b:s6+s21], $0x80, s23, s21, $0xb8;
	[tilespmem:$0x1C200] =	vst v63  }
0x2c: {  	_ =	swait.ge [sflag:s25], $0x4000  }
0x2d: {  	[sflag:s25] =	ssyncset.done $0x0  }
0x2e: {  	[sflag:s25] =	ssyncadd.s32 $0xFFFFC000  }
0x2f: {  	[spmem:s2] =	stream.indirect.scatter.add.f32 [tilespmem:s3], [sflag:$0x3], $0x80, s26, s21, $0xb8;
	[tilespmem:$0x1C200] =	vst v63  }
0x30: {  	s31 =	smin.u32 s0, $0x4C;
	_ =	swait.ge [sflag:s18], $0x4000  }
0x31: {  	s0 =	sshll.u32 s31, $0x5;
	[sflag:s18] =	ssyncset.done $0x0  }
0x32: {  	s0 =	sadd.s32 s0, s20;
	[sflag:s18] =	ssyncadd.s32 $0xFFFFC000  }
0x33: {  	[tilespmem:s19], [sflag:$0x3] =	stream.linear.gather [hbm4b:s0+s3], $0x100, $0x38;
	[tilespmem:$0x1C200] =	vst v63  }
0x34: {  	_ =	swait.ge [sflag:s18], $0x100  }
0x35: {  	[sflag:s18] =	ssyncset.done $0x0  }
0x36: {  	[sflag:s18] =	ssyncadd.s32 $0xFFFFFF00  }
0x37: {  	[tilespmem:s3], [sflag:$0x1] =	stream.indirect.gather [hbm4b:s6+s21], $0x80, s19, s21, $0xb8;
	[tilespmem:$0x1C200] =	vst v63  }
0x38: {  	_ =	swait.ge [sflag:s28], $0x4000  }
0x39: {  	[sflag:s28] =	ssyncset.done $0x0  }
0x3a: {  	[sflag:s28] =	ssyncadd.s32 $0xFFFFC000  }
0x3b: {  	[spmem:s2] =	stream.indirect.scatter.add.f32 [tilespmem:s24], [sflag:$0x3], $0x80, s29, s21, $0xb8;
	[tilespmem:$0x1C200] =	vst v63  }
0x3c: {  	_ =	swait.ge [sflag:s18], $0x4000  }
0x3d: {  	s4 =	smov.u32 s22;
	s0 =	simm.s32 $0x2;
	[sflag:s18] =	ssyncset.done $0x0  }
.LBB2_8:
0x3e: {  	p1 =	sne.s32 s0, $0x4E;
	[sflag:s18] =	ssyncadd.s32 $0xFFFFC000;
	s4 =	sadd.s32 $0x40, s4  }
0x3f: {  	[tilespmem:s23], [sflag:$0x3] =	stream.linear.gather [hbm4b:s4+s3], $0x100, $0x38;
	[tilespmem:$0x1C200] =	vst v63  }
0x40: {  	s10 =	smov.u32 s0;
	s0 =	sadd.s32 $0x2, s0;
	_ =	swait.ge [sflag:s18], $0x100  }
0x41: {  	[sflag:s18] =	ssyncset.done $0x0  }
0x42: {  	[sflag:s18] =	ssyncadd.s32 $0xFFFFFF00  }
0x43: {  	[tilespmem:s24], [sflag:$0x2] =	stream.indirect.gather [hbm4b:s6+s21], $0x80, s23, s21, $0xb8;
	[tilespmem:$0x1C200] =	vst v63  }
0x44: {  	_ =	swait.ge [sflag:s25], $0x4000  }
0x45: {  	[sflag:s25] =	ssyncset.done $0x0  }
0x46: {  	[sflag:s25] =	ssyncadd.s32 $0xFFFFC000  }
0x47: {  	[spmem:s2] =	stream.indirect.scatter.add.f32 [tilespmem:s3], [sflag:$0x3], $0x80, s26, s21, $0xb8;
	[tilespmem:$0x1C200] =	vst v63  }
0x48: {  	s10 =	smin.u32 s10, $0x4C;
	_ =	swait.ge [sflag:s18], $0x4000  }
0x49: {  	s10 =	sshll.u32 s10, $0x5;
	[sflag:s18] =	ssyncset.done $0x0  }
0x4a: {  	s10 =	sadd.s32 s10, s20;
	[sflag:s18] =	ssyncadd.s32 $0xFFFFC000  }
0x4b: {  	[tilespmem:s19], [sflag:$0x3] =	stream.linear.gather [hbm4b:s10+s3], $0x100, $0x38;
	[tilespmem:$0x1C200] =	vst v63  }
0x4c: {  	_ =	swait.ge [sflag:s18], $0x100  }
0x4d: {  	[sflag:s18] =	ssyncset.done $0x0  }
0x4e: {  	[sflag:s18] =	ssyncadd.s32 $0xFFFFFF00  }
0x4f: {  	[tilespmem:s3], [sflag:$0x1] =	stream.indirect.gather [hbm4b:s6+s21], $0x80, s19, s21, $0xb8;
	[tilespmem:$0x1C200] =	vst v63  }
0x50: {  	_ =	swait.ge [sflag:s28], $0x4000  }
.Ltmp3:
0x51: {  	[sflag:s28] =	ssyncset.done $0x0;
	(pc) =	sbr.rel @p1 .LBB2_8-.Ltmp3, $4  }
0x52: {  	[sflag:s28] =	ssyncadd.s32 $0xFFFFC000  }
0x53: {  	[spmem:s2] =	stream.indirect.scatter.add.f32 [tilespmem:s24], [sflag:$0x3], $0x80, s29, s21, $0xb8;
	[tilespmem:$0x1C200] =	vst v63  }
0x54: {  	_ =	swait.ge [sflag:s18], $0x4000  }
0x55: {  	[sflag:s18] =	ssyncset.done $0x0  }
0x56: {  	[sflag:s18] =	ssyncadd.s32 $0xFFFFC000  }
0x57: {  	_ =	swait.ge [sflag:s25], $0x4000  }
0x58: {  	[sflag:s25] =	ssyncset.done $0x0  }
0x59: {  	[sflag:s25] =	ssyncadd.s32 $0xFFFFC000  }
0x5a: {  	[bflag:$0x0] =	sbarrier.arrive $0xFFFF  }
0x5b: {  	[hbm:s14], [sflag:s16] =	dma.local [spmem:s17], $0x2800  }
0x5c: {  	_ =	swait.ge [sflag:s18], $0x2800  }
0x5d: {  	[sflag:s18] =	ssyncset.done $0x0  }
0x5e: {  	[sflag:s18] =	ssyncadd.s32 $0xFFFFD800  }
0x5f: {  	[bflag:$0x0] =	sbarrier.arrive $0xFFFF  }
0x60: {  	[spmem:s17], [sflag:s16] =	dma.local [hbm:s1], $0x2800  }
0x61: {  	_ =	swait.ge [sflag:s18], $0x2800  }
0x62: {  	[sflag:s18] =	ssyncset.done $0x0  }
0x63: {  	[sflag:s18] =	ssyncadd.s32 $0xFFFFD800  }
0x64: {  	s0 =	simm.s32 $0x0;
	[bflag:$0x0] =	sbarrier.arrive $0xFFFF  }
0x65: {  	[tilespmem:s19], [sflag:$0x3] =	stream.linear.gather [hbm4b:s12+s0], $0x100, $0x38;
	[tilespmem:$0x1C200] =	vst v63  }
0x66: {  	_ =	swait.ge [sflag:s18], $0x100  }
0x67: {  	[sflag:s18] =	ssyncset.done $0x0  }
0x68: {  	[sflag:s18] =	ssyncadd.s32 $0xFFFFFF00  }
0x69: {  	[tilespmem:s0], [sflag:$0x1] =	stream.indirect.gather [hbm4b:s8+s21], $0x80, s19, s21, $0xb8;
	[tilespmem:$0x1C200] =	vst v63  }
0x6a: {  	_ = 	snop  }
0x6b: {  	[tilespmem:s23], [sflag:$0x3] =	stream.linear.gather [hbm4b:s22+s3], $0x100, $0x38;
	[tilespmem:$0x1C200] =	vst v63  }
0x6c: {  	_ =	swait.ge [sflag:s18], $0x100  }
0x6d: {  	[sflag:s18] =	ssyncset.done $0x0  }
0x6e: {  	[sflag:s18] =	ssyncadd.s32 $0xFFFFFF00  }
0x6f: {  	[tilespmem:s24], [sflag:$0x2] =	stream.indirect.gather [hbm4b:s8+s21], $0x80, s23, s21, $0xb8;
	[tilespmem:$0x1C200] =	vst v63  }
0x70: {  	_ =	swait.ge [sflag:s25], $0x4000  }
0x71: {  	[sflag:s25] =	ssyncset.done $0x0  }
0x72: {  	[sflag:s25] =	ssyncadd.s32 $0xFFFFC000  }
0x73: {  	[spmem:s2] =	stream.indirect.scatter.add.f32 [tilespmem:s3], [sflag:$0x3], $0x80, s26, s21, $0xb8;
	[tilespmem:$0x1C200] =	vst v63  }
0x74: {  	s0 =	smin.u32 s0, $0x4C;
	_ =	swait.ge [sflag:s18], $0x4000  }
0x75: {  	s0 =	sshll.u32 s0, $0x5;
	[sflag:s18] =	ssyncset.done $0x0  }
0x76: {  	s0 =	sadd.s32 s0, s20;
	[sflag:s18] =	ssyncadd.s32 $0xFFFFC000  }
0x77: {  	[tilespmem:s19], [sflag:$0x3] =	stream.linear.gather [hbm4b:s0+s3], $0x100, $0x38;
	[tilespmem:$0x1C200] =	vst v63  }
0x78: {  	_ =	swait.ge [sflag:s18], $0x100  }
0x79: {  	[sflag:s18] =	ssyncset.done $0x0  }
0x7a: {  	[sflag:s18] =	ssyncadd.s32 $0xFFFFFF00  }
0x7b: {  	[tilespmem:s3], [sflag:$0x1] =	stream.indirect.gather [hbm4b:s8+s21], $0x80, s19, s21, $0xb8;
	[tilespmem:$0x1C200] =	vst v63  }
0x7c: {  	_ =	swait.ge [sflag:s28], $0x4000  }
0x7d: {  	[sflag:s28] =	ssyncset.done $0x0  }
0x7e: {  	[sflag:s28] =	ssyncadd.s32 $0xFFFFC000  }
0x7f: {  	[spmem:s2] =	stream.indirect.scatter.add.f32 [tilespmem:s24], [sflag:$0x3], $0x80, s29, s21, $0xb8;
	[tilespmem:$0x1C200] =	vst v63  }
0x80: {  	_ =	swait.ge [sflag:s18], $0x4000  }
0x81: {  	s4 =	smov.u32 s22;
	s0 =	simm.s32 $0x2;
	[sflag:s18] =	ssyncset.done $0x0  }
.LBB2_10:
0x82: {  	p1 =	sne.s32 s0, $0x4E;
	[sflag:s18] =	ssyncadd.s32 $0xFFFFC000;
	s4 =	sadd.s32 $0x40, s4  }
0x83: {  	[tilespmem:s23], [sflag:$0x3] =	stream.linear.gather [hbm4b:s4+s3], $0x100, $0x38;
	[tilespmem:$0x1C200] =	vst v63  }
0x84: {  	s10 =	smov.u32 s0;
	s0 =	sadd.s32 $0x2, s0;
	_ =	swait.ge [sflag:s18], $0x100  }
0x85: {  	[sflag:s18] =	ssyncset.done $0x0  }
0x86: {  	[sflag:s18] =	ssyncadd.s32 $0xFFFFFF00  }
0x87: {  	[tilespmem:s24], [sflag:$0x2] =	stream.indirect.gather [hbm4b:s8+s21], $0x80, s23, s21, $0xb8;
	[tilespmem:$0x1C200] =	vst v63  }
0x88: {  	_ =	swait.ge [sflag:s25], $0x4000  }
0x89: {  	[sflag:s25] =	ssyncset.done $0x0  }
0x8a: {  	[sflag:s25] =	ssyncadd.s32 $0xFFFFC000  }
0x8b: {  	[spmem:s2] =	stream.indirect.scatter.add.f32 [tilespmem:s3], [sflag:$0x3], $0x80, s26, s21, $0xb8;
	[tilespmem:$0x1C200] =	vst v63  }
0x8c: {  	s10 =	smin.u32 s10, $0x4C;
	_ =	swait.ge [sflag:s18], $0x4000  }
0x8d: {  	s10 =	sshll.u32 s10, $0x5;
	[sflag:s18] =	ssyncset.done $0x0  }
0x8e: {  	s10 =	sadd.s32 s10, s20;
	[sflag:s18] =	ssyncadd.s32 $0xFFFFC000  }
0x8f: {  	[tilespmem:s19], [sflag:$0x3] =	stream.linear.gather [hbm4b:s10+s3], $0x100, $0x38;
	[tilespmem:$0x1C200] =	vst v63  }
0x90: {  	_ =	swait.ge [sflag:s18], $0x100  }
0x91: {  	[sflag:s18] =	ssyncset.done $0x0  }
0x92: {  	[sflag:s18] =	ssyncadd.s32 $0xFFFFFF00  }
0x93: {  	[tilespmem:s3], [sflag:$0x1] =	stream.indirect.gather [hbm4b:s8+s21], $0x80, s19, s21, $0xb8;
	[tilespmem:$0x1C200] =	vst v63  }
0x94: {  	_ =	swait.ge [sflag:s28], $0x4000  }
.Ltmp4:
0x95: {  	[sflag:s28] =	ssyncset.done $0x0;
	(pc) =	sbr.rel @p1 .LBB2_10-.Ltmp4, $4  }
0x96: {  	[sflag:s28] =	ssyncadd.s32 $0xFFFFC000  }
0x97: {  	[spmem:s2] =	stream.indirect.scatter.add.f32 [tilespmem:s24], [sflag:$0x3], $0x80, s29, s21, $0xb8;
	[tilespmem:$0x1C200] =	vst v63  }
0x98: {  	_ =	swait.ge [sflag:s18], $0x4000  }
0x99: {  	[sflag:s18] =	ssyncset.done $0x0  }
.Ltmp5:
0x9a: {  	_ = 	snop;
	(pc) =	sbr.rel .LBB2_11-.Ltmp5, $1  }
0x9b: {  	_ =	sdelay $0x3  }
.LBB2_2:
0x9c: {  	[tilespmem:s0], [sflag:$0x1] =	stream.indirect.gather [hbm4b:s5+s21], $0x80, s19, s21, $0xb8;
	[tilespmem:$0x1C200] =	vst v63  }
0x9d: {  	s4 =	sadd.s32 $0x20, s12  }
0x9e: {  	[tilespmem:s23], [sflag:$0x3] =	stream.linear.gather [hbm4b:s4+s3], $0x100, $0x38;
	[tilespmem:$0x1C200] =	vst v63  }
0x9f: {  	_ =	swait.ge [sflag:s18], $0x100  }
0xa0: {  	[sflag:s18] =	ssyncset.done $0x0  }
0xa1: {  	[sflag:s18] =	ssyncadd.s32 $0xFFFFFF00  }
0xa2: {  	[tilespmem:s24], [sflag:$0x2] =	stream.indirect.gather [hbm4b:s5+s21], $0x80, s23, s21, $0xb8;
	[tilespmem:$0x1C200] =	vst v63  }
0xa3: {  	_ =	swait.ge [sflag:s25], $0x4000  }
0xa4: {  	[sflag:s25] =	ssyncset.done $0x0  }
0xa5: {  	[sflag:s25] =	ssyncadd.s32 $0xFFFFC000  }
0xa6: {  	[spmem:s2] =	stream.indirect.scatter.add.f32 [tilespmem:s3], [sflag:$0x3], $0x80, s26, s21, $0xb8;
	[tilespmem:$0x1C200] =	vst v63  }
0xa7: {  	s10 =	smin.u32 s0, $0x4C;
	_ =	swait.ge [sflag:s18], $0x4000  }
0xa8: {  	s0 =	sshll.u32 s10, $0x5;
	[sflag:s18] =	ssyncset.done $0x0  }
0xa9: {  	s0 =	sadd.s32 s0, s20;
	[sflag:s18] =	ssyncadd.s32 $0xFFFFC000  }
0xaa: {  	[tilespmem:s19], [sflag:$0x3] =	stream.linear.gather [hbm4b:s0+s3], $0x100, $0x38;
	[tilespmem:$0x1C200] =	vst v63  }
0xab: {  	_ =	swait.ge [sflag:s18], $0x100  }
0xac: {  	[sflag:s18] =	ssyncset.done $0x0  }
0xad: {  	[sflag:s18] =	ssyncadd.s32 $0xFFFFFF00  }
0xae: {  	[tilespmem:s3], [sflag:$0x1] =	stream.indirect.gather [hbm4b:s5+s21], $0x80, s19, s21, $0xb8;
	[tilespmem:$0x1C200] =	vst v63  }
0xaf: {  	_ =	swait.ge [sflag:s28], $0x4000  }
0xb0: {  	[sflag:s28] =	ssyncset.done $0x0  }
0xb1: {  	[sflag:s28] =	ssyncadd.s32 $0xFFFFC000  }
0xb2: {  	[spmem:s2] =	stream.indirect.scatter.add.f32 [tilespmem:s24], [sflag:$0x3], $0x80, s29, s21, $0xb8;
	[tilespmem:$0x1C200] =	vst v63  }
0xb3: {  	_ =	swait.ge [sflag:s18], $0x4000  }
0xb4: {  	s31 =	smov.u32 s4;
	s0 =	simm.s32 $0x2;
	[sflag:s18] =	ssyncset.done $0x0  }
.LBB2_3:
0xb5: {  	p1 =	sne.s32 s0, $0x4E;
	[sflag:s18] =	ssyncadd.s32 $0xFFFFC000;
	s31 =	sadd.s32 $0x40, s31  }
0xb6: {  	[tilespmem:s23], [sflag:$0x3] =	stream.linear.gather [hbm4b:s31+s3], $0x100, $0x38;
	[tilespmem:$0x1C200] =	vst v63  }
0xb7: {  	s10 =	smov.u32 s0;
	s0 =	sadd.s32 $0x2, s0;
	_ =	swait.ge [sflag:s18], $0x100  }
0xb8: {  	[sflag:s18] =	ssyncset.done $0x0  }
0xb9: {  	[sflag:s18] =	ssyncadd.s32 $0xFFFFFF00  }
0xba: {  	[tilespmem:s24], [sflag:$0x2] =	stream.indirect.gather [hbm4b:s5+s21], $0x80, s23, s21, $0xb8;
	[tilespmem:$0x1C200] =	vst v63  }
0xbb: {  	_ =	swait.ge [sflag:s25], $0x4000  }
0xbc: {  	[sflag:s25] =	ssyncset.done $0x0  }
0xbd: {  	[sflag:s25] =	ssyncadd.s32 $0xFFFFC000  }
0xbe: {  	[spmem:s2] =	stream.indirect.scatter.add.f32 [tilespmem:s3], [sflag:$0x3], $0x80, s26, s21, $0xb8;
	[tilespmem:$0x1C200] =	vst v63  }
0xbf: {  	s10 =	smin.u32 s10, $0x4C;
	_ =	swait.ge [sflag:s18], $0x4000  }
0xc0: {  	s10 =	sshll.u32 s10, $0x5;
	[sflag:s18] =	ssyncset.done $0x0  }
0xc1: {  	s10 =	sadd.s32 s10, s20;
	[sflag:s18] =	ssyncadd.s32 $0xFFFFC000  }
0xc2: {  	[tilespmem:s19], [sflag:$0x3] =	stream.linear.gather [hbm4b:s10+s3], $0x100, $0x38;
	[tilespmem:$0x1C200] =	vst v63  }
0xc3: {  	_ =	swait.ge [sflag:s18], $0x100  }
0xc4: {  	[sflag:s18] =	ssyncset.done $0x0  }
0xc5: {  	[sflag:s18] =	ssyncadd.s32 $0xFFFFFF00  }
0xc6: {  	[tilespmem:s3], [sflag:$0x1] =	stream.indirect.gather [hbm4b:s5+s21], $0x80, s19, s21, $0xb8;
	[tilespmem:$0x1C200] =	vst v63  }
0xc7: {  	_ =	swait.ge [sflag:s28], $0x4000  }
.Ltmp6:
0xc8: {  	[sflag:s28] =	ssyncset.done $0x0;
	(pc) =	sbr.rel @p1 .LBB2_3-.Ltmp6, $4  }
0xc9: {  	[sflag:s28] =	ssyncadd.s32 $0xFFFFC000  }
0xca: {  	[spmem:s2] =	stream.indirect.scatter.add.f32 [tilespmem:s24], [sflag:$0x3], $0x80, s29, s21, $0xb8;
	[tilespmem:$0x1C200] =	vst v63  }
0xcb: {  	_ =	swait.ge [sflag:s18], $0x4000  }
0xcc: {  	[sflag:s18] =	ssyncset.done $0x0  }
0xcd: {  	[sflag:s18] =	ssyncadd.s32 $0xFFFFC000  }
0xce: {  	_ =	swait.ge [sflag:s25], $0x4000  }
0xcf: {  	[sflag:s25] =	ssyncset.done $0x0  }
0xd0: {  	[sflag:s25] =	ssyncadd.s32 $0xFFFFC000  }
0xd1: {  	[bflag:$0x0] =	sbarrier.arrive $0xFFFF  }
0xd2: {  	[hbm:s13], [sflag:s16] =	dma.local [spmem:s17], $0x2800  }
0xd3: {  	_ =	swait.ge [sflag:s18], $0x2800  }
0xd4: {  	[sflag:s18] =	ssyncset.done $0x0  }
0xd5: {  	[sflag:s18] =	ssyncadd.s32 $0xFFFFD800  }
0xd6: {  	[bflag:$0x0] =	sbarrier.arrive $0xFFFF  }
0xd7: {  	[spmem:s17], [sflag:s16] =	dma.local [hbm:s1], $0x2800  }
0xd8: {  	_ =	swait.ge [sflag:s18], $0x2800  }
0xd9: {  	[sflag:s18] =	ssyncset.done $0x0  }
0xda: {  	[sflag:s18] =	ssyncadd.s32 $0xFFFFD800  }
0xdb: {  	s0 =	simm.s32 $0x0;
	[bflag:$0x0] =	sbarrier.arrive $0xFFFF  }
0xdc: {  	[tilespmem:s19], [sflag:$0x3] =	stream.linear.gather [hbm4b:s12+s0], $0x100, $0x38;
	[tilespmem:$0x1C200] =	vst v63  }
0xdd: {  	_ =	swait.ge [sflag:s18], $0x100  }
0xde: {  	[sflag:s18] =	ssyncset.done $0x0  }
0xdf: {  	[sflag:s18] =	ssyncadd.s32 $0xFFFFFF00  }
0xe0: {  	[tilespmem:s0], [sflag:$0x1] =	stream.indirect.gather [hbm4b:s7+s21], $0x80, s19, s21, $0xb8;
	[tilespmem:$0x1C200] =	vst v63  }
0xe1: {  	_ = 	snop  }
0xe2: {  	[tilespmem:s23], [sflag:$0x3] =	stream.linear.gather [hbm4b:s4+s3], $0x100, $0x38;
	[tilespmem:$0x1C200] =	vst v63  }
0xe3: {  	_ =	swait.ge [sflag:s18], $0x100  }
0xe4: {  	[sflag:s18] =	ssyncset.done $0x0  }
0xe5: {  	[sflag:s18] =	ssyncadd.s32 $0xFFFFFF00  }
0xe6: {  	[tilespmem:s24], [sflag:$0x2] =	stream.indirect.gather [hbm4b:s7+s21], $0x80, s23, s21, $0xb8;
	[tilespmem:$0x1C200] =	vst v63  }
0xe7: {  	_ =	swait.ge [sflag:s25], $0x4000  }
0xe8: {  	[sflag:s25] =	ssyncset.done $0x0  }
0xe9: {  	[sflag:s25] =	ssyncadd.s32 $0xFFFFC000  }
0xea: {  	[spmem:s2] =	stream.indirect.scatter.add.f32 [tilespmem:s3], [sflag:$0x3], $0x80, s26, s21, $0xb8;
	[tilespmem:$0x1C200] =	vst v63  }
0xeb: {  	s0 =	smin.u32 s0, $0x4C;
	_ =	swait.ge [sflag:s18], $0x4000  }
0xec: {  	s0 =	sshll.u32 s0, $0x5;
	[sflag:s18] =	ssyncset.done $0x0  }
0xed: {  	s0 =	sadd.s32 s0, s20;
	[sflag:s18] =	ssyncadd.s32 $0xFFFFC000  }
0xee: {  	[tilespmem:s19], [sflag:$0x3] =	stream.linear.gather [hbm4b:s0+s3], $0x100, $0x38;
	[tilespmem:$0x1C200] =	vst v63  }
0xef: {  	_ =	swait.ge [sflag:s18], $0x100  }
0xf0: {  	[sflag:s18] =	ssyncset.done $0x0  }
0xf1: {  	[sflag:s18] =	ssyncadd.s32 $0xFFFFFF00  }
0xf2: {  	[tilespmem:s3], [sflag:$0x1] =	stream.indirect.gather [hbm4b:s7+s21], $0x80, s19, s21, $0xb8;
	[tilespmem:$0x1C200] =	vst v63  }
0xf3: {  	_ =	swait.ge [sflag:s28], $0x4000  }
0xf4: {  	[sflag:s28] =	ssyncset.done $0x0  }
0xf5: {  	[sflag:s28] =	ssyncadd.s32 $0xFFFFC000  }
0xf6: {  	[spmem:s2] =	stream.indirect.scatter.add.f32 [tilespmem:s24], [sflag:$0x3], $0x80, s29, s21, $0xb8;
	[tilespmem:$0x1C200] =	vst v63  }
0xf7: {  	_ =	swait.ge [sflag:s18], $0x4000  }
0xf8: {  	s0 =	simm.s32 $0x2;
	[sflag:s18] =	ssyncset.done $0x0  }
.LBB2_5:
0xf9: {  	p1 =	seq.s32 s0, $0x4E;
	[sflag:s18] =	ssyncadd.s32 $0xFFFFC000;
	s4 =	sadd.s32 $0x40, s4  }
0xfa: {  	[tilespmem:s23], [sflag:$0x3] =	stream.linear.gather [hbm4b:s4+s3], $0x100, $0x38;
	[tilespmem:$0x1C200] =	vst v63  }
0xfb: {  	s10 =	smov.u32 s0;
	s0 =	sadd.s32 $0x2, s0;
	_ =	swait.ge [sflag:s18], $0x100  }
0xfc: {  	[sflag:s18] =	ssyncset.done $0x0  }
0xfd: {  	[sflag:s18] =	ssyncadd.s32 $0xFFFFFF00  }
0xfe: {  	[tilespmem:s24], [sflag:$0x2] =	stream.indirect.gather [hbm4b:s7+s21], $0x80, s23, s21, $0xb8;
	[tilespmem:$0x1C200] =	vst v63  }
0xff: {  	_ =	swait.ge [sflag:s25], $0x4000  }
0x100: {  	[sflag:s25] =	ssyncset.done $0x0  }
0x101: {  	[sflag:s25] =	ssyncadd.s32 $0xFFFFC000  }
0x102: {  	[spmem:s2] =	stream.indirect.scatter.add.f32 [tilespmem:s3], [sflag:$0x3], $0x80, s26, s21, $0xb8;
	[tilespmem:$0x1C200] =	vst v63  }
0x103: {  	s10 =	smin.u32 s10, $0x4C;
	_ =	swait.ge [sflag:s18], $0x4000  }
0x104: {  	s10 =	sshll.u32 s10, $0x5;
	[sflag:s18] =	ssyncset.done $0x0  }
0x105: {  	s10 =	sadd.s32 s10, s20;
	[sflag:s18] =	ssyncadd.s32 $0xFFFFC000  }
0x106: {  	[tilespmem:s19], [sflag:$0x3] =	stream.linear.gather [hbm4b:s10+s3], $0x100, $0x38;
	[tilespmem:$0x1C200] =	vst v63  }
0x107: {  	_ =	swait.ge [sflag:s18], $0x100  }
0x108: {  	[sflag:s18] =	ssyncset.done $0x0  }
0x109: {  	[sflag:s18] =	ssyncadd.s32 $0xFFFFFF00  }
0x10a: {  	[tilespmem:s3], [sflag:$0x1] =	stream.indirect.gather [hbm4b:s7+s21], $0x80, s19, s21, $0xb8;
	[tilespmem:$0x1C200] =	vst v63  }
0x10b: {  	_ =	swait.ge [sflag:s28], $0x4000  }
.Ltmp7:
0x10c: {  	[sflag:s28] =	ssyncset.done $0x0;
	(pc) =	sbr.rel @!p1 .LBB2_5-.Ltmp7, $4  }
0x10d: {  	[sflag:s28] =	ssyncadd.s32 $0xFFFFC000  }
0x10e: {  	[spmem:s2] =	stream.indirect.scatter.add.f32 [tilespmem:s24], [sflag:$0x3], $0x80, s29, s21, $0xb8;
	[tilespmem:$0x1C200] =	vst v63  }
0x10f: {  	_ =	swait.ge [sflag:s18], $0x4000  }
0x110: {  	[sflag:s18] =	ssyncset.done $0x0  }
.Ltmp8:
0x111: {  	(pc) =	sbr.rel .LBB2_12-.Ltmp8, $2  }
0x112: {  	_ =	sdelay $0x2  }
0x113: {  	[sflag:s18] =	ssyncadd.s32 $0xFFFFC000;
	s0 =	rddreg [dreg:$0x4]  }
.LBB2_13:
0x114: {  	_ =	sfence.sel $0x180000  }
0x115: {  	[bflag:$0x0] =	sbarrier.arrive $0xFFFF  }
0x116: {  	_ =	strace $0x9000004D  }
0x117: {  	s0 =	stileid.u32;
	[bflag:$0x2] =	sbarrier.arrive $0xFFFF  }
0x118: {  	p0 =	sne.s32 s0, $0x0;
	s0 =	rddreg [dreg:$0x3]  }
0x119: {  	s0 =	sadd.s32 @!p0 $0x100000, s0  }
0x11a: {  	[sflag:s0] =	ssyncadd.tile.s32 @!p0 $0x1;
	_ =	shalt  }
.Lfunc_end2:
_tile_overlayer_lowered:
.L_overlay_start_2:
0x11b: {  	(tag) =	ssettag $0x2  }
0x11c: {  	s0 =	rddreg [dreg:$0x0];
	s2 =	stileid.u32  }
0x11d: {  	s1 =	rddreg [dreg:$0x1];
	p0 =	sne.s32 s2, $0x0  }
0x11e: {  	s3 =	rddreg [dreg:$0x2];
	[bflag:$0x3] =	sbarrier.arrive $0xFFFF;
	s2 =	simm.s32 @!p0 $0x1C03  }
0x11f: {  	[timem:s3], [sflag:s2] =	dma.local @!p0 [hbm:s0], s1  }
0x120: {  	s0 =	simm.s32 @!p0 $0x3  }
0x121: {  	_ =	swait.ge @!p0 [sflag:s0], s1  }
0x122: {  	s1 =	ssub.s32 @!p0 $0x0, s1;
	[sflag:s0] =	ssyncset.done @!p0 $0x0  }
0x123: {  	[sflag:s0] =	ssyncadd.s32 @!p0 s1  }
0x124: {  	[bflag:$0x3] =	sbarrier.arrive $0xFFFF  }
0x125: {  	_ =	shalt  }

// kernel: kernel.7.cloned.1.call-start
scs
__scs_entry_jumppad:
0x0: {  	(pc) =	sbr.rel $0x88, $3  }
0x1: {  	(tag) =	ssettag $0x0;
	lr =	simm.s32 $0x1  }
0x2: {  	[smem:$0x3F97] =	sst lr;
	_ =	strace $0xD0000000  }
0x3: {  	_ = 	snop  }
0x4: {  	_ = 	snop  }
0x5: {  	_ = 	snop  }
0x6: {  	_ = 	snop  }
0x7: {  	_ = 	snop  }
__scs_overlays_trampoline_lowered:
0x8: {  	[smem:$0x3FA6] =	sst s0  }
0x9: {  	[smem:$0x3FA7] =	sst s1  }
0xa: {  	[smem:$0x3FA8] =	sst s2  }
0xb: {  	[smem:$0x3FA9] =	sst s3  }
0xc: {  	[smem:$0x3FAA] =	sst s4  }
0xd: {  	[smem:$0x3FAB] =	sst s5  }
0xe: {  	[smem:$0x3FAC] =	sst s6  }
0xf: {  	[smem:$0x3FAD] =	sst s7  }
0x10: {  	[smem:$0x3FAE] =	sst s8  }
0x11: {  	[smem:$0x3FAF] =	sst s9;
	s0 =	simm.s32 @!p0 $0x0  }
0x12: {  	s1 =	sld [smem:$0x3F95];
	s0 =	simm.s32 @p0 $0x1  }
0x13: {  	[smem:$0x3FB0] =	sst s0;
	s0 =	simm.s32 @!p1 $0x0  }
0x14: {  	s2 =	sld [smem:$0x3F94];
	s0 =	simm.s32 @p1 $0x1  }
0x15: {  	[smem:$0x3FB1] =	sst s0;
	s0 =	simm.s32 @!p2 $0x0  }
0x16: {  	s3 =	sld [smem:$0x3FDB];
	s0 =	simm.s32 @p2 $0x1  }
0x17: {  	s4 =	simm.s32 $0x1BF5;
	[smem:$0x3FB3] =	sst s0  }
0x18: {  	s0 =	sld [smem:$0x3F96];
	_ =	swait.ge [sflag:s4], $0x0  }
0x19: {  	s7 =	sld [smem:$0x3F97]  }
0x1a: {  	s8 =	sadd.s32 $0xFFFFE003, lr  }
0x1b: {  	s9 =	sadd.s32 $0xFFFFFEF7, lr;
	s5 =	simm.s32 $0xFFFFFFFF;
	p2 =	slt.u32 s8, $0xFFFFF086  }
0x1c: {  	p1 =	slt.u32 s9, $0xF7A;
	s5 =	simm.s32 @!p2 $0x0  }
0x1d: {  	s5 =	simm.s32 @p1 $0x1;
	p0 =	seq.s32 s7, s2  }
0x1e: {  	s7 =	smul.u32 @!p0 $0xF7A, s2;
	p2 =	seq.s32 @!p0 s5, $0x0  }
0x1f: {  	s9 =	smul.u32 $0xF7A, s1;
	s8 =	simm.s32 @!p0 $0x1BF5;
	p2 =	por !p2, p0  }
0x20: {  	[sflag:s8] =	ssyncset.s32 @!p0 $0xFFFFF086;
	s6 =	sadd.s32 @!p0 s3, s7;
	s7 =	simm.s32 @!p0 $0x108  }
0x21: {  	s3 =	sadd.s32 s3, s9;
	s6 =	sadd.s32 @!p0 $0x88, s6;
	s7 =	simm.s32 @p2 $0x1082  }
0x22: {  	[simem:s7], [sflag:s8] =	dma.local @!p0 [hbm:s6], $0xF7A  }
0x23: {  	s9 =	sor.u32 $0xD0000000, s2;
	s6 =	simm.s32 $0x108;
	_ =	swait.ge @!p0 [sflag:s8], $0x0  }
0x24: {  	s3 =	sadd.s32 $0x88, s3;
	s6 =	simm.s32 @!p1 $0x1082;
	[sflag:s4] =	ssyncset.s32 $0xFFFFF086  }
0x25: {  	[simem:s6], [sflag:s4] =	dma.local [hbm:s3], $0xF7A  }
0x26: {  	[smem:$0x3F97] =	sst s1;
	(tag) =	ssettag s2;
	_ =	strace s9  }
0x27: {  	s1 =	sld [smem:$0x3FA7]  }
0x28: {  	s2 =	sld [smem:$0x3FA8]  }
0x29: {  	s4 =	sld [smem:$0x3FAA]  }
0x2a: {  	p0 =	seq.s32 s5, $0x0;
	s5 =	sld [smem:$0x3FAB]  }
0x2b: {  	s6 =	sld [smem:$0x3FAC]  }
0x2c: {  	s7 =	sld [smem:$0x3FAD]  }
0x2d: {  	s3 =	simm.s32 $0x108;
	s8 =	sld [smem:$0x3FAE]  }
0x2e: {  	s3 =	simm.s32 @!p0 $0x1082;
	s9 =	sld [smem:$0x3FAF]  }
0x2f: {  	lr =	sadd.s32 s0, s3;
	s0 =	sld [smem:$0x3FA6]  }
0x30: {  	s3 =	sld [smem:$0x3FA9]  }
0x31: {  	[smem:$0x3FB2] =	sst s10  }
0x32: {  	s10 =	sld [smem:$0x3FB0];
	_ =	sdelay $0x3  }
0x33: {  	p0 =	seq.s32 s10, $0x1;
	s10 =	sld [smem:$0x3FB2];
	_ =	sdelay $0x3  }
0x34: {  	[smem:$0x3FB2] =	sst s10  }
0x35: {  	s10 =	sld [smem:$0x3FB1];
	_ =	sdelay $0x3  }
0x36: {  	p1 =	seq.s32 s10, $0x1;
	s10 =	sld [smem:$0x3FB2];
	_ =	sdelay $0x3  }
0x37: {  	[smem:$0x3FB2] =	sst s10  }
0x38: {  	s10 =	sld [smem:$0x3FB3]  }
0x39: {  	_ = 	snop;
	(pc) =	sbr.ind lr, $3  }
0x3a: {  	_ = 	snop  }
0x3b: {  	_ = 	snop  }
0x3c: {  	p2 =	seq.s32 s10, $0x1;
	s10 =	sld [smem:$0x3FB2]  }
0x3d: {  	_ =	shalt  }
0x3e: {  	_ =	shalt  }
0x3f: {  	_ =	shalt  }
0x40: {  	_ =	shalt  }
0x41: {  	_ =	shalt  }
0x42: {  	_ =	shalt  }
0x43: {  	_ =	shalt  }
0x44: {  	_ =	shalt  }
0x45: {  	_ =	shalt  }
0x46: {  	_ =	shalt  }
0x47: {  	_ =	shalt  }
0x48: {  	_ =	shalt  }
0x49: {  	_ =	shalt  }
0x4a: {  	_ =	shalt  }
0x4b: {  	_ =	shalt  }
0x4c: {  	_ =	shalt  }
0x4d: {  	_ =	shalt  }
0x4e: {  	_ =	shalt  }
0x4f: {  	_ =	shalt  }
0x50: {  	_ =	shalt  }
0x51: {  	_ =	shalt  }
0x52: {  	_ =	shalt  }
0x53: {  	_ =	shalt  }
0x54: {  	_ =	shalt  }
0x55: {  	_ =	shalt  }
0x56: {  	_ =	shalt  }
0x57: {  	_ =	shalt  }
0x58: {  	_ =	shalt  }
0x59: {  	_ =	shalt  }
0x5a: {  	_ =	shalt  }
0x5b: {  	_ =	shalt  }
0x5c: {  	_ =	shalt  }
0x5d: {  	_ =	shalt  }
0x5e: {  	_ =	shalt  }
0x5f: {  	_ =	shalt  }
0x60: {  	_ =	shalt  }
0x61: {  	_ =	shalt  }
0x62: {  	_ =	shalt  }
0x63: {  	_ =	shalt  }
0x64: {  	_ =	shalt  }
0x65: {  	_ =	shalt  }
0x66: {  	_ =	shalt  }
0x67: {  	_ =	shalt  }
0x68: {  	_ =	shalt  }
0x69: {  	_ =	shalt  }
0x6a: {  	_ =	shalt  }
0x6b: {  	_ =	shalt  }
0x6c: {  	_ =	shalt  }
0x6d: {  	_ =	shalt  }
0x6e: {  	_ =	shalt  }
0x6f: {  	_ =	shalt  }
0x70: {  	_ =	shalt  }
0x71: {  	_ =	shalt  }
0x72: {  	_ =	shalt  }
0x73: {  	_ =	shalt  }
0x74: {  	_ =	shalt  }
0x75: {  	_ =	shalt  }
0x76: {  	_ =	shalt  }
0x77: {  	_ =	shalt  }
0x78: {  	_ =	shalt  }
0x79: {  	_ =	shalt  }
0x7a: {  	_ =	shalt  }
0x7b: {  	_ =	shalt  }
0x7c: {  	_ =	shalt  }
0x7d: {  	_ =	shalt  }
0x7e: {  	_ =	shalt  }
0x7f: {  	_ =	shalt  }
0x80: {  	_ =	shalt  }
0x81: {  	_ =	shalt  }
0x82: {  	_ =	shalt  }
0x83: {  	_ =	shalt  }
0x84: {  	_ =	shalt  }
0x85: {  	_ =	shalt  }
0x86: {  	_ =	shalt  }
0x87: {  	_ =	shalt  }
.Lfunc_end0:
.L_simem_size_0:
called_computation_lowered:
.L_overlay_start_0:
0x88: {  	s2 =	sld [smem:$0x3FD9]  }
0x89: {  	s3 =	sld [smem:$0x3FFE];
	_ =	sdelay $0x1  }
0x8a: {  	s1 =	srdreg.scid  }
0x8b: {  	s0 =	sand.u32 $0x1, s1  }
0x8c: {  	s17 =	sshll.u32 s0, $0xA;
	s2 =	sadd.s32 s3, s2  }
0x8d: {  	s2 =	sadd.s32 s2, s17  }
0x8e: {  	[smem:$0x3FBE] =	sst s2  }
0x8f: {  	_ = 	snop  }
0x90: {  	s18 =	sld [smem:$0x3FD0];
	(tm) =	ssettm $0x1  }
0x91: {  	s19 =	sld [smem:$0x3FFB];
	_ =	sdelay $0x3  }
0x92: {  	_ =	strace s19  }
0x93: {  	s2 =	sld [smem:$0x3FFC];
	_ =	sdelay $0x3  }
0x94: {  	_ =	strace s2  }
0x95: {  	s2 =	sld [smem:$0x3FFD];
	_ =	sdelay $0x3  }
0x96: {  	_ =	strace s2  }
0x97: {  	_ =	strace $0x8FFFFFFF  }
0x98: {  	s20 =	sld [smem:$0x3FDB];
	_ =	sdelay $0x1  }
0x99: {  	s4 =	simm.s32 $_scs_section_size  }
0x9a: {  	s5 =	simm.s32 $_size__tile_overlayer_lowered;
	s6 =	simm.s32 $_tile_overlayer_lowered  }
0x9b: {  	s7 =	simm.s32 $0x1BFF;
	s21 =	sshll.u32 s6, $0x1;
	s4 =	sadd.s32 s4, s20  }
0x9c: {  	s22 =	simm.s32 $0x0;
	s5 =	sshll.u32 s5, $0x1;
	s6 =	sadd.s32 s21, s4  }
0x9d: {  	[timem:s22], [sflag:s7] =	dma.local [hbm:s6], s5  }
0x9e: {  	_ =	swait.ge [sflag:s7], s5  }
0x9f: {  	s5 =	ssub.s32 $0x0, s5;
	[sflag:s7] =	ssyncset.done $0x0  }
0xa0: {  	[sflag:s7] =	ssyncadd.s32 s5;
	_ =	sdelay $0x1  }
0xa1: {  	s23 =	simm.s32 $0x1B8B  }
0xa2: {  	_ =	swait.ge [sflag:s23], $0x1  }
0xa3: {  	[sflag:s23] =	ssyncset.done $0x0  }
0xa4: {  	[sflag:s23] =	ssyncadd.s32 $0xFFFFFFFF  }
0xa5: {  	s5 =	sld [smem:$0x0]  }
0xa6: {  	s6 =	sand.u32 $0xFFFFFFFE, s1  }
0xa7: {  	p0 =	sne.s32 s1, s6  }
0xa8: {  	s6 =	sshll.u32 @p0 s6, $0xE  }
0xa9: {  	s6 =	sadd.s32 @p0 $0x11B8D, s6;
	s7 =	sshll.u32 @p0 s5, $0x11  }
0xaa: {  	s6 =	sor.u32 @p0 s7, s6  }
0xab: {  	[sflag:s6] =	ssyncadd.remote.s32 @p0 $0x1;
	_ =	sdelay $0x1  }
0xac: {  	s6 =	simm.s32 @p0 $0x1B8D  }
0xad: {  	_ =	swait.eq @p0 [sflag:s6], $0x1  }
0xae: {  	[sflag:s6] =	ssyncadd.s32 @p0 $0xFFFFFFFF  }
0xaf: {  	s7 =	sshll.u32 @!p0 s1, $0xE  }
0xb0: {  	s7 =	sor.u32 @!p0 $0x4000, s7;
	s6 =	simm.s32 @!p0 $0x1B8D  }
0xb1: {  	s5 =	sshll.u32 @!p0 s5, $0x11;
	s7 =	sadd.s32 @!p0 $0x11B8D, s7;
	_ =	swait.eq @!p0 [sflag:s6], $0x1  }
0xb2: {  	s5 =	sor.u32 @!p0 s5, s7;
	[sflag:s6] =	ssyncadd.s32 @!p0 $0xFFFFFFFF  }
0xb3: {  	s25 =	simm.s32 $0x1B8E;
	s24 =	sld [smem:$0x3FFE];
	[sflag:s5] =	ssyncadd.remote.s32 @!p0 $0x1  }
0xb4: {  	s26 =	simm.s32 $execute0_lowered;
	[smem:$0x3FD2] =	sst s25  }
0xb5: {  	s6 =	sshll.u32 s26, $0x1;
	_ =	strace $0x80000049;
	[dreg:$0x1] =	wrdreg $0xFFFFFFFF  }
0xb6: {  	s28 =	simm.s32 $_size_execute0_lowered;
	s4 =	sadd.s32 s4, s6;
	[dreg:$0x0] =	wrdreg $0x0  }
0xb7: {  	s6 =	sshll.u32 s28, $0x1;
	[dreg:$0x2] =	wrdreg s4  }
0xb8: {  	[dreg:$0x3] =	wrdreg s6  }
0xb9: {  	[dreg:$0x4] =	wrdreg $0xC0  }
0xba: {  	_ =	task [dreg:s22], $0x5FFFF  }
0xbb: {  	[dreg:$0x1] =	wrdreg $0xFFFFFFFF  }
0xbc: {  	[dreg:$0x0] =	wrdreg $0x60  }
0xbd: {  	[dreg:$0x2] =	wrdreg s24  }
0xbe: {  	[dreg:$0x3] =	wrdreg s18  }
0xbf: {  	[dreg:$0x4] =	wrdreg $0x41000  }
0xc0: {  	[dreg:$0x5] =	wrdreg $0x9  }
0xc1: {  	_ =	task.clear_ibuf [dreg:s22], $0x6FFFF;
	_ =	strace $0x90000049  }
0xc2: {  	s29 =	simm.s32 $0x9;
	_ =	strace $0x8000004B  }
0xc3: {  	_ =	swait.ge [sflag:s29], $0x1  }
0xc4: {  	[sflag:s29] =	ssyncadd.s32 $0xFFFFFFFF  }
0xc5: {  	_ =	strace $0x9000004B  }
0xc6: {  	_ =	sfence  }
0xc7: {  	s30 =	sld [smem:$0x0];
	_ =	sdelay $0x2  }
0xc8: {  	s31 =	sshll.u32 s1, $0xD;
	s1 =	sshrl.u32 s1, $0x2  }
0xc9: {  	s4 =	sand.u32 $0x4000, s31;
	s1 =	sadd.s32 s1, s30  }
0xca: {  	s0 =	sor.u32 s4, s0;
	s1 =	sshll.u32 s1, $0x11  }
0xcb: {  	s0 =	sor.u32 s1, s0  }
0xcc: {  	s0 =	sadd.s32 $0x8F2B, s0  }
0xcd: {  	[sflag:s0] =	ssyncadd.remote.s32 $0x1  }
0xce: {  	_ =	sfence.sel $0xFFFF  }
0xcf: {  	[dreg:$0x0] =	wrdreg $0xFFFFFFFF;
	(pc) =	sbr.abs _section_cstart, $3  }
0xd0: {  	[dreg:$0x1] =	wrdreg $0xFFFFFFFF  }
0xd1: {  	_ =	task.clear_ibuf [dreg:s22], $0x2FFFF;
	_ =	strace $0x9FFFFFFF  }
0xd2: {  	(tm) =	ssettm $0x7FFFFFFF  }
0xd3: {  	_ =	shalt  }
tec
execute0_lowered:
.L_overlay_start_1:
0x0: {  	(tag) =	ssettag $0x1  }
0x1: {  	s7 =	rddreg [dreg:$0x0]  }
0x2: {  	s1 =	rddreg [dreg:$0x1]  }
0x3: {  	s3 =	rddreg [dreg:$0x2]  }
0x4: {  	s0 =	rddreg [dreg:$0x3]  }
0x5: {  	s4 =	simm.s32 $0x0;
	s2 =	stileid.u32;
	s6 =	srdreg.scid  }
0x6: {  	s15 =	simm.s32 $0x80;
	s17 =	simm.s32 $0x0;
	s5 =	smul.u32 $0xA00, s2  }
0x7: {  	[smem:$0x7FF] =	sst s4;
	s11 =	sand.u32 $0x1, s6;
	s8 =	smul.u32 $0x50000, s2  }
0x8: {  	s6 =	sadd.s32 $0xAE000, s7;
	s13 =	sshll.u32 s2, $0x6;
	_ =	strace $0x8000004A  }
0x9: {  	s10 =	ssub.s32 $0x2, s11;
	p0 =	seq.s32 s11, $0x0;
	s11 =	simm.s32 $0x100  }
.Ltmp0:
0xa: {  	s13 =	sor.u32 $0x1C01, s13;
	s9 =	sadd.s32 s5, s7;
	(pc) =	sbr.rel .LBB2_1-.Ltmp0, $4  }
0xb: {  	s5 =	sadd.s32 $0xAD800, s7;
	s12 =	sshrl.u32 s10, $0x1;
	s8 =	sshrl.u32 s8, $0x2  }
0xc: {  	s7 =	sadd.s32 $0xD6000, s7;
	s10 =	ssub.s32 s10, s12;
	s14 =	sadd.s32 s8, s3  }
0xd: {  	s8 =	sadd.s32 $0x53800, s9;
	s9 =	smul.u32 $0x2800, s2;
	s12 =	simm.s32 $0x1  }
0xe: {  	s10 =	smax.u32 s10, $0x1;
	s14 =	sshrl.u32 s14, $0x3;
	s16 =	sadd.s32 $0x500, s8  }
.LBB2_7:
0xf: {  	s18 =	sadd.s32 s18, s16;
	[sflag:s12] =	ssyncadd.s32 $0xFFFFC000  }
0x10: {  	[tilespmem:s4], [sflag:$0x1] =	stream.linear.gather [hbm4b:s18+s4], $0x100, $0x38;
	[tilespmem:$0x18100] =	vst v63  }
0x11: {  	_ =	swait.ge [sflag:s12], $0x100  }
0x12: {  	[sflag:s12] =	ssyncset.done $0x0  }
0x13: {  	[sflag:s12] =	ssyncadd.s32 $0xFFFFFF00  }
0x14: {  	[spmem:s3] =	stream.indirect.scatter.add.f32 [tilespmem:s11], [sflag:$0x1], $0x80, s15, s15, $0xb8;
	[tilespmem:$0x18100] =	vst v63  }
0x15: {  	_ =	swait.ge [sflag:s12], $0x4000  }
0x16: {  	[sflag:s12] =	ssyncset.done $0x0  }
0x17: {  	s18 =	smov.u32 s7;
	[sflag:s12] =	ssyncadd.s32 $0xFFFFC000  }
.LBB2_8:
0x18: {  	s17 =	sadd.s32 $0x1, s17  }
0x19: {  	p1 =	sne.s32 s17, s10  }
.Ltmp1:
0x1a: {  	s18 =	sadd.s32 s18, s9;
	[bflag:$0x0] =	sbarrier.arrive $0xFFFF;
	(pc) =	sbr.rel @!p1 .LBB2_9-.Ltmp1, $4  }
0x1b: {  	[hbm:s18], [sflag:s13] =	dma.local [spmem:s14], $0x2800  }
0x1c: {  	_ =	swait.ge [sflag:s12], $0x2800  }
0x1d: {  	[sflag:s12] =	ssyncset.done $0x0  }
0x1e: {  	[sflag:s12] =	ssyncadd.s32 $0xFFFFD800  }
.LBB2_1:
0x1f: {  	[tilespmem:s11], [sflag:$0x1] =	stream.linear.gather [hbm4b:s5+s4], $0x4000, $0x38;
	[tilespmem:$0x18100] =	vst v63  }
0x20: {  	_ =	swait.ge [sflag:s12], $0x4000  }
0x21: {  	[sflag:s12] =	ssyncset.done $0x0  }
0x22: {  	[sflag:s12] =	ssyncadd.s32 $0xFFFFC000  }
0x23: {  	[spmem:s14], [sflag:s13] =	dma.local [hbm:s1], $0x2800  }
.Ltmp2:
0x24: {  	_ =	swait.ge [sflag:s12], $0x2800;
	(pc) =	sbr.rel @!p0 .LBB2_5-.Ltmp2, $3  }
0x25: {  	[sflag:s12] =	ssyncset.done $0x0  }
0x26: {  	[sflag:s12] =	ssyncadd.s32 $0xFFFFD800  }
0x27: {  	[bflag:$0x0] =	sbarrier.arrive $0xFFFF;
	_ =	sdelay $0x1  }
0x28: {  	s18 =	sadd.s32 $0x0, s8  }
0x29: {  	[tilespmem:s4], [sflag:$0x1] =	stream.linear.gather [hbm4b:s18+s4], $0x100, $0x38;
	[tilespmem:$0x18100] =	vst v63  }
0x2a: {  	_ =	swait.ge [sflag:s12], $0x100  }
0x2b: {  	[sflag:s12] =	ssyncset.done $0x0  }
0x2c: {  	[sflag:s12] =	ssyncadd.s32 $0xFFFFFF00  }
0x2d: {  	[spmem:s3] =	stream.indirect.scatter.add.f32 [tilespmem:s11], [sflag:$0x1], $0x80, s15, s15, $0xb8;
	[tilespmem:$0x18100] =	vst v63  }
0x2e: {  	_ =	swait.ge [sflag:s12], $0x4000  }
0x2f: {  	s19 =	simm.s32 $0x40;
	s18 =	simm.s32 $0x20;
	[sflag:s12] =	ssyncset.done $0x0  }
.LBB2_3:
0x30: {  	s20 =	sadd.s32 s18, s8  }
0x31: {  	[sflag:s12] =	ssyncadd.s32 $0xFFFFC000;
	s18 =	smov.u32 s19;
	s21 =	sadd.s32 $0x20, s19  }
0x32: {  	[tilespmem:s4], [sflag:$0x1] =	stream.linear.gather [hbm4b:s20+s4], $0x100, $0x38;
	[tilespmem:$0x18100] =	vst v63  }
0x33: {  	p1 =	seq.s32 s19, $0x4E0;
	_ =	swait.ge [sflag:s12], $0x100  }
.Ltmp3:
0x34: {  	[sflag:s12] =	ssyncset.done $0x0;
	(pc) =	sbr.rel @!p1 .LBB2_3-.Ltmp3, $4  }
0x35: {  	[sflag:s12] =	ssyncadd.s32 $0xFFFFFF00  }
0x36: {  	[spmem:s3] =	stream.indirect.scatter.add.f32 [tilespmem:s11], [sflag:$0x1], $0x80, s15, s15, $0xb8;
	[tilespmem:$0x18100] =	vst v63  }
0x37: {  	_ =	swait.ge [sflag:s12], $0x4000  }
0x38: {  	s19 =	smov.u32 s21;
	[sflag:s12] =	ssyncset.done $0x0  }
0x39: {  	s18 =	sadd.s32 s18, s8;
	[sflag:s12] =	ssyncadd.s32 $0xFFFFC000  }
0x3a: {  	[tilespmem:s4], [sflag:$0x1] =	stream.linear.gather [hbm4b:s18+s4], $0x100, $0x38;
	[tilespmem:$0x18100] =	vst v63  }
0x3b: {  	_ =	swait.ge [sflag:s12], $0x100  }
0x3c: {  	[sflag:s12] =	ssyncset.done $0x0  }
.Ltmp4:
0x3d: {  	[sflag:s12] =	ssyncadd.s32 $0xFFFFFF00;
	(pc) =	sbr.rel .LBB2_8-.Ltmp4, $4  }
0x3e: {  	[spmem:s3] =	stream.indirect.scatter.add.f32 [tilespmem:s11], [sflag:$0x1], $0x80, s15, s15, $0xb8;
	[tilespmem:$0x18100] =	vst v63  }
0x3f: {  	_ =	swait.ge [sflag:s12], $0x4000  }
0x40: {  	[sflag:s12] =	ssyncset.done $0x0  }
0x41: {  	s18 =	smov.u32 s6;
	[sflag:s12] =	ssyncadd.s32 $0xFFFFC000  }
.LBB2_5:
0x42: {  	s18 =	sadd.s32 $0x0, s16  }
0x43: {  	[tilespmem:s4], [sflag:$0x1] =	stream.linear.gather [hbm4b:s18+s4], $0x100, $0x38;
	[tilespmem:$0x18100] =	vst v63  }
0x44: {  	_ =	swait.ge [sflag:s12], $0x100  }
0x45: {  	[sflag:s12] =	ssyncset.done $0x0  }
0x46: {  	[sflag:s12] =	ssyncadd.s32 $0xFFFFFF00  }
0x47: {  	[spmem:s3] =	stream.indirect.scatter.add.f32 [tilespmem:s11], [sflag:$0x1], $0x80, s15, s15, $0xb8;
	[tilespmem:$0x18100] =	vst v63  }
0x48: {  	_ =	swait.ge [sflag:s12], $0x4000  }
0x49: {  	s19 =	simm.s32 $0x40;
	s18 =	simm.s32 $0x20;
	[sflag:s12] =	ssyncset.done $0x0  }
.LBB2_6:
0x4a: {  	s20 =	sadd.s32 s18, s16  }
0x4b: {  	[sflag:s12] =	ssyncadd.s32 $0xFFFFC000;
	s18 =	smov.u32 s19;
	s21 =	sadd.s32 $0x20, s19  }
0x4c: {  	[tilespmem:s4], [sflag:$0x1] =	stream.linear.gather [hbm4b:s20+s4], $0x100, $0x38;
	[tilespmem:$0x18100] =	vst v63  }
0x4d: {  	p1 =	sne.s32 s19, $0x4E0;
	_ =	swait.ge [sflag:s12], $0x100  }
.Ltmp5:
0x4e: {  	[sflag:s12] =	ssyncset.done $0x0;
	(pc) =	sbr.rel @p1 .LBB2_6-.Ltmp5, $4  }
0x4f: {  	[sflag:s12] =	ssyncadd.s32 $0xFFFFFF00  }
0x50: {  	[spmem:s3] =	stream.indirect.scatter.add.f32 [tilespmem:s11], [sflag:$0x1], $0x80, s15, s15, $0xb8;
	[tilespmem:$0x18100] =	vst v63  }
0x51: {  	_ =	swait.ge [sflag:s12], $0x4000  }
0x52: {  	s19 =	smov.u32 s21;
	[sflag:s12] =	ssyncset.done $0x0  }
.Ltmp6:
0x53: {  	_ = 	snop;
	(pc) =	sbr.rel .LBB2_7-.Ltmp6, $1  }
0x54: {  	_ =	sdelay $0x3  }
.LBB2_9:
0x55: {  	_ =	sfence.sel $0x180000  }
0x56: {  	[bflag:$0x0] =	sbarrier.arrive $0xFFFF  }
0x57: {  	p0 =	sne.s32 s2, $0x0;
	_ =	strace $0x9000004A  }
0x58: {  	s0 =	sadd.s32 @!p0 $0x100000, s0;
	[bflag:$0x2] =	sbarrier.arrive $0xFFFF  }
0x59: {  	[sflag:s0] =	ssyncadd.tile.s32 @!p0 $0x1;
	_ =	shalt  }
.Lfunc_end2:
_tile_overlayer_lowered:
.L_overlay_start_2:
0x5a: {  	(tag) =	ssettag $0x2  }
0x5b: {  	s0 =	rddreg [dreg:$0x0];
	s2 =	stileid.u32  }
0x5c: {  	s1 =	rddreg [dreg:$0x1];
	p0 =	sne.s32 s2, $0x0  }
0x5d: {  	s3 =	rddreg [dreg:$0x2];
	[bflag:$0x3] =	sbarrier.arrive $0xFFFF;
	s2 =	simm.s32 @!p0 $0x1C01  }
0x5e: {  	[timem:s3], [sflag:s2] =	dma.local @!p0 [hbm:s0], s1  }
0x5f: {  	s0 =	simm.s32 @!p0 $0x1  }
0x60: {  	_ =	swait.ge @!p0 [sflag:s0], s1  }
0x61: {  	s1 =	ssub.s32 @!p0 $0x0, s1;
	[sflag:s0] =	ssyncset.done @!p0 $0x0  }
0x62: {  	[sflag:s0] =	ssyncadd.s32 @!p0 s1  }
0x63: {  	[bflag:$0x3] =	sbarrier.arrive $0xFFFF  }
0x64: {  	_ =	shalt  }

</sc_bundles>
